<compile_context>
chip_gen: v7x
topology: tpu7x:2x2x1
jax: 0.10.2.dev20260603
libtpu: 0.0.44.dev20260713+nightly
codegen_flags: <defaults>
</compile_context>

<pallas_src>
import functools

import jax
import jax.numpy as jnp
from jax import lax
from jax.experimental import pallas as pl
from jax.experimental.pallas import tpu as pltpu
from jax.experimental.pallas import tpu_sc as plsc

N = 50000
E = 800000
DE = 32
DN = 32
H = 64

EDGE_BLOCK = 6400
N_PAD = 50048
NODE_BLOCK = 2176


def _bf(x):
    return x.astype(jnp.bfloat16)


def _layer_norm_t(h, g, beta):
    mu = jnp.mean(h, axis=0, keepdims=True)
    var = jnp.mean((h - mu) ** 2, axis=0, keepdims=True)
    return (h - mu) * lax.rsqrt(var + 1e-5) * g + beta


def _edge_mlp_body(xt_ref, w1, b1, w2, b2, w3, b3, w4, b4, g, beta, packed_ref):
    xt = xt_ref[...]
    h = jnp.maximum(jnp.dot(_bf(w1[...]), _bf(xt), preferred_element_type=jnp.float32) + b1[...], 0.0)
    h = jnp.maximum(jnp.dot(_bf(w2[...]), _bf(h), preferred_element_type=jnp.float32) + b2[...], 0.0)
    h = jnp.maximum(jnp.dot(_bf(w3[...]), _bf(h), preferred_element_type=jnp.float32) + b3[...], 0.0)
    h = jnp.dot(_bf(w4[...]), _bf(h), preferred_element_type=jnp.float32) + b4[...]
    out = _layer_norm_t(h, g[...], beta[...])
    packed_ref[:, pl.ds(0, H)] = out.T


def _edge_mlp(x_edge, p0):
    W1, b1, W2, b2, W3, b3, W4, b4, g, beta = p0
    small = [W1.T, b1.reshape(-1, 1), W2.T, b2.reshape(-1, 1), W3.T, b3.reshape(-1, 1),
             W4.T, b4.reshape(-1, 1), g.reshape(-1, 1), beta.reshape(-1, 1)]
    grid = (E // EDGE_BLOCK,)
    full = lambda a: pl.BlockSpec(a.shape, lambda i: (0, 0))
    return pl.pallas_call(
        _edge_mlp_body,
        grid=grid,
        in_specs=[pl.BlockSpec((DE, EDGE_BLOCK), lambda i: (0, i))] + [full(a) for a in small],
        out_specs=pl.BlockSpec((EDGE_BLOCK, 2 * H), lambda i: (i, 0)),
        out_shape=jax.ShapeDtypeStruct((E, 2 * H), jnp.float32),
    )(x_edge.T, *small)


def _transpose_packed(packed):
    def body(p_ref, outt_ref):
        outt_ref[...] = p_ref[:, pl.ds(0, H)].T

    return pl.pallas_call(
        body,
        grid=(E // EDGE_BLOCK,),
        in_specs=[pl.BlockSpec((EDGE_BLOCK, 2 * H), lambda i: (i, 0))],
        out_specs=pl.BlockSpec((H, EDGE_BLOCK), lambda i: (0, i)),
        out_shape=jax.ShapeDtypeStruct((H, E), jnp.float32),
    )(packed)


def _node_mlp_body(xnt_ref, xa_ref, w1a, w1b, b1, w2, b2, w3, b3, w4, b4, g, beta, outt_ref):
    xat = xa_ref[...].T
    h = (jnp.dot(w1a[...], xnt_ref[...], preferred_element_type=jnp.float32)
         + jnp.dot(w1b[...], xat, preferred_element_type=jnp.float32) + b1[...])
    h = jnp.maximum(h, 0.0)
    h = jnp.maximum(jnp.dot(w2[...], h, preferred_element_type=jnp.float32) + b2[...], 0.0)
    h = jnp.maximum(jnp.dot(w3[...], h, preferred_element_type=jnp.float32) + b3[...], 0.0)
    h = jnp.dot(w4[...], h, preferred_element_type=jnp.float32) + b4[...]
    outt_ref[...] = _layer_norm_t(h, g[...], beta[...])


def _node_mlp(x_node, x_agg, p1):
    W1, b1, W2, b2, W3, b3, W4, b4, g, beta = p1
    small = [W1[:DN].T, W1[DN:].T, b1.reshape(-1, 1), W2.T, b2.reshape(-1, 1), W3.T,
             b3.reshape(-1, 1), W4.T, b4.reshape(-1, 1), g.reshape(-1, 1), beta.reshape(-1, 1)]
    grid = (N_PAD // NODE_BLOCK,)
    full = lambda a: pl.BlockSpec(a.shape, lambda i: (0, 0))
    xnt = jnp.pad(x_node.T, ((0, 0), (0, N_PAD - N)))
    return pl.pallas_call(
        _node_mlp_body,
        grid=grid,
        in_specs=[pl.BlockSpec((DN, NODE_BLOCK), lambda i: (0, i)),
                  pl.BlockSpec((NODE_BLOCK, H), lambda i: (i, 0))] + [full(a) for a in small],
        out_specs=pl.BlockSpec((H, NODE_BLOCK), lambda i: (0, i)),
        out_shape=jax.ShapeDtypeStruct((H, N_PAD), jnp.float32),
    )(xnt, x_agg, *small)


HALF = N // 2
ACC_ROWS = 25056
TRASH = HALF
C = 80
CHUNKS = (E // 16) // C
NBUF = 5
MAIN = (CHUNKS // NBUF) * NBUF
ZROWS = 54
ZREP = 29
OUT_PER_TILE = 1560


def _sc_scatter(x_edge1, eidxt):
    mesh = plsc.VectorSubcoreMesh(core_axis_name="c", subcore_axis_name="s",
                                  num_cores=2, num_subcores=16)

    @functools.partial(
        pl.kernel,
        out_type=jax.ShapeDtypeStruct((N_PAD, H), jnp.float32),
        mesh=mesh,
        compiler_params=pltpu.CompilerParams(use_tc_tiling_on_sc=False),
        scratch_types=[
            pltpu.VMEM_SHARED((ACC_ROWS, H), jnp.float32),
            [pltpu.VMEM((C, H), jnp.float32)] * NBUF,
            [pltpu.VMEM((C,), jnp.int32)] * NBUF,
            [pltpu.VMEM((C,), jnp.int32)] * NBUF,
            pltpu.VMEM((ZROWS, H), jnp.float32),
            [pltpu.SemaphoreType.DMA] * NBUF,
            [pltpu.SemaphoreType.DMA] * NBUF,
        ],
    )
    def scatter_kernel(xe_hbm, eidxt_hbm, out_hbm, acc_sh, rows_v, src_v, dst_v, zbuf,
                       load_sem, scat_sem):
        c = lax.axis_index("c")
        s = lax.axis_index("s")
        z16 = jnp.zeros((16,), jnp.float32)

        def zero_zbuf(i, carry):
            for j in range(H // 16):
                zbuf[i, pl.ds(j * 16, 16)] = z16
            return carry
        lax.fori_loop(0, ZROWS, zero_zbuf, 0)

        def zero_acc(k, carry):
            pltpu.sync_copy(zbuf, acc_sh.at[pl.ds(s * (ZROWS * ZREP) + k * ZROWS, ZROWS)])
            return carry
        lax.fori_loop(0, ZREP, zero_acc, 0)
        plsc.subcore_barrier()

        lo = c * HALF
        tile_base = s * (C * CHUNKS)

        def clamp(buf):
            for g in range(C // 16):
                v = buf[pl.ds(g * 16, 16)] - lo
                buf[pl.ds(g * 16, 16)] = jnp.where((v >= 0) & (v < HALF), v,
                                                   TRASH + (v & 31) + s)

        def issue_loads(k, b):
            base = tile_base + k * C
            pltpu.async_copy(xe_hbm.at[pl.ds(base, C), pl.ds(0, H)], rows_v[b], load_sem[b])
            pltpu.async_copy(eidxt_hbm.at[0, pl.ds(base, C)], src_v[b], load_sem[b])
            pltpu.async_copy(eidxt_hbm.at[1, pl.ds(base, C)], dst_v[b], load_sem[b])

        def drain_loads(b):
            pltpu.make_async_copy(xe_hbm.at[pl.ds(0, C), pl.ds(0, H)], rows_v[b], load_sem[b]).wait()
            pltpu.make_async_copy(eidxt_hbm.at[0, pl.ds(0, C)], src_v[b], load_sem[b]).wait()
            pltpu.make_async_copy(eidxt_hbm.at[1, pl.ds(0, C)], dst_v[b], load_sem[b]).wait()

        def drain_scats(b):
            pltpu.make_async_copy(rows_v[b], acc_sh.at[src_v[b]], scat_sem[b]).wait()
            pltpu.make_async_copy(rows_v[b], acc_sh.at[dst_v[b]], scat_sem[b]).wait()

        issue_loads(0, 0)
        issue_loads(1, 1)

        def outer_body(t, carry):
            for b in range(NBUF):
                k = t * NBUF + b
                nb = (b + 2) % NBUF

                @pl.when(k >= NBUF - 2)
                def _drain():
                    drain_scats(nb)

                @pl.when(k + 2 < MAIN)
                def _prefetch():
                    issue_loads(k + 2, nb)

                drain_loads(b)
                clamp(src_v[b])
                clamp(dst_v[b])
                pltpu.async_copy(rows_v[b], acc_sh.at[src_v[b]], scat_sem[b], add=True)
                pltpu.async_copy(rows_v[b], acc_sh.at[dst_v[b]], scat_sem[b], add=True)
            return carry
        lax.fori_loop(0, MAIN // NBUF, outer_body, 0)
        for j in range(MAIN - (NBUF - 2), MAIN):
            drain_scats(j % NBUF)

        for k in range(MAIN, CHUNKS):
            base = tile_base + k * C
            pltpu.sync_copy(eidxt_hbm.at[0, pl.ds(base, C)], src_v[0])
            pltpu.sync_copy(eidxt_hbm.at[1, pl.ds(base, C)], dst_v[0])
            pltpu.sync_copy(xe_hbm.at[pl.ds(base, C), pl.ds(0, H)], rows_v[0])
            clamp(src_v[0])
            clamp(dst_v[0])
            pltpu.sync_copy(rows_v[0], acc_sh.at[src_v[0]], add=True)
            pltpu.sync_copy(rows_v[0], acc_sh.at[dst_v[0]], add=True)
        plsc.subcore_barrier()

        pltpu.sync_copy(acc_sh.at[pl.ds(s * OUT_PER_TILE, OUT_PER_TILE)],
                        out_hbm.at[pl.ds(c * HALF + s * OUT_PER_TILE, OUT_PER_TILE)])

        @pl.when(s == 0)
        def _copy_tail():
            pltpu.sync_copy(acc_sh.at[pl.ds(16 * OUT_PER_TILE, HALF - 16 * OUT_PER_TILE)],
                            out_hbm.at[pl.ds(c * HALF + 16 * OUT_PER_TILE,
                                             HALF - 16 * OUT_PER_TILE)])

    return scatter_kernel(x_edge1, eidxt)


def kernel(x_node, x_edge, edge_index, p0, p1):
    x_edge1_packed = _edge_mlp(x_edge, p0)
    x_agg = _sc_scatter(x_edge1_packed, edge_index.T)
    x_edge1_t = _transpose_packed(x_edge1_packed)
    x_node3_t = _node_mlp(x_node, x_agg, p1)
    return (x_node3_t[:, :N].T, x_edge1_t.T)

# --- scband reference (transcript-rebuilt; emitter-appended) ---
"""Pipeline reference for scband-encoder-block-45509473468812 (READ-ONLY COPY).

The authoritative reference and input builder live on the scoring server;
editing this copy changes nothing except your own understanding.
"""

import jax, jax.numpy as jnp
import numpy as np

N = 50000
E = 800000
DE = 32
DN = 32
H = 64


def _mlp(x, p):
    W1, b1, W2, b2, W3, b3, W4, b4, g, beta = p
    h = jax.nn.relu(x @ W1 + b1)
    h = jax.nn.relu(h @ W2 + b2)
    h = jax.nn.relu(h @ W3 + b3)
    h = h @ W4 + b4
    mu = jnp.mean(h, axis=-1, keepdims=True)
    var = jnp.mean((h - mu) ** 2, axis=-1, keepdims=True)
    return (h - mu) / jnp.sqrt(var + 1e-5) * g + beta


def _make_mlp_params(key, din, h):
    ks = jax.random.split(key, 4)
    dims = [(din, h), (h, h), (h, h), (h, h)]
    p = []
    for k, (a, b) in zip(ks, dims):
        p.append(jax.random.normal(k, (a, b), dtype=jnp.float32) * (1.0 / np.sqrt(a)))
        p.append(jnp.zeros((b,), dtype=jnp.float32))
    p.append(jnp.ones((h,), dtype=jnp.float32))   # LayerNorm gamma
    p.append(jnp.zeros((h,), dtype=jnp.float32))  # LayerNorm beta
    return tuple(p)


def setup_inputs(seed: int = 0):
    key = jax.random.key(seed)
    k1, k2, k3, k4, k5 = jax.random.split(key, 5)
    return {
        "x_node": jax.random.normal(k1, (N, DN), dtype=jnp.float32),
        "x_edge": jax.random.normal(k2, (E, DE), dtype=jnp.float32),
        "edge_index": jax.random.randint(k3, (E, 2), 0, N, dtype=jnp.int32),
        "p0": _make_mlp_params(k4, DE, H),
        "p1": _make_mlp_params(k5, H + DN, H),
    }


def reference(x_node, x_edge, edge_index, p0, p1):
    # mlp0 on edge features (4-layer MLP + LayerNorm)
    x_edge1 = _mlp(x_edge, p0)
    n = x_node.shape[0]
    # scatter_add from both endpoints into node accumulator
    x_node1 = jax.ops.segment_sum(x_edge1, edge_index[:, 0], num_segments=n)
    x_node1 = x_node1 + jax.ops.segment_sum(x_edge1, edge_index[:, 1], num_segments=n)
    # concat original node features with aggregated edge messages
    x_node2 = jnp.concatenate([x_node, x_node1], axis=1)
    x_node3 = _mlp(x_node2, p1)
    return (x_node3, x_edge1)

if __name__ == "__main__":
    import jax
    _d = setup_inputs()
    print(jax.jit(kernel)(*tuple(_d.values())))

</pallas_src>

<mosaic_0001>
#map = affine_map<(d0, d1) -> (0, 0)>
module attributes {stable_mosaic.version = 14 : i64} {
  func.func @scatter_kernel(%arg0: i32, %arg1: i32, %arg2: memref<800000x128xf32, #tpu.memory_space<hbm>>, %arg3: memref<2x800000xi32, #tpu.memory_space<hbm>>, %arg4: memref<50048x64xf32, #tpu.memory_space<hbm>>, %arg5: memref<25056x64xf32, #tpu.memory_space<vmem_shared>>, %arg6: memref<80x64xf32, #tpu.memory_space<vmem>>, %arg7: memref<80x64xf32, #tpu.memory_space<vmem>>, %arg8: memref<80x64xf32, #tpu.memory_space<vmem>>, %arg9: memref<80x64xf32, #tpu.memory_space<vmem>>, %arg10: memref<80x64xf32, #tpu.memory_space<vmem>>, %arg11: memref<80xi32, #tpu.memory_space<vmem>>, %arg12: memref<80xi32, #tpu.memory_space<vmem>>, %arg13: memref<80xi32, #tpu.memory_space<vmem>>, %arg14: memref<80xi32, #tpu.memory_space<vmem>>, %arg15: memref<80xi32, #tpu.memory_space<vmem>>, %arg16: memref<80xi32, #tpu.memory_space<vmem>>, %arg17: memref<80xi32, #tpu.memory_space<vmem>>, %arg18: memref<80xi32, #tpu.memory_space<vmem>>, %arg19: memref<80xi32, #tpu.memory_space<vmem>>, %arg20: memref<80xi32, #tpu.memory_space<vmem>>, %arg21: memref<54x64xf32, #tpu.memory_space<vmem>>, %arg22: memref<!tpu.dma_semaphore, #tpu.memory_space<semaphore_mem>>, %arg23: memref<!tpu.dma_semaphore, #tpu.memory_space<semaphore_mem>>, %arg24: memref<!tpu.dma_semaphore, #tpu.memory_space<semaphore_mem>>, %arg25: memref<!tpu.dma_semaphore, #tpu.memory_space<semaphore_mem>>, %arg26: memref<!tpu.dma_semaphore, #tpu.memory_space<semaphore_mem>>, %arg27: memref<!tpu.dma_semaphore, #tpu.memory_space<semaphore_mem>>, %arg28: memref<!tpu.dma_semaphore, #tpu.memory_space<semaphore_mem>>, %arg29: memref<!tpu.dma_semaphore, #tpu.memory_space<semaphore_mem>>, %arg30: memref<!tpu.dma_semaphore, #tpu.memory_space<semaphore_mem>>, %arg31: memref<!tpu.dma_semaphore, #tpu.memory_space<semaphore_mem>>) attributes {dimension_semantics = [#tpu.dimension_semantics<core_parallel>, #tpu.dimension_semantics<subcore_parallel>], iteration_bounds = array<i64: 2, 16>, scalar_prefetch = 0 : i64, scratch_operands = 27 : i64, tpu.core_type = #tpu.core_type<sc_vector_subcore>, window_params = [{transform_indices = #map}, {transform_indices = #map}, {transform_indices = #map}]} {
    %broadcast_in_dim3A = arith.constant 0.000000e+00 : f32
    %broadcast_in_dim3A_0 = vector.broadcast %broadcast_in_dim3A : f32 to vector<16xf32>
    %scan3A = arith.constant 0 : i32
    %scan3A_1 = arith.constant 0 : i32
    %scan3A_2 = arith.constant 54 : i32
    %scan3A_3 = arith.addi %scan3A_1, %scan3A_2 : i32
    %scan3A_4 = arith.constant 1 : i32
    scf.for %scan3A_78 = %scan3A_1 to %scan3A_3 step %scan3A_4  : i32 {
      %swap3A = arith.index_cast %scan3A_78 : i32 to index
      %swap3A_79 = arith.constant 0 : index
      %swap3A_80 = tpu.vector_load %arg21[%swap3A, %swap3A_79] {strides = array<i32>} : memref<54x64xf32, #tpu.memory_space<vmem>>, vector<1x16xf32>,
      %swap3A_81 = vector.shape_cast %swap3A_80 : vector<1x16xf32> to vector<16xf32>
      %swap3A_82 = vector.shape_cast %broadcast_in_dim3A_0 : vector<16xf32> to vector<1x16xf32>
      tpu.vector_store %arg21[%swap3A, %swap3A_79], %swap3A_82 {strides = array<i32>} : memref<54x64xf32, #tpu.memory_space<vmem>>, vector<1x16xf32>,
      %swap3A_83 = arith.index_cast %scan3A_78 : i32 to index
      %swap3A_84 = arith.constant 16 : index
      %swap3A_85 = tpu.vector_load %arg21[%swap3A_83, %swap3A_84] {strides = array<i32>} : memref<54x64xf32, #tpu.memory_space<vmem>>, vector<1x16xf32>,
      %swap3A_86 = vector.shape_cast %swap3A_85 : vector<1x16xf32> to vector<16xf32>
      %swap3A_87 = vector.shape_cast %broadcast_in_dim3A_0 : vector<16xf32> to vector<1x16xf32>
      tpu.vector_store %arg21[%swap3A_83, %swap3A_84], %swap3A_87 {strides = array<i32>} : memref<54x64xf32, #tpu.memory_space<vmem>>, vector<1x16xf32>,
      %swap3A_88 = arith.index_cast %scan3A_78 : i32 to index
      %swap3A_89 = arith.constant 32 : index
      %swap3A_90 = tpu.vector_load %arg21[%swap3A_88, %swap3A_89] {strides = array<i32>} : memref<54x64xf32, #tpu.memory_space<vmem>>, vector<1x16xf32>,
      %swap3A_91 = vector.shape_cast %swap3A_90 : vector<1x16xf32> to vector<16xf32>
      %swap3A_92 = vector.shape_cast %broadcast_in_dim3A_0 : vector<16xf32> to vector<1x16xf32>
      tpu.vector_store %arg21[%swap3A_88, %swap3A_89], %swap3A_92 {strides = array<i32>} : memref<54x64xf32, #tpu.memory_space<vmem>>, vector<1x16xf32>,
      %swap3A_93 = arith.index_cast %scan3A_78 : i32 to index
      %swap3A_94 = arith.constant 48 : index
      %swap3A_95 = tpu.vector_load %arg21[%swap3A_93, %swap3A_94] {strides = array<i32>} : memref<54x64xf32, #tpu.memory_space<vmem>>, vector<1x16xf32>,
      %swap3A_96 = vector.shape_cast %swap3A_95 : vector<1x16xf32> to vector<16xf32>
      %swap3A_97 = vector.shape_cast %broadcast_in_dim3A_0 : vector<16xf32> to vector<1x16xf32>
      tpu.vector_store %arg21[%swap3A_93, %swap3A_94], %swap3A_97 {strides = array<i32>} : memref<54x64xf32, #tpu.memory_space<vmem>>, vector<1x16xf32>,
    }
    %scan3A_5 = arith.constant 54 : i32
    %scan3A_6 = arith.constant 0 : i32
    %scan3A_7 = arith.constant 0 : i32
    %scan3A_8 = arith.constant 29 : i32
    %scan3A_9 = arith.addi %scan3A_7, %scan3A_8 : i32
    %scan3A_10 = arith.constant 1 : i32
    scf.for %scan3A_78 = %scan3A_7 to %scan3A_9 step %scan3A_10  : i32 {
      %mul3A_79 = arith.constant 1566 : i32
      %mul3A_80 = arith.muli %arg1, %mul3A_79 : i32
      %mul3A_81 = arith.constant 54 : i32
      %mul3A_82 = arith.muli %scan3A_78, %mul3A_81 : i32
      %add3A_83 = arith.addi %mul3A_80, %mul3A_82 : i32
      "tpu.region"() ({
        %run_scoped3A = tpu.sem_alloc : memref<!tpu.dma_semaphore, #tpu.memory_space<semaphore_mem>>
        %dma_start3A_84 = arith.constant 0 : i32
        %dma_start3A_85 = tpu.memref_slice %arg5[%add3A_83, %dma_start3A_84] : memref<25056x64xf32, #tpu.memory_space<vmem_shared>> -> memref<54x64xf32, #tpu.memory_space<vmem_shared>>
        %dma_start3A_86 = arith.constant 0 : i32
        %dma_start3A_87 = tpu.memref_slice %arg5[%add3A_83, %dma_start3A_86] : memref<25056x64xf32, #tpu.memory_space<vmem_shared>> -> memref<54x64xf32, #tpu.memory_space<vmem_shared>>
        tpu.enqueue_dma source(%arg21 : memref<54x64xf32, #tpu.memory_space<vmem>>) target(%dma_start3A_87 : memref<54x64xf32, #tpu.memory_space<vmem_shared>>) target_semaphore(%run_scoped3A : memref<!tpu.dma_semaphore, #tpu.memory_space<semaphore_mem>>)
        %dma_wait3A_88 = arith.constant 0 : i32
        %dma_wait3A_89 = tpu.memref_slice %arg5[%add3A_83, %dma_wait3A_88] : memref<25056x64xf32, #tpu.memory_space<vmem_shared>> -> memref<54x64xf32, #tpu.memory_space<vmem_shared>>
        %dma_wait3A_90 = arith.constant 0 : i32
        %dma_wait3A_91 = tpu.memref_slice %arg5[%add3A_83, %dma_wait3A_90] : memref<25056x64xf32, #tpu.memory_space<vmem_shared>> -> memref<54x64xf32, #tpu.memory_space<vmem_shared>>
        tpu.wait_dma2 semaphore(%run_scoped3A : memref<!tpu.dma_semaphore, #tpu.memory_space<semaphore_mem>>) src(%arg21 : memref<54x64xf32, #tpu.memory_space<vmem>>) dst(%dma_wait3A_91 : memref<54x64xf32, #tpu.memory_space<vmem_shared>>)
        tpu.yield
      }) : () -> ()
    }
    %scan3A_11 = arith.constant 29 : i32
    %barrier3A = arith.constant 0 : index
    tpu.barrier barrier_id(%barrier3A)
    %mul3A = arith.constant 25000 : i32
    %mul3A_12 = arith.muli %arg0, %mul3A : i32
    %mul3A_13 = arith.constant 50000 : i32
    %mul3A_14 = arith.muli %arg1, %mul3A_13 : i32
    %add3A = arith.constant 0 : i32
    %add3A_15 = arith.addi %mul3A_14, %add3A : i32
    %dma_start3A = arith.constant 0 : i32
    %dma_start3A_16 = tpu.memref_slice %arg2[%add3A_15, %dma_start3A] : memref<800000x128xf32, #tpu.memory_space<hbm>> -> memref<80x64xf32, #tpu.memory_space<hbm>>
    %dma_start3A_17 = arith.constant 0 : i32
    %dma_start3A_18 = tpu.memref_slice %arg2[%add3A_15, %dma_start3A_17] : memref<800000x128xf32, #tpu.memory_space<hbm>> -> memref<80x64xf32, #tpu.memory_space<hbm>>
    tpu.enqueue_dma source(%dma_start3A_18 : memref<80x64xf32, #tpu.memory_space<hbm>>) target(%arg6 : memref<80x64xf32, #tpu.memory_space<vmem>>) target_semaphore(%arg22 : memref<!tpu.dma_semaphore, #tpu.memory_space<semaphore_mem>>)
    %dma_start3A_19 = arith.constant 0 : i32
    %dma_start3A_20 = tpu.memref_slice %arg3[%dma_start3A_19, %add3A_15] : memref<2x800000xi32, #tpu.memory_space<hbm>> -> memref<1x80xi32, #tpu.memory_space<hbm>>
    %dma_start3A_21 = tpu.memref_squeeze %dma_start3A_20 : memref<1x80xi32, #tpu.memory_space<hbm>> -> memref<80xi32, #tpu.memory_space<hbm>>
    %dma_start3A_22 = tpu.memref_slice %arg3[%dma_start3A_19, %add3A_15] : memref<2x800000xi32, #tpu.memory_space<hbm>> -> memref<1x80xi32, #tpu.memory_space<hbm>>
    %dma_start3A_23 = tpu.memref_squeeze %dma_start3A_22 : memref<1x80xi32, #tpu.memory_space<hbm>> -> memref<80xi32, #tpu.memory_space<hbm>>
    tpu.enqueue_dma source(%dma_start3A_23 : memref<80xi32, #tpu.memory_space<hbm>>) target(%arg11 : memref<80xi32, #tpu.memory_space<vmem>>) target_semaphore(%arg22 : memref<!tpu.dma_semaphore, #tpu.memory_space<semaphore_mem>>)
    %dma_start3A_24 = arith.constant 1 : i32
    %dma_start3A_25 = tpu.memref_slice %arg3[%dma_start3A_24, %add3A_15] : memref<2x800000xi32, #tpu.memory_space<hbm>> -> memref<1x80xi32, #tpu.memory_space<hbm>>
    %dma_start3A_26 = tpu.memref_squeeze %dma_start3A_25 : memref<1x80xi32, #tpu.memory_space<hbm>> -> memref<80xi32, #tpu.memory_space<hbm>>
    %dma_start3A_27 = tpu.memref_slice %arg3[%dma_start3A_24, %add3A_15] : memref<2x800000xi32, #tpu.memory_space<hbm>> -> memref<1x80xi32, #tpu.memory_space<hbm>>
    %dma_start3A_28 = tpu.memref_squeeze %dma_start3A_27 : memref<1x80xi32, #tpu.memory_space<hbm>> -> memref<80xi32, #tpu.memory_space<hbm>>
    tpu.enqueue_dma source(%dma_start3A_28 : memref<80xi32, #tpu.memory_space<hbm>>) target(%arg16 : memref<80xi32, #tpu.memory_space<vmem>>) target_semaphore(%arg22 : memref<!tpu.dma_semaphore, #tpu.memory_space<semaphore_mem>>)
    %add3A_29 = arith.constant 80 : i32
    %add3A_30 = arith.addi %mul3A_14, %add3A_29 : i32
    %dma_start3A_31 = arith.constant 0 : i32
    %dma_start3A_32 = tpu.memref_slice %arg2[%add3A_30, %dma_start3A_31] : memref<800000x128xf32, #tpu.memory_space<hbm>> -> memref<80x64xf32, #tpu.memory_space<hbm>>
    %dma_start3A_33 = arith.constant 0 : i32
    %dma_start3A_34 = tpu.memref_slice %arg2[%add3A_30, %dma_start3A_33] : memref<800000x128xf32, #tpu.memory_space<hbm>> -> memref<80x64xf32, #tpu.memory_space<hbm>>
    tpu.enqueue_dma source(%dma_start3A_34 : memref<80x64xf32, #tpu.memory_space<hbm>>) target(%arg7 : memref<80x64xf32, #tpu.memory_space<vmem>>) target_semaphore(%arg23 : memref<!tpu.dma_semaphore, #tpu.memory_space<semaphore_mem>>)
    %dma_start3A_35 = arith.constant 0 : i32
    %dma_start3A_36 = tpu.memref_slice %arg3[%dma_start3A_35, %add3A_30] : memref<2x800000xi32, #tpu.memory_space<hbm>> -> memref<1x80xi32, #tpu.memory_space<hbm>>
    %dma_start3A_37 = tpu.memref_squeeze %dma_start3A_36 : memref<1x80xi32, #tpu.memory_space<hbm>> -> memref<80xi32, #tpu.memory_space<hbm>>
    %dma_start3A_38 = tpu.memref_slice %arg3[%dma_start3A_35, %add3A_30] : memref<2x800000xi32, #tpu.memory_space<hbm>> -> memref<1x80xi32, #tpu.memory_space<hbm>>
    %dma_start3A_39 = tpu.memref_squeeze %dma_start3A_38 : memref<1x80xi32, #tpu.memory_space<hbm>> -> memref<80xi32, #tpu.memory_space<hbm>>
    tpu.enqueue_dma source(%dma_start3A_39 : memref<80xi32, #tpu.memory_space<hbm>>) target(%arg12 : memref<80xi32, #tpu.memory_space<vmem>>) target_semaphore(%arg23 : memref<!tpu.dma_semaphore, #tpu.memory_space<semaphore_mem>>)
    %dma_start3A_40 = arith.constant 1 : i32
    %dma_start3A_41 = tpu.memref_slice %arg3[%dma_start3A_40, %add3A_30] : memref<2x800000xi32, #tpu.memory_space<hbm>> -> memref<1x80xi32, #tpu.memory_space<hbm>>
    %dma_start3A_42 = tpu.memref_squeeze %dma_start3A_41 : memref<1x80xi32, #tpu.memory_space<hbm>> -> memref<80xi32, #tpu.memory_space<hbm>>
    %dma_start3A_43 = tpu.memref_slice %arg3[%dma_start3A_40, %add3A_30] : memref<2x800000xi32, #tpu.memory_space<hbm>> -> memref<1x80xi32, #tpu.memory_space<hbm>>
    %dma_start3A_44 = tpu.memref_squeeze %dma_start3A_43 : memref<1x80xi32, #tpu.memory_space<hbm>> -> memref<80xi32, #tpu.memory_space<hbm>>
    tpu.enqueue_dma source(%dma_start3A_44 : memref<80xi32, #tpu.memory_space<hbm>>) target(%arg17 : memref<80xi32, #tpu.memory_space<vmem>>) target_semaphore(%arg23 : memref<!tpu.dma_semaphore, #tpu.memory_space<semaphore_mem>>)
    %scan3A_45 = arith.constant 0 : i32
    %scan3A_46 = arith.constant 0 : i32
    %scan3A_47 = arith.constant 125 : i32
    %scan3A_48 = arith.addi %scan3A_46, %scan3A_47 : i32
    %scan3A_49 = arith.constant 1 : i32
    scf.for %scan3A_78 = %scan3A_46 to %scan3A_48 step %scan3A_49  : i32 {
      %mul3A_79 = arith.constant 5 : i32
      %mul3A_80 = arith.muli %scan3A_78, %mul3A_79 : i32
      %add3A_81 = arith.constant 0 : i32
      %add3A_82 = arith.addi %mul3A_80, %add3A_81 : i32
      %ge3A = arith.constant 3 : i32
      %ge3A_83 = arith.cmpi sge, %add3A_82, %ge3A : i32
      %convert_element_type3A_84 = arith.extui %ge3A_83 : i1 to i32
      %cond3A_85 = arith.constant 0 : i32
      %cond3A_86 = arith.cmpi ne, %convert_element_type3A_84, %cond3A_85 : i32
      scf.if %cond3A_86 {
        %dma_wait3A_1532 = arith.constant 0 : i32
        %dma_wait3A_1533 = arith.constant 0 : i32
        %dma_wait3A_1534 = tpu.memref_slice %arg5[%dma_wait3A_1532, %dma_wait3A_1533] : memref<25056x64xf32, #tpu.memory_space<vmem_shared>> -> memref<25056x64xf32, #tpu.memory_space<vmem_shared>>
        tpu.wait_indirect_dma semaphore(%arg29 : memref<!tpu.dma_semaphore, #tpu.memory_space<semaphore_mem>>) src(%arg8 : memref<80x64xf32, #tpu.memory_space<vmem>>) dst(%dma_wait3A_1534 : memref<25056x64xf32, #tpu.memory_space<vmem_shared>>)
        %dma_wait3A_1535 = arith.constant 0 : i32
        %dma_wait3A_1536 = arith.constant 0 : i32
        %dma_wait3A_1537 = tpu.memref_slice %arg5[%dma_wait3A_1535, %dma_wait3A_1536] : memref<25056x64xf32, #tpu.memory_space<vmem_shared>> -> memref<25056x64xf32, #tpu.memory_space<vmem_shared>>
        tpu.wait_indirect_dma semaphore(%arg29 : memref<!tpu.dma_semaphore, #tpu.memory_space<semaphore_mem>>) src(%arg8 : memref<80x64xf32, #tpu.memory_space<vmem>>) dst(%dma_wait3A_1537 : memref<25056x64xf32, #tpu.memory_space<vmem_shared>>)
      } else {
      }
      %add3A_87 = arith.constant 2 : i32
      %add3A_88 = arith.addi %add3A_82, %add3A_87 : i32
      %lt3A = arith.constant 625 : i32
      %lt3A_89 = arith.cmpi slt, %add3A_88, %lt3A : i32
      %convert_element_type3A_90 = arith.extui %lt3A_89 : i1 to i32
      %cond3A_91 = arith.constant 0 : i32
      %cond3A_92 = arith.cmpi ne, %convert_element_type3A_90, %cond3A_91 : i32
      scf.if %cond3A_92 {
        %add3A_1532 = arith.constant 2 : i32
        %add3A_1533 = arith.addi %add3A_82, %add3A_1532 : i32
        %mul3A_1534 = arith.constant 80 : i32
        %mul3A_1535 = arith.muli %add3A_1533, %mul3A_1534 : i32
        %add3A_1536 = arith.addi %mul3A_14, %mul3A_1535 : i32
        %dma_start3A_1537 = arith.constant 0 : i32
        %dma_start3A_1538 = tpu.memref_slice %arg2[%add3A_1536, %dma_start3A_1537] : memref<800000x128xf32, #tpu.memory_space<hbm>> -> memref<80x64xf32, #tpu.memory_space<hbm>>
        %dma_start3A_1539 = arith.constant 0 : i32
        %dma_start3A_1540 = tpu.memref_slice %arg2[%add3A_1536, %dma_start3A_1539] : memref<800000x128xf32, #tpu.memory_space<hbm>> -> memref<80x64xf32, #tpu.memory_space<hbm>>
        tpu.enqueue_dma source(%dma_start3A_1540 : memref<80x64xf32, #tpu.memory_space<hbm>>) target(%arg8 : memref<80x64xf32, #tpu.memory_space<vmem>>) target_semaphore(%arg24 : memref<!tpu.dma_semaphore, #tpu.memory_space<semaphore_mem>>)
        %dma_start3A_1541 = arith.constant 0 : i32
        %dma_start3A_1542 = tpu.memref_slice %arg3[%dma_start3A_1541, %add3A_1536] : memref<2x800000xi32, #tpu.memory_space<hbm>> -> memref<1x80xi32, #tpu.memory_space<hbm>>
        %dma_start3A_1543 = tpu.memref_squeeze %dma_start3A_1542 : memref<1x80xi32, #tpu.memory_space<hbm>> -> memref<80xi32, #tpu.memory_space<hbm>>
        %dma_start3A_1544 = tpu.memref_slice %arg3[%dma_start3A_1541, %add3A_1536] : memref<2x800000xi32, #tpu.memory_space<hbm>> -> memref<1x80xi32, #tpu.memory_space<hbm>>
        %dma_start3A_1545 = tpu.memref_squeeze %dma_start3A_1544 : memref<1x80xi32, #tpu.memory_space<hbm>> -> memref<80xi32, #tpu.memory_space<hbm>>
        tpu.enqueue_dma source(%dma_start3A_1545 : memref<80xi32, #tpu.memory_space<hbm>>) target(%arg13 : memref<80xi32, #tpu.memory_space<vmem>>) target_semaphore(%arg24 : memref<!tpu.dma_semaphore, #tpu.memory_space<semaphore_mem>>)
        %dma_start3A_1546 = arith.constant 1 : i32
        %dma_start3A_1547 = tpu.memref_slice %arg3[%dma_start3A_1546, %add3A_1536] : memref<2x800000xi32, #tpu.memory_space<hbm>> -> memref<1x80xi32, #tpu.memory_space<hbm>>
        %dma_start3A_1548 = tpu.memref_squeeze %dma_start3A_1547 : memref<1x80xi32, #tpu.memory_space<hbm>> -> memref<80xi32, #tpu.memory_space<hbm>>
        %dma_start3A_1549 = tpu.memref_slice %arg3[%dma_start3A_1546, %add3A_1536] : memref<2x800000xi32, #tpu.memory_space<hbm>> -> memref<1x80xi32, #tpu.memory_space<hbm>>
        %dma_start3A_1550 = tpu.memref_squeeze %dma_start3A_1549 : memref<1x80xi32, #tpu.memory_space<hbm>> -> memref<80xi32, #tpu.memory_space<hbm>>
        tpu.enqueue_dma source(%dma_start3A_1550 : memref<80xi32, #tpu.memory_space<hbm>>) target(%arg18 : memref<80xi32, #tpu.memory_space<vmem>>) target_semaphore(%arg24 : memref<!tpu.dma_semaphore, #tpu.memory_space<semaphore_mem>>)
      } else {
      }
      %dma_wait3A_93 = arith.constant 0 : i32
      %dma_wait3A_94 = arith.constant 0 : i32
      %dma_wait3A_95 = tpu.memref_slice %arg2[%dma_wait3A_93, %dma_wait3A_94] : memref<800000x128xf32, #tpu.memory_space<hbm>> -> memref<80x64xf32, #tpu.memory_space<hbm>>
      %dma_wait3A_96 = arith.constant 0 : i32
      %dma_wait3A_97 = arith.constant 0 : i32
      %dma_wait3A_98 = tpu.memref_slice %arg2[%dma_wait3A_96, %dma_wait3A_97] : memref<800000x128xf32, #tpu.memory_space<hbm>> -> memref<80x64xf32, #tpu.memory_space<hbm>>
      tpu.wait_dma2 semaphore(%arg22 : memref<!tpu.dma_semaphore, #tpu.memory_space<semaphore_mem>>) src(%dma_wait3A_98 : memref<80x64xf32, #tpu.memory_space<hbm>>) dst(%arg6 : memref<80x64xf32, #tpu.memory_space<vmem>>)
      %dma_wait3A_99 = arith.constant 0 : i32
      %dma_wait3A_100 = arith.constant 0 : i32
      %dma_wait3A_101 = tpu.memref_slice %arg3[%dma_wait3A_99, %dma_wait3A_100] : memref<2x800000xi32, #tpu.memory_space<hbm>> -> memref<1x80xi32, #tpu.memory_space<hbm>>
      %dma_wait3A_102 = tpu.memref_squeeze %dma_wait3A_101 : memref<1x80xi32, #tpu.memory_space<hbm>> -> memref<80xi32, #tpu.memory_space<hbm>>
      %dma_wait3A_103 = arith.constant 0 : i32
      %dma_wait3A_104 = tpu.memref_slice %arg3[%dma_wait3A_99, %dma_wait3A_103] : memref<2x800000xi32, #tpu.memory_space<hbm>> -> memref<1x80xi32, #tpu.memory_space<hbm>>
      %dma_wait3A_105 = tpu.memref_squeeze %dma_wait3A_104 : memref<1x80xi32, #tpu.memory_space<hbm>> -> memref<80xi32, #tpu.memory_space<hbm>>
      tpu.wait_dma2 semaphore(%arg22 : memref<!tpu.dma_semaphore, #tpu.memory_space<semaphore_mem>>) src(%dma_wait3A_105 : memref<80xi32, #tpu.memory_space<hbm>>) dst(%arg11 : memref<80xi32, #tpu.memory_space<vmem>>)
      %dma_wait3A_106 = arith.constant 1 : i32
      %dma_wait3A_107 = arith.constant 0 : i32
      %dma_wait3A_108 = tpu.memref_slice %arg3[%dma_wait3A_106, %dma_wait3A_107] : memref<2x800000xi32, #tpu.memory_space<hbm>> -> memref<1x80xi32, #tpu.memory_space<hbm>>
      %dma_wait3A_109 = tpu.memref_squeeze %dma_wait3A_108 : memref<1x80xi32, #tpu.memory_space<hbm>> -> memref<80xi32, #tpu.memory_space<hbm>>
      %dma_wait3A_110 = arith.constant 0 : i32
      %dma_wait3A_111 = tpu.memref_slice %arg3[%dma_wait3A_106, %dma_wait3A_110] : memref<2x800000xi32, #tpu.memory_space<hbm>> -> memref<1x80xi32, #tpu.memory_space<hbm>>
      %dma_wait3A_112 = tpu.memref_squeeze %dma_wait3A_111 : memref<1x80xi32, #tpu.memory_space<hbm>> -> memref<80xi32, #tpu.memory_space<hbm>>
      tpu.wait_dma2 semaphore(%arg22 : memref<!tpu.dma_semaphore, #tpu.memory_space<semaphore_mem>>) src(%dma_wait3A_112 : memref<80xi32, #tpu.memory_space<hbm>>) dst(%arg16 : memref<80xi32, #tpu.memory_space<vmem>>)
      %get3A = arith.constant 0 : index
      %get3A_113 = tpu.vector_load %arg11[%get3A] {strides = array<i32>} : memref<80xi32, #tpu.memory_space<vmem>>, vector<16xi32>,
      %get3A_114 = vector.shape_cast %get3A_113 : vector<16xi32> to vector<16xi32>
      %sub3A = vector.broadcast %mul3A_12 : i32 to vector<16xi32>
      %sub3A_115 = arith.subi %get3A_114, %sub3A : vector<16xi32>
      %ge3A_116 = arith.constant 0 : i32
      %ge3A_117 = vector.broadcast %ge3A_116 : i32 to vector<16xi32>
      %ge3A_118 = arith.cmpi sge, %sub3A_115, %ge3A_117 : vector<16xi32>
      %lt3A_119 = arith.constant 25000 : i32
      %lt3A_120 = vector.broadcast %lt3A_119 : i32 to vector<16xi32>
      %lt3A_121 = arith.cmpi slt, %sub3A_115, %lt3A_120 : vector<16xi32>
      %and3A = arith.andi %ge3A_118, %lt3A_121 : vector<16xi1>
      %and3A_122 = arith.constant 31 : i32
      %and3A_123 = vector.broadcast %and3A_122 : i32 to vector<16xi32>
      %and3A_124 = arith.andi %sub3A_115, %and3A_123 : vector<16xi32>
      %add3A_125 = arith.constant 25000 : i32
      %add3A_126 = vector.broadcast %add3A_125 : i32 to vector<16xi32>
      %add3A_127 = arith.addi %add3A_126, %and3A_124 : vector<16xi32>
      %add3A_128 = vector.broadcast %arg1 : i32 to vector<16xi32>
      %add3A_129 = arith.addi %add3A_127, %add3A_128 : vector<16xi32>
      %select_n3A = arith.select %and3A, %sub3A_115, %add3A_129 : vector<16xi1>, vector<16xi32>
      %swap3A = arith.constant 0 : index
      %swap3A_130 = tpu.vector_load %arg11[%swap3A] {strides = array<i32>} : memref<80xi32, #tpu.memory_space<vmem>>, vector<16xi32>,
      %swap3A_131 = vector.shape_cast %swap3A_130 : vector<16xi32> to vector<16xi32>
      %swap3A_132 = vector.shape_cast %select_n3A : vector<16xi32> to vector<16xi32>
      tpu.vector_store %arg11[%swap3A], %swap3A_132 {strides = array<i32>} : memref<80xi32, #tpu.memory_space<vmem>>, vector<16xi32>,
      %get3A_133 = arith.constant 16 : index
      %get3A_134 = tpu.vector_load %arg11[%get3A_133] {strides = array<i32>} : memref<80xi32, #tpu.memory_space<vmem>>, vector<16xi32>,
      %get3A_135 = vector.shape_cast %get3A_134 : vector<16xi32> to vector<16xi32>
      %sub3A_136 = vector.broadcast %mul3A_12 : i32 to vector<16xi32>
      %sub3A_137 = arith.subi %get3A_135, %sub3A_136 : vector<16xi32>
      %ge3A_138 = arith.constant 0 : i32
      %ge3A_139 = vector.broadcast %ge3A_138 : i32 to vector<16xi32>
      %ge3A_140 = arith.cmpi sge, %sub3A_137, %ge3A_139 : vector<16xi32>
      %lt3A_141 = arith.constant 25000 : i32
      %lt3A_142 = vector.broadcast %lt3A_141 : i32 to vector<16xi32>
      %lt3A_143 = arith.cmpi slt, %sub3A_137, %lt3A_142 : vector<16xi32>
      %and3A_144 = arith.andi %ge3A_140, %lt3A_143 : vector<16xi1>
      %and3A_145 = arith.constant 31 : i32
      %and3A_146 = vector.broadcast %and3A_145 : i32 to vector<16xi32>
      %and3A_147 = arith.andi %sub3A_137, %and3A_146 : vector<16xi32>
      %add3A_148 = arith.constant 25000 : i32
      %add3A_149 = vector.broadcast %add3A_148 : i32 to vector<16xi32>
      %add3A_150 = arith.addi %add3A_149, %and3A_147 : vector<16xi32>
      %add3A_151 = vector.broadcast %arg1 : i32 to vector<16xi32>
      %add3A_152 = arith.addi %add3A_150, %add3A_151 : vector<16xi32>
      %select_n3A_153 = arith.select %and3A_144, %sub3A_137, %add3A_152 : vector<16xi1>, vector<16xi32>
      %swap3A_154 = arith.constant 16 : index
      %swap3A_155 = tpu.vector_load %arg11[%swap3A_154] {strides = array<i32>} : memref<80xi32, #tpu.memory_space<vmem>>, vector<16xi32>,
      %swap3A_156 = vector.shape_cast %swap3A_155 : vector<16xi32> to vector<16xi32>
      %swap3A_157 = vector.shape_cast %select_n3A_153 : vector<16xi32> to vector<16xi32>
      tpu.vector_store %arg11[%swap3A_154], %swap3A_157 {strides = array<i32>} : memref<80xi32, #tpu.memory_space<vmem>>, vector<16xi32>,
      %get3A_158 = arith.constant 32 : index
      %get3A_159 = tpu.vector_load %arg11[%get3A_158] {strides = array<i32>} : memref<80xi32, #tpu.memory_space<vmem>>, vector<16xi32>,
      %get3A_160 = vector.shape_cast %get3A_159 : vector<16xi32> to vector<16xi32>
      %sub3A_161 = vector.broadcast %mul3A_12 : i32 to vector<16xi32>
      %sub3A_162 = arith.subi %get3A_160, %sub3A_161 : vector<16xi32>
      %ge3A_163 = arith.constant 0 : i32
      %ge3A_164 = vector.broadcast %ge3A_163 : i32 to vector<16xi32>
      %ge3A_165 = arith.cmpi sge, %sub3A_162, %ge3A_164 : vector<16xi32>
      %lt3A_166 = arith.constant 25000 : i32
      %lt3A_167 = vector.broadcast %lt3A_166 : i32 to vector<16xi32>
      %lt3A_168 = arith.cmpi slt, %sub3A_162, %lt3A_167 : vector<16xi32>
      %and3A_169 = arith.andi %ge3A_165, %lt3A_168 : vector<16xi1>
      %and3A_170 = arith.constant 31 : i32
      %and3A_171 = vector.broadcast %and3A_170 : i32 to vector<16xi32>
      %and3A_172 = arith.andi %sub3A_162, %and3A_171 : vector<16xi32>
      %add3A_173 = arith.constant 25000 : i32
      %add3A_174 = vector.broadcast %add3A_173 : i32 to vector<16xi32>
      %add3A_175 = arith.addi %add3A_174, %and3A_172 : vector<16xi32>
      %add3A_176 = vector.broadcast %arg1 : i32 to vector<16xi32>
      %add3A_177 = arith.addi %add3A_175, %add3A_176 : vector<16xi32>
      %select_n3A_178 = arith.select %and3A_169, %sub3A_162, %add3A_177 : vector<16xi1>, vector<16xi32>
      %swap3A_179 = arith.constant 32 : index
      %swap3A_180 = tpu.vector_load %arg11[%swap3A_179] {strides = array<i32>} : memref<80xi32, #tpu.memory_space<vmem>>, vector<16xi32>,
      %swap3A_181 = vector.shape_cast %swap3A_180 : vector<16xi32> to vector<16xi32>
      %swap3A_182 = vector.shape_cast %select_n3A_178 : vector<16xi32> to vector<16xi32>
      tpu.vector_store %arg11[%swap3A_179], %swap3A_182 {strides = array<i32>} : memref<80xi32, #tpu.memory_space<vmem>>, vector<16xi32>,
      %get3A_183 = arith.constant 48 : index
      %get3A_184 = tpu.vector_load %arg11[%get3A_183] {strides = array<i32>} : memref<80xi32, #tpu.memory_space<vmem>>, vector<16xi32>,
      %get3A_185 = vector.shape_cast %get3A_184 : vector<16xi32> to vector<16xi32>
      %sub3A_186 = vector.broadcast %mul3A_12 : i32 to vector<16xi32>
      %sub3A_187 = arith.subi %get3A_185, %sub3A_186 : vector<16xi32>
      %ge3A_188 = arith.constant 0 : i32
      %ge3A_189 = vector.broadcast %ge3A_188 : i32 to vector<16xi32>
      %ge3A_190 = arith.cmpi sge, %sub3A_187, %ge3A_189 : vector<16xi32>
      %lt3A_191 = arith.constant 25000 : i32
      %lt3A_192 = vector.broadcast %lt3A_191 : i32 to vector<16xi32>
      %lt3A_193 = arith.cmpi slt, %sub3A_187, %lt3A_192 : vector<16xi32>
      %and3A_194 = arith.andi %ge3A_190, %lt3A_193 : vector<16xi1>
      %and3A_195 = arith.constant 31 : i32
      %and3A_196 = vector.broadcast %and3A_195 : i32 to vector<16xi32>
      %and3A_197 = arith.andi %sub3A_187, %and3A_196 : vector<16xi32>
      %add3A_198 = arith.constant 25000 : i32
      %add3A_199 = vector.broadcast %add3A_198 : i32 to vector<16xi32>
      %add3A_200 = arith.addi %add3A_199, %and3A_197 : vector<16xi32>
      %add3A_201 = vector.broadcast %arg1 : i32 to vector<16xi32>
      %add3A_202 = arith.addi %add3A_200, %add3A_201 : vector<16xi32>
      %select_n3A_203 = arith.select %and3A_194, %sub3A_187, %add3A_202 : vector<16xi1>, vector<16xi32>
      %swap3A_204 = arith.constant 48 : index
      %swap3A_205 = tpu.vector_load %arg11[%swap3A_204] {strides = array<i32>} : memref<80xi32, #tpu.memory_space<vmem>>, vector<16xi32>,
      %swap3A_206 = vector.shape_cast %swap3A_205 : vector<16xi32> to vector<16xi32>
      %swap3A_207 = vector.shape_cast %select_n3A_203 : vector<16xi32> to vector<16xi32>
      tpu.vector_store %arg11[%swap3A_204], %swap3A_207 {strides = array<i32>} : memref<80xi32, #tpu.memory_space<vmem>>, vector<16xi32>,
      %get3A_208 = arith.constant 64 : index
      %get3A_209 = tpu.vector_load %arg11[%get3A_208] {strides = array<i32>} : memref<80xi32, #tpu.memory_space<vmem>>, vector<16xi32>,
      %get3A_210 = vector.shape_cast %get3A_209 : vector<16xi32> to vector<16xi32>
      %sub3A_211 = vector.broadcast %mul3A_12 : i32 to vector<16xi32>
      %sub3A_212 = arith.subi %get3A_210, %sub3A_211 : vector<16xi32>
      %ge3A_213 = arith.constant 0 : i32
      %ge3A_214 = vector.broadcast %ge3A_213 : i32 to vector<16xi32>
      %ge3A_215 = arith.cmpi sge, %sub3A_212, %ge3A_214 : vector<16xi32>
      %lt3A_216 = arith.constant 25000 : i32
      %lt3A_217 = vector.broadcast %lt3A_216 : i32 to vector<16xi32>
      %lt3A_218 = arith.cmpi slt, %sub3A_212, %lt3A_217 : vector<16xi32>
      %and3A_219 = arith.andi %ge3A_215, %lt3A_218 : vector<16xi1>
      %and3A_220 = arith.constant 31 : i32
      %and3A_221 = vector.broadcast %and3A_220 : i32 to vector<16xi32>
      %and3A_222 = arith.andi %sub3A_212, %and3A_221 : vector<16xi32>
      %add3A_223 = arith.constant 25000 : i32
      %add3A_224 = vector.broadcast %add3A_223 : i32 to vector<16xi32>
      %add3A_225 = arith.addi %add3A_224, %and3A_222 : vector<16xi32>
      %add3A_226 = vector.broadcast %arg1 : i32 to vector<16xi32>
      %add3A_227 = arith.addi %add3A_225, %add3A_226 : vector<16xi32>
      %select_n3A_228 = arith.select %and3A_219, %sub3A_212, %add3A_227 : vector<16xi1>, vector<16xi32>
      %swap3A_229 = arith.constant 64 : index
      %swap3A_230 = tpu.vector_load %arg11[%swap3A_229] {strides = array<i32>} : memref<80xi32, #tpu.memory_space<vmem>>, vector<16xi32>,
      %swap3A_231 = vector.shape_cast %swap3A_230 : vector<16xi32> to vector<16xi32>
      %swap3A_232 = vector.shape_cast %select_n3A_228 : vector<16xi32> to vector<16xi32>
      tpu.vector_store %arg11[%swap3A_229], %swap3A_232 {strides = array<i32>} : memref<80xi32, #tpu.memory_space<vmem>>, vector<16xi32>,
      %get3A_233 = arith.constant 0 : index
      %get3A_234 = tpu.vector_load %arg16[%get3A_233] {strides = array<i32>} : memref<80xi32, #tpu.memory_space<vmem>>, vector<16xi32>,
      %get3A_235 = vector.shape_cast %get3A_234 : vector<16xi32> to vector<16xi32>
      %sub3A_236 = vector.broadcast %mul3A_12 : i32 to vector<16xi32>
      %sub3A_237 = arith.subi %get3A_235, %sub3A_236 : vector<16xi32>
      %ge3A_238 = arith.constant 0 : i32
      %ge3A_239 = vector.broadcast %ge3A_238 : i32 to vector<16xi32>
      %ge3A_240 = arith.cmpi sge, %sub3A_237, %ge3A_239 : vector<16xi32>
      %lt3A_241 = arith.constant 25000 : i32
      %lt3A_242 = vector.broadcast %lt3A_241 : i32 to vector<16xi32>
      %lt3A_243 = arith.cmpi slt, %sub3A_237, %lt3A_242 : vector<16xi32>
      %and3A_244 = arith.andi %ge3A_240, %lt3A_243 : vector<16xi1>
      %and3A_245 = arith.constant 31 : i32
      %and3A_246 = vector.broadcast %and3A_245 : i32 to vector<16xi32>
      %and3A_247 = arith.andi %sub3A_237, %and3A_246 : vector<16xi32>
      %add3A_248 = arith.constant 25000 : i32
      %add3A_249 = vector.broadcast %add3A_248 : i32 to vector<16xi32>
      %add3A_250 = arith.addi %add3A_249, %and3A_247 : vector<16xi32>
      %add3A_251 = vector.broadcast %arg1 : i32 to vector<16xi32>
      %add3A_252 = arith.addi %add3A_250, %add3A_251 : vector<16xi32>
      %select_n3A_253 = arith.select %and3A_244, %sub3A_237, %add3A_252 : vector<16xi1>, vector<16xi32>
      %swap3A_254 = arith.constant 0 : index
      %swap3A_255 = tpu.vector_load %arg16[%swap3A_254] {strides = array<i32>} : memref<80xi32, #tpu.memory_space<vmem>>, vector<16xi32>,
      %swap3A_256 = vector.shape_cast %swap3A_255 : vector<16xi32> to vector<16xi32>
      %swap3A_257 = vector.shape_cast %select_n3A_253 : vector<16xi32> to vector<16xi32>
      tpu.vector_store %arg16[%swap3A_254], %swap3A_257 {strides = array<i32>} : memref<80xi32, #tpu.memory_space<vmem>>, vector<16xi32>,
      %get3A_258 = arith.constant 16 : index
      %get3A_259 = tpu.vector_load %arg16[%get3A_258] {strides = array<i32>} : memref<80xi32, #tpu.memory_space<vmem>>, vector<16xi32>,
      %get3A_260 = vector.shape_cast %get3A_259 : vector<16xi32> to vector<16xi32>
      %sub3A_261 = vector.broadcast %mul3A_12 : i32 to vector<16xi32>
      %sub3A_262 = arith.subi %get3A_260, %sub3A_261 : vector<16xi32>
      %ge3A_263 = arith.constant 0 : i32
      %ge3A_264 = vector.broadcast %ge3A_263 : i32 to vector<16xi32>
      %ge3A_265 = arith.cmpi sge, %sub3A_262, %ge3A_264 : vector<16xi32>
      %lt3A_266 = arith.constant 25000 : i32
      %lt3A_267 = vector.broadcast %lt3A_266 : i32 to vector<16xi32>
      %lt3A_268 = arith.cmpi slt, %sub3A_262, %lt3A_267 : vector<16xi32>
      %and3A_269 = arith.andi %ge3A_265, %lt3A_268 : vector<16xi1>
      %and3A_270 = arith.constant 31 : i32
      %and3A_271 = vector.broadcast %and3A_270 : i32 to vector<16xi32>
      %and3A_272 = arith.andi %sub3A_262, %and3A_271 : vector<16xi32>
      %add3A_273 = arith.constant 25000 : i32
      %add3A_274 = vector.broadcast %add3A_273 : i32 to vector<16xi32>
      %add3A_275 = arith.addi %add3A_274, %and3A_272 : vector<16xi32>
      %add3A_276 = vector.broadcast %arg1 : i32 to vector<16xi32>
      %add3A_277 = arith.addi %add3A_275, %add3A_276 : vector<16xi32>
      %select_n3A_278 = arith.select %and3A_269, %sub3A_262, %add3A_277 : vector<16xi1>, vector<16xi32>
      %swap3A_279 = arith.constant 16 : index
      %swap3A_280 = tpu.vector_load %arg16[%swap3A_279] {strides = array<i32>} : memref<80xi32, #tpu.memory_space<vmem>>, vector<16xi32>,
      %swap3A_281 = vector.shape_cast %swap3A_280 : vector<16xi32> to vector<16xi32>
      %swap3A_282 = vector.shape_cast %select_n3A_278 : vector<16xi32> to vector<16xi32>
      tpu.vector_store %arg16[%swap3A_279], %swap3A_282 {strides = array<i32>} : memref<80xi32, #tpu.memory_space<vmem>>, vector<16xi32>,
      %get3A_283 = arith.constant 32 : index
      %get3A_284 = tpu.vector_load %arg16[%get3A_283] {strides = array<i32>} : memref<80xi32, #tpu.memory_space<vmem>>, vector<16xi32>,
      %get3A_285 = vector.shape_cast %get3A_284 : vector<16xi32> to vector<16xi32>
      %sub3A_286 = vector.broadcast %mul3A_12 : i32 to vector<16xi32>
      %sub3A_287 = arith.subi %get3A_285, %sub3A_286 : vector<16xi32>
      %ge3A_288 = arith.constant 0 : i32
      %ge3A_289 = vector.broadcast %ge3A_288 : i32 to vector<16xi32>
      %ge3A_290 = arith.cmpi sge, %sub3A_287, %ge3A_289 : vector<16xi32>
      %lt3A_291 = arith.constant 25000 : i32
      %lt3A_292 = vector.broadcast %lt3A_291 : i32 to vector<16xi32>
      %lt3A_293 = arith.cmpi slt, %sub3A_287, %lt3A_292 : vector<16xi32>
      %and3A_294 = arith.andi %ge3A_290, %lt3A_293 : vector<16xi1>
      %and3A_295 = arith.constant 31 : i32
      %and3A_296 = vector.broadcast %and3A_295 : i32 to vector<16xi32>
      %and3A_297 = arith.andi %sub3A_287, %and3A_296 : vector<16xi32>
      %add3A_298 = arith.constant 25000 : i32
      %add3A_299 = vector.broadcast %add3A_298 : i32 to vector<16xi32>
      %add3A_300 = arith.addi %add3A_299, %and3A_297 : vector<16xi32>
      %add3A_301 = vector.broadcast %arg1 : i32 to vector<16xi32>
      %add3A_302 = arith.addi %add3A_300, %add3A_301 : vector<16xi32>
      %select_n3A_303 = arith.select %and3A_294, %sub3A_287, %add3A_302 : vector<16xi1>, vector<16xi32>
      %swap3A_304 = arith.constant 32 : index
      %swap3A_305 = tpu.vector_load %arg16[%swap3A_304] {strides = array<i32>} : memref<80xi32, #tpu.memory_space<vmem>>, vector<16xi32>,
      %swap3A_306 = vector.shape_cast %swap3A_305 : vector<16xi32> to vector<16xi32>
      %swap3A_307 = vector.shape_cast %select_n3A_303 : vector<16xi32> to vector<16xi32>
      tpu.vector_store %arg16[%swap3A_304], %swap3A_307 {strides = array<i32>} : memref<80xi32, #tpu.memory_space<vmem>>, vector<16xi32>,
      %get3A_308 = arith.constant 48 : index
      %get3A_309 = tpu.vector_load %arg16[%get3A_308] {strides = array<i32>} : memref<80xi32, #tpu.memory_space<vmem>>, vector<16xi32>,
      %get3A_310 = vector.shape_cast %get3A_309 : vector<16xi32> to vector<16xi32>
      %sub3A_311 = vector.broadcast %mul3A_12 : i32 to vector<16xi32>
      %sub3A_312 = arith.subi %get3A_310, %sub3A_311 : vector<16xi32>
      %ge3A_313 = arith.constant 0 : i32
      %ge3A_314 = vector.broadcast %ge3A_313 : i32 to vector<16xi32>
      %ge3A_315 = arith.cmpi sge, %sub3A_312, %ge3A_314 : vector<16xi32>
      %lt3A_316 = arith.constant 25000 : i32
      %lt3A_317 = vector.broadcast %lt3A_316 : i32 to vector<16xi32>
      %lt3A_318 = arith.cmpi slt, %sub3A_312, %lt3A_317 : vector<16xi32>
      %and3A_319 = arith.andi %ge3A_315, %lt3A_318 : vector<16xi1>
      %and3A_320 = arith.constant 31 : i32
      %and3A_321 = vector.broadcast %and3A_320 : i32 to vector<16xi32>
      %and3A_322 = arith.andi %sub3A_312, %and3A_321 : vector<16xi32>
      %add3A_323 = arith.constant 25000 : i32
      %add3A_324 = vector.broadcast %add3A_323 : i32 to vector<16xi32>
      %add3A_325 = arith.addi %add3A_324, %and3A_322 : vector<16xi32>
      %add3A_326 = vector.broadcast %arg1 : i32 to vector<16xi32>
      %add3A_327 = arith.addi %add3A_325, %add3A_326 : vector<16xi32>
      %select_n3A_328 = arith.select %and3A_319, %sub3A_312, %add3A_327 : vector<16xi1>, vector<16xi32>
      %swap3A_329 = arith.constant 48 : index
      %swap3A_330 = tpu.vector_load %arg16[%swap3A_329] {strides = array<i32>} : memref<80xi32, #tpu.memory_space<vmem>>, vector<16xi32>,
      %swap3A_331 = vector.shape_cast %swap3A_330 : vector<16xi32> to vector<16xi32>
      %swap3A_332 = vector.shape_cast %select_n3A_328 : vector<16xi32> to vector<16xi32>
      tpu.vector_store %arg16[%swap3A_329], %swap3A_332 {strides = array<i32>} : memref<80xi32, #tpu.memory_space<vmem>>, vector<16xi32>,
      %get3A_333 = arith.constant 64 : index
      %get3A_334 = tpu.vector_load %arg16[%get3A_333] {strides = array<i32>} : memref<80xi32, #tpu.memory_space<vmem>>, vector<16xi32>,
      %get3A_335 = vector.shape_cast %get3A_334 : vector<16xi32> to vector<16xi32>
      %sub3A_336 = vector.broadcast %mul3A_12 : i32 to vector<16xi32>
      %sub3A_337 = arith.subi %get3A_335, %sub3A_336 : vector<16xi32>
      %ge3A_338 = arith.constant 0 : i32
      %ge3A_339 = vector.broadcast %ge3A_338 : i32 to vector<16xi32>
      %ge3A_340 = arith.cmpi sge, %sub3A_337, %ge3A_339 : vector<16xi32>
      %lt3A_341 = arith.constant 25000 : i32
      %lt3A_342 = vector.broadcast %lt3A_341 : i32 to vector<16xi32>
      %lt3A_343 = arith.cmpi slt, %sub3A_337, %lt3A_342 : vector<16xi32>
      %and3A_344 = arith.andi %ge3A_340, %lt3A_343 : vector<16xi1>
      %and3A_345 = arith.constant 31 : i32
      %and3A_346 = vector.broadcast %and3A_345 : i32 to vector<16xi32>
      %and3A_347 = arith.andi %sub3A_337, %and3A_346 : vector<16xi32>
      %add3A_348 = arith.constant 25000 : i32
      %add3A_349 = vector.broadcast %add3A_348 : i32 to vector<16xi32>
      %add3A_350 = arith.addi %add3A_349, %and3A_347 : vector<16xi32>
      %add3A_351 = vector.broadcast %arg1 : i32 to vector<16xi32>
      %add3A_352 = arith.addi %add3A_350, %add3A_351 : vector<16xi32>
      %select_n3A_353 = arith.select %and3A_344, %sub3A_337, %add3A_352 : vector<16xi1>, vector<16xi32>
      %swap3A_354 = arith.constant 64 : index
      %swap3A_355 = tpu.vector_load %arg16[%swap3A_354] {strides = array<i32>} : memref<80xi32, #tpu.memory_space<vmem>>, vector<16xi32>,
      %swap3A_356 = vector.shape_cast %swap3A_355 : vector<16xi32> to vector<16xi32>
      %swap3A_357 = vector.shape_cast %select_n3A_353 : vector<16xi32> to vector<16xi32>
      tpu.vector_store %arg16[%swap3A_354], %swap3A_357 {strides = array<i32>} : memref<80xi32, #tpu.memory_space<vmem>>, vector<16xi32>,
      %dma_start3A_358 = arith.constant 0 : i32
      %dma_start3A_359 = arith.constant 0 : i32
      %dma_start3A_360 = tpu.memref_slice %arg5[%dma_start3A_358, %dma_start3A_359] : memref<25056x64xf32, #tpu.memory_space<vmem_shared>> -> memref<25056x64xf32, #tpu.memory_space<vmem_shared>>
      tpu.enqueue_indirect_dma source(%arg6 : memref<80x64xf32, #tpu.memory_space<vmem>>) target(%dma_start3A_360 : memref<25056x64xf32, #tpu.memory_space<vmem_shared>>) offsets(%arg11 : memref<80xi32, #tpu.memory_space<vmem>>) semaphore(%arg27 : memref<!tpu.dma_semaphore, #tpu.memory_space<semaphore_mem>>) {add = true}
      %dma_start3A_361 = arith.constant 0 : i32
      %dma_start3A_362 = arith.constant 0 : i32
      %dma_start3A_363 = tpu.memref_slice %arg5[%dma_start3A_361, %dma_start3A_362] : memref<25056x64xf32, #tpu.memory_space<vmem_shared>> -> memref<25056x64xf32, #tpu.memory_space<vmem_shared>>
      tpu.enqueue_indirect_dma source(%arg6 : memref<80x64xf32, #tpu.memory_space<vmem>>) target(%dma_start3A_363 : memref<25056x64xf32, #tpu.memory_space<vmem_shared>>) offsets(%arg16 : memref<80xi32, #tpu.memory_space<vmem>>) semaphore(%arg27 : memref<!tpu.dma_semaphore, #tpu.memory_space<semaphore_mem>>) {add = true}
      %mul3A_364 = arith.constant 5 : i32
      %mul3A_365 = arith.muli %scan3A_78, %mul3A_364 : i32
      %add3A_366 = arith.constant 1 : i32
      %add3A_367 = arith.addi %mul3A_365, %add3A_366 : i32
      %ge3A_368 = arith.constant 3 : i32
      %ge3A_369 = arith.cmpi sge, %add3A_367, %ge3A_368 : i32
      %convert_element_type3A_370 = arith.extui %ge3A_369 : i1 to i32
      %cond3A_371 = arith.constant 0 : i32
      %cond3A_372 = arith.cmpi ne, %convert_element_type3A_370, %cond3A_371 : i32
      scf.if %cond3A_372 {
        %dma_wait3A_1532 = arith.constant 0 : i32
        %dma_wait3A_1533 = arith.constant 0 : i32
        %dma_wait3A_1534 = tpu.memref_slice %arg5[%dma_wait3A_1532, %dma_wait3A_1533] : memref<25056x64xf32, #tpu.memory_space<vmem_shared>> -> memref<25056x64xf32, #tpu.memory_space<vmem_shared>>
        tpu.wait_indirect_dma semaphore(%arg30 : memref<!tpu.dma_semaphore, #tpu.memory_space<semaphore_mem>>) src(%arg9 : memref<80x64xf32, #tpu.memory_space<vmem>>) dst(%dma_wait3A_1534 : memref<25056x64xf32, #tpu.memory_space<vmem_shared>>)
        %dma_wait3A_1535 = arith.constant 0 : i32
        %dma_wait3A_1536 = arith.constant 0 : i32
        %dma_wait3A_1537 = tpu.memref_slice %arg5[%dma_wait3A_1535, %dma_wait3A_1536] : memref<25056x64xf32, #tpu.memory_space<vmem_shared>> -> memref<25056x64xf32, #tpu.memory_space<vmem_shared>>
        tpu.wait_indirect_dma semaphore(%arg30 : memref<!tpu.dma_semaphore, #tpu.memory_space<semaphore_mem>>) src(%arg9 : memref<80x64xf32, #tpu.memory_space<vmem>>) dst(%dma_wait3A_1537 : memref<25056x64xf32, #tpu.memory_space<vmem_shared>>)
      } else {
      }
      %add3A_373 = arith.constant 2 : i32
      %add3A_374 = arith.addi %add3A_367, %add3A_373 : i32
      %lt3A_375 = arith.constant 625 : i32
      %lt3A_376 = arith.cmpi slt, %add3A_374, %lt3A_375 : i32
      %convert_element_type3A_377 = arith.extui %lt3A_376 : i1 to i32
      %cond3A_378 = arith.constant 0 : i32
      %cond3A_379 = arith.cmpi ne, %convert_element_type3A_377, %cond3A_378 : i32
      scf.if %cond3A_379 {
        %add3A_1532 = arith.constant 2 : i32
        %add3A_1533 = arith.addi %add3A_367, %add3A_1532 : i32
        %mul3A_1534 = arith.constant 80 : i32
        %mul3A_1535 = arith.muli %add3A_1533, %mul3A_1534 : i32
        %add3A_1536 = arith.addi %mul3A_14, %mul3A_1535 : i32
        %dma_start3A_1537 = arith.constant 0 : i32
        %dma_start3A_1538 = tpu.memref_slice %arg2[%add3A_1536, %dma_start3A_1537] : memref<800000x128xf32, #tpu.memory_space<hbm>> -> memref<80x64xf32, #tpu.memory_space<hbm>>
        %dma_start3A_1539 = arith.constant 0 : i32
        %dma_start3A_1540 = tpu.memref_slice %arg2[%add3A_1536, %dma_start3A_1539] : memref<800000x128xf32, #tpu.memory_space<hbm>> -> memref<80x64xf32, #tpu.memory_space<hbm>>
        tpu.enqueue_dma source(%dma_start3A_1540 : memref<80x64xf32, #tpu.memory_space<hbm>>) target(%arg9 : memref<80x64xf32, #tpu.memory_space<vmem>>) target_semaphore(%arg25 : memref<!tpu.dma_semaphore, #tpu.memory_space<semaphore_mem>>)
        %dma_start3A_1541 = arith.constant 0 : i32
        %dma_start3A_1542 = tpu.memref_slice %arg3[%dma_start3A_1541, %add3A_1536] : memref<2x800000xi32, #tpu.memory_space<hbm>> -> memref<1x80xi32, #tpu.memory_space<hbm>>
        %dma_start3A_1543 = tpu.memref_squeeze %dma_start3A_1542 : memref<1x80xi32, #tpu.memory_space<hbm>> -> memref<80xi32, #tpu.memory_space<hbm>>
        %dma_start3A_1544 = tpu.memref_slice %arg3[%dma_start3A_1541, %add3A_1536] : memref<2x800000xi32, #tpu.memory_space<hbm>> -> memref<1x80xi32, #tpu.memory_space<hbm>>
        %dma_start3A_1545 = tpu.memref_squeeze %dma_start3A_1544 : memref<1x80xi32, #tpu.memory_space<hbm>> -> memref<80xi32, #tpu.memory_space<hbm>>
        tpu.enqueue_dma source(%dma_start3A_1545 : memref<80xi32, #tpu.memory_space<hbm>>) target(%arg14 : memref<80xi32, #tpu.memory_space<vmem>>) target_semaphore(%arg25 : memref<!tpu.dma_semaphore, #tpu.memory_space<semaphore_mem>>)
        %dma_start3A_1546 = arith.constant 1 : i32
        %dma_start3A_1547 = tpu.memref_slice %arg3[%dma_start3A_1546, %add3A_1536] : memref<2x800000xi32, #tpu.memory_space<hbm>> -> memref<1x80xi32, #tpu.memory_space<hbm>>
        %dma_start3A_1548 = tpu.memref_squeeze %dma_start3A_1547 : memref<1x80xi32, #tpu.memory_space<hbm>> -> memref<80xi32, #tpu.memory_space<hbm>>
        %dma_start3A_1549 = tpu.memref_slice %arg3[%dma_start3A_1546, %add3A_1536] : memref<2x800000xi32, #tpu.memory_space<hbm>> -> memref<1x80xi32, #tpu.memory_space<hbm>>
        %dma_start3A_1550 = tpu.memref_squeeze %dma_start3A_1549 : memref<1x80xi32, #tpu.memory_space<hbm>> -> memref<80xi32, #tpu.memory_space<hbm>>
        tpu.enqueue_dma source(%dma_start3A_1550 : memref<80xi32, #tpu.memory_space<hbm>>) target(%arg19 : memref<80xi32, #tpu.memory_space<vmem>>) target_semaphore(%arg25 : memref<!tpu.dma_semaphore, #tpu.memory_space<semaphore_mem>>)
      } else {
      }
      %dma_wait3A_380 = arith.constant 0 : i32
      %dma_wait3A_381 = arith.constant 0 : i32
      %dma_wait3A_382 = tpu.memref_slice %arg2[%dma_wait3A_380, %dma_wait3A_381] : memref<800000x128xf32, #tpu.memory_space<hbm>> -> memref<80x64xf32, #tpu.memory_space<hbm>>
      %dma_wait3A_383 = arith.constant 0 : i32
      %dma_wait3A_384 = arith.constant 0 : i32
      %dma_wait3A_385 = tpu.memref_slice %arg2[%dma_wait3A_383, %dma_wait3A_384] : memref<800000x128xf32, #tpu.memory_space<hbm>> -> memref<80x64xf32, #tpu.memory_space<hbm>>
      tpu.wait_dma2 semaphore(%arg23 : memref<!tpu.dma_semaphore, #tpu.memory_space<semaphore_mem>>) src(%dma_wait3A_385 : memref<80x64xf32, #tpu.memory_space<hbm>>) dst(%arg7 : memref<80x64xf32, #tpu.memory_space<vmem>>)
      %dma_wait3A_386 = arith.constant 0 : i32
      %dma_wait3A_387 = arith.constant 0 : i32
      %dma_wait3A_388 = tpu.memref_slice %arg3[%dma_wait3A_386, %dma_wait3A_387] : memref<2x800000xi32, #tpu.memory_space<hbm>> -> memref<1x80xi32, #tpu.memory_space<hbm>>
      %dma_wait3A_389 = tpu.memref_squeeze %dma_wait3A_388 : memref<1x80xi32, #tpu.memory_space<hbm>> -> memref<80xi32, #tpu.memory_space<hbm>>
      %dma_wait3A_390 = arith.constant 0 : i32
      %dma_wait3A_391 = tpu.memref_slice %arg3[%dma_wait3A_386, %dma_wait3A_390] : memref<2x800000xi32, #tpu.memory_space<hbm>> -> memref<1x80xi32, #tpu.memory_space<hbm>>
      %dma_wait3A_392 = tpu.memref_squeeze %dma_wait3A_391 : memref<1x80xi32, #tpu.memory_space<hbm>> -> memref<80xi32, #tpu.memory_space<hbm>>
      tpu.wait_dma2 semaphore(%arg23 : memref<!tpu.dma_semaphore, #tpu.memory_space<semaphore_mem>>) src(%dma_wait3A_392 : memref<80xi32, #tpu.memory_space<hbm>>) dst(%arg12 : memref<80xi32, #tpu.memory_space<vmem>>)
      %dma_wait3A_393 = arith.constant 1 : i32
      %dma_wait3A_394 = arith.constant 0 : i32
      %dma_wait3A_395 = tpu.memref_slice %arg3[%dma_wait3A_393, %dma_wait3A_394] : memref<2x800000xi32, #tpu.memory_space<hbm>> -> memref<1x80xi32, #tpu.memory_space<hbm>>
      %dma_wait3A_396 = tpu.memref_squeeze %dma_wait3A_395 : memref<1x80xi32, #tpu.memory_space<hbm>> -> memref<80xi32, #tpu.memory_space<hbm>>
      %dma_wait3A_397 = arith.constant 0 : i32
      %dma_wait3A_398 = tpu.memref_slice %arg3[%dma_wait3A_393, %dma_wait3A_397] : memref<2x800000xi32, #tpu.memory_space<hbm>> -> memref<1x80xi32, #tpu.memory_space<hbm>>
      %dma_wait3A_399 = tpu.memref_squeeze %dma_wait3A_398 : memref<1x80xi32, #tpu.memory_space<hbm>> -> memref<80xi32, #tpu.memory_space<hbm>>
      tpu.wait_dma2 semaphore(%arg23 : memref<!tpu.dma_semaphore, #tpu.memory_space<semaphore_mem>>) src(%dma_wait3A_399 : memref<80xi32, #tpu.memory_space<hbm>>) dst(%arg17 : memref<80xi32, #tpu.memory_space<vmem>>)
      %get3A_400 = arith.constant 0 : index
      %get3A_401 = tpu.vector_load %arg12[%get3A_400] {strides = array<i32>} : memref<80xi32, #tpu.memory_space<vmem>>, vector<16xi32>,
      %get3A_402 = vector.shape_cast %get3A_401 : vector<16xi32> to vector<16xi32>
      %sub3A_403 = vector.broadcast %mul3A_12 : i32 to vector<16xi32>
      %sub3A_404 = arith.subi %get3A_402, %sub3A_403 : vector<16xi32>
      %ge3A_405 = arith.constant 0 : i32
      %ge3A_406 = vector.broadcast %ge3A_405 : i32 to vector<16xi32>
      %ge3A_407 = arith.cmpi sge, %sub3A_404, %ge3A_406 : vector<16xi32>
      %lt3A_408 = arith.constant 25000 : i32
      %lt3A_409 = vector.broadcast %lt3A_408 : i32 to vector<16xi32>
      %lt3A_410 = arith.cmpi slt, %sub3A_404, %lt3A_409 : vector<16xi32>
      %and3A_411 = arith.andi %ge3A_407, %lt3A_410 : vector<16xi1>
      %and3A_412 = arith.constant 31 : i32
      %and3A_413 = vector.broadcast %and3A_412 : i32 to vector<16xi32>
      %and3A_414 = arith.andi %sub3A_404, %and3A_413 : vector<16xi32>
      %add3A_415 = arith.constant 25000 : i32
      %add3A_416 = vector.broadcast %add3A_415 : i32 to vector<16xi32>
      %add3A_417 = arith.addi %add3A_416, %and3A_414 : vector<16xi32>
      %add3A_418 = vector.broadcast %arg1 : i32 to vector<16xi32>
      %add3A_419 = arith.addi %add3A_417, %add3A_418 : vector<16xi32>
      %select_n3A_420 = arith.select %and3A_411, %sub3A_404, %add3A_419 : vector<16xi1>, vector<16xi32>
      %swap3A_421 = arith.constant 0 : index
      %swap3A_422 = tpu.vector_load %arg12[%swap3A_421] {strides = array<i32>} : memref<80xi32, #tpu.memory_space<vmem>>, vector<16xi32>,
      %swap3A_423 = vector.shape_cast %swap3A_422 : vector<16xi32> to vector<16xi32>
      %swap3A_424 = vector.shape_cast %select_n3A_420 : vector<16xi32> to vector<16xi32>
      tpu.vector_store %arg12[%swap3A_421], %swap3A_424 {strides = array<i32>} : memref<80xi32, #tpu.memory_space<vmem>>, vector<16xi32>,
      %get3A_425 = arith.constant 16 : index
      %get3A_426 = tpu.vector_load %arg12[%get3A_425] {strides = array<i32>} : memref<80xi32, #tpu.memory_space<vmem>>, vector<16xi32>,
      %get3A_427 = vector.shape_cast %get3A_426 : vector<16xi32> to vector<16xi32>
      %sub3A_428 = vector.broadcast %mul3A_12 : i32 to vector<16xi32>
      %sub3A_429 = arith.subi %get3A_427, %sub3A_428 : vector<16xi32>
      %ge3A_430 = arith.constant 0 : i32
      %ge3A_431 = vector.broadcast %ge3A_430 : i32 to vector<16xi32>
      %ge3A_432 = arith.cmpi sge, %sub3A_429, %ge3A_431 : vector<16xi32>
      %lt3A_433 = arith.constant 25000 : i32
      %lt3A_434 = vector.broadcast %lt3A_433 : i32 to vector<16xi32>
      %lt3A_435 = arith.cmpi slt, %sub3A_429, %lt3A_434 : vector<16xi32>
      %and3A_436 = arith.andi %ge3A_432, %lt3A_435 : vector<16xi1>
      %and3A_437 = arith.constant 31 : i32
      %and3A_438 = vector.broadcast %and3A_437 : i32 to vector<16xi32>
      %and3A_439 = arith.andi %sub3A_429, %and3A_438 : vector<16xi32>
      %add3A_440 = arith.constant 25000 : i32
      %add3A_441 = vector.broadcast %add3A_440 : i32 to vector<16xi32>
      %add3A_442 = arith.addi %add3A_441, %and3A_439 : vector<16xi32>
      %add3A_443 = vector.broadcast %arg1 : i32 to vector<16xi32>
      %add3A_444 = arith.addi %add3A_442, %add3A_443 : vector<16xi32>
      %select_n3A_445 = arith.select %and3A_436, %sub3A_429, %add3A_444 : vector<16xi1>, vector<16xi32>
      %swap3A_446 = arith.constant 16 : index
      %swap3A_447 = tpu.vector_load %arg12[%swap3A_446] {strides = array<i32>} : memref<80xi32, #tpu.memory_space<vmem>>, vector<16xi32>,
      %swap3A_448 = vector.shape_cast %swap3A_447 : vector<16xi32> to vector<16xi32>
      %swap3A_449 = vector.shape_cast %select_n3A_445 : vector<16xi32> to vector<16xi32>
      tpu.vector_store %arg12[%swap3A_446], %swap3A_449 {strides = array<i32>} : memref<80xi32, #tpu.memory_space<vmem>>, vector<16xi32>,
      %get3A_450 = arith.constant 32 : index
      %get3A_451 = tpu.vector_load %arg12[%get3A_450] {strides = array<i32>} : memref<80xi32, #tpu.memory_space<vmem>>, vector<16xi32>,
      %get3A_452 = vector.shape_cast %get3A_451 : vector<16xi32> to vector<16xi32>
      %sub3A_453 = vector.broadcast %mul3A_12 : i32 to vector<16xi32>
      %sub3A_454 = arith.subi %get3A_452, %sub3A_453 : vector<16xi32>
      %ge3A_455 = arith.constant 0 : i32
      %ge3A_456 = vector.broadcast %ge3A_455 : i32 to vector<16xi32>
      %ge3A_457 = arith.cmpi sge, %sub3A_454, %ge3A_456 : vector<16xi32>
      %lt3A_458 = arith.constant 25000 : i32
      %lt3A_459 = vector.broadcast %lt3A_458 : i32 to vector<16xi32>
      %lt3A_460 = arith.cmpi slt, %sub3A_454, %lt3A_459 : vector<16xi32>
      %and3A_461 = arith.andi %ge3A_457, %lt3A_460 : vector<16xi1>
      %and3A_462 = arith.constant 31 : i32
      %and3A_463 = vector.broadcast %and3A_462 : i32 to vector<16xi32>
      %and3A_464 = arith.andi %sub3A_454, %and3A_463 : vector<16xi32>
      %add3A_465 = arith.constant 25000 : i32
      %add3A_466 = vector.broadcast %add3A_465 : i32 to vector<16xi32>
      %add3A_467 = arith.addi %add3A_466, %and3A_464 : vector<16xi32>
      %add3A_468 = vector.broadcast %arg1 : i32 to vector<16xi32>
      %add3A_469 = arith.addi %add3A_467, %add3A_468 : vector<16xi32>
      %select_n3A_470 = arith.select %and3A_461, %sub3A_454, %add3A_469 : vector<16xi1>, vector<16xi32>
      %swap3A_471 = arith.constant 32 : index
      %swap3A_472 = tpu.vector_load %arg12[%swap3A_471] {strides = array<i32>} : memref<80xi32, #tpu.memory_space<vmem>>, vector<16xi32>,
      %swap3A_473 = vector.shape_cast %swap3A_472 : vector<16xi32> to vector<16xi32>
      %swap3A_474 = vector.shape_cast %select_n3A_470 : vector<16xi32> to vector<16xi32>
      tpu.vector_store %arg12[%swap3A_471], %swap3A_474 {strides = array<i32>} : memref<80xi32, #tpu.memory_space<vmem>>, vector<16xi32>,
      %get3A_475 = arith.constant 48 : index
      %get3A_476 = tpu.vector_load %arg12[%get3A_475] {strides = array<i32>} : memref<80xi32, #tpu.memory_space<vmem>>, vector<16xi32>,
      %get3A_477 = vector.shape_cast %get3A_476 : vector<16xi32> to vector<16xi32>
      %sub3A_478 = vector.broadcast %mul3A_12 : i32 to vector<16xi32>
      %sub3A_479 = arith.subi %get3A_477, %sub3A_478 : vector<16xi32>
      %ge3A_480 = arith.constant 0 : i32
      %ge3A_481 = vector.broadcast %ge3A_480 : i32 to vector<16xi32>
      %ge3A_482 = arith.cmpi sge, %sub3A_479, %ge3A_481 : vector<16xi32>
      %lt3A_483 = arith.constant 25000 : i32
      %lt3A_484 = vector.broadcast %lt3A_483 : i32 to vector<16xi32>
      %lt3A_485 = arith.cmpi slt, %sub3A_479, %lt3A_484 : vector<16xi32>
      %and3A_486 = arith.andi %ge3A_482, %lt3A_485 : vector<16xi1>
      %and3A_487 = arith.constant 31 : i32
      %and3A_488 = vector.broadcast %and3A_487 : i32 to vector<16xi32>
      %and3A_489 = arith.andi %sub3A_479, %and3A_488 : vector<16xi32>
      %add3A_490 = arith.constant 25000 : i32
      %add3A_491 = vector.broadcast %add3A_490 : i32 to vector<16xi32>
      %add3A_492 = arith.addi %add3A_491, %and3A_489 : vector<16xi32>
      %add3A_493 = vector.broadcast %arg1 : i32 to vector<16xi32>
      %add3A_494 = arith.addi %add3A_492, %add3A_493 : vector<16xi32>
      %select_n3A_495 = arith.select %and3A_486, %sub3A_479, %add3A_494 : vector<16xi1>, vector<16xi32>
      %swap3A_496 = arith.constant 48 : index
      %swap3A_497 = tpu.vector_load %arg12[%swap3A_496] {strides = array<i32>} : memref<80xi32, #tpu.memory_space<vmem>>, vector<16xi32>,
      %swap3A_498 = vector.shape_cast %swap3A_497 : vector<16xi32> to vector<16xi32>
      %swap3A_499 = vector.shape_cast %select_n3A_495 : vector<16xi32> to vector<16xi32>
      tpu.vector_store %arg12[%swap3A_496], %swap3A_499 {strides = array<i32>} : memref<80xi32, #tpu.memory_space<vmem>>, vector<16xi32>,
      %get3A_500 = arith.constant 64 : index
      %get3A_501 = tpu.vector_load %arg12[%get3A_500] {strides = array<i32>} : memref<80xi32, #tpu.memory_space<vmem>>, vector<16xi32>,
      %get3A_502 = vector.shape_cast %get3A_501 : vector<16xi32> to vector<16xi32>
      %sub3A_503 = vector.broadcast %mul3A_12 : i32 to vector<16xi32>
      %sub3A_504 = arith.subi %get3A_502, %sub3A_503 : vector<16xi32>
      %ge3A_505 = arith.constant 0 : i32
      %ge3A_506 = vector.broadcast %ge3A_505 : i32 to vector<16xi32>
      %ge3A_507 = arith.cmpi sge, %sub3A_504, %ge3A_506 : vector<16xi32>
      %lt3A_508 = arith.constant 25000 : i32
      %lt3A_509 = vector.broadcast %lt3A_508 : i32 to vector<16xi32>
      %lt3A_510 = arith.cmpi slt, %sub3A_504, %lt3A_509 : vector<16xi32>
      %and3A_511 = arith.andi %ge3A_507, %lt3A_510 : vector<16xi1>
      %and3A_512 = arith.constant 31 : i32
      %and3A_513 = vector.broadcast %and3A_512 : i32 to vector<16xi32>
      %and3A_514 = arith.andi %sub3A_504, %and3A_513 : vector<16xi32>
      %add3A_515 = arith.constant 25000 : i32
      %add3A_516 = vector.broadcast %add3A_515 : i32 to vector<16xi32>
      %add3A_517 = arith.addi %add3A_516, %and3A_514 : vector<16xi32>
      %add3A_518 = vector.broadcast %arg1 : i32 to vector<16xi32>
      %add3A_519 = arith.addi %add3A_517, %add3A_518 : vector<16xi32>
      %select_n3A_520 = arith.select %and3A_511, %sub3A_504, %add3A_519 : vector<16xi1>, vector<16xi32>
      %swap3A_521 = arith.constant 64 : index
      %swap3A_522 = tpu.vector_load %arg12[%swap3A_521] {strides = array<i32>} : memref<80xi32, #tpu.memory_space<vmem>>, vector<16xi32>,
      %swap3A_523 = vector.shape_cast %swap3A_522 : vector<16xi32> to vector<16xi32>
      %swap3A_524 = vector.shape_cast %select_n3A_520 : vector<16xi32> to vector<16xi32>
      tpu.vector_store %arg12[%swap3A_521], %swap3A_524 {strides = array<i32>} : memref<80xi32, #tpu.memory_space<vmem>>, vector<16xi32>,
      %get3A_525 = arith.constant 0 : index
      %get3A_526 = tpu.vector_load %arg17[%get3A_525] {strides = array<i32>} : memref<80xi32, #tpu.memory_space<vmem>>, vector<16xi32>,
      %get3A_527 = vector.shape_cast %get3A_526 : vector<16xi32> to vector<16xi32>
      %sub3A_528 = vector.broadcast %mul3A_12 : i32 to vector<16xi32>
      %sub3A_529 = arith.subi %get3A_527, %sub3A_528 : vector<16xi32>
      %ge3A_530 = arith.constant 0 : i32
      %ge3A_531 = vector.broadcast %ge3A_530 : i32 to vector<16xi32>
      %ge3A_532 = arith.cmpi sge, %sub3A_529, %ge3A_531 : vector<16xi32>
      %lt3A_533 = arith.constant 25000 : i32
      %lt3A_534 = vector.broadcast %lt3A_533 : i32 to vector<16xi32>
      %lt3A_535 = arith.cmpi slt, %sub3A_529, %lt3A_534 : vector<16xi32>
      %and3A_536 = arith.andi %ge3A_532, %lt3A_535 : vector<16xi1>
      %and3A_537 = arith.constant 31 : i32
      %and3A_538 = vector.broadcast %and3A_537 : i32 to vector<16xi32>
      %and3A_539 = arith.andi %sub3A_529, %and3A_538 : vector<16xi32>
      %add3A_540 = arith.constant 25000 : i32
      %add3A_541 = vector.broadcast %add3A_540 : i32 to vector<16xi32>
      %add3A_542 = arith.addi %add3A_541, %and3A_539 : vector<16xi32>
      %add3A_543 = vector.broadcast %arg1 : i32 to vector<16xi32>
      %add3A_544 = arith.addi %add3A_542, %add3A_543 : vector<16xi32>
      %select_n3A_545 = arith.select %and3A_536, %sub3A_529, %add3A_544 : vector<16xi1>, vector<16xi32>
      %swap3A_546 = arith.constant 0 : index
      %swap3A_547 = tpu.vector_load %arg17[%swap3A_546] {strides = array<i32>} : memref<80xi32, #tpu.memory_space<vmem>>, vector<16xi32>,
      %swap3A_548 = vector.shape_cast %swap3A_547 : vector<16xi32> to vector<16xi32>
      %swap3A_549 = vector.shape_cast %select_n3A_545 : vector<16xi32> to vector<16xi32>
      tpu.vector_store %arg17[%swap3A_546], %swap3A_549 {strides = array<i32>} : memref<80xi32, #tpu.memory_space<vmem>>, vector<16xi32>,
      %get3A_550 = arith.constant 16 : index
      %get3A_551 = tpu.vector_load %arg17[%get3A_550] {strides = array<i32>} : memref<80xi32, #tpu.memory_space<vmem>>, vector<16xi32>,
      %get3A_552 = vector.shape_cast %get3A_551 : vector<16xi32> to vector<16xi32>
      %sub3A_553 = vector.broadcast %mul3A_12 : i32 to vector<16xi32>
      %sub3A_554 = arith.subi %get3A_552, %sub3A_553 : vector<16xi32>
      %ge3A_555 = arith.constant 0 : i32
      %ge3A_556 = vector.broadcast %ge3A_555 : i32 to vector<16xi32>
      %ge3A_557 = arith.cmpi sge, %sub3A_554, %ge3A_556 : vector<16xi32>
      %lt3A_558 = arith.constant 25000 : i32
      %lt3A_559 = vector.broadcast %lt3A_558 : i32 to vector<16xi32>
      %lt3A_560 = arith.cmpi slt, %sub3A_554, %lt3A_559 : vector<16xi32>
      %and3A_561 = arith.andi %ge3A_557, %lt3A_560 : vector<16xi1>
      %and3A_562 = arith.constant 31 : i32
      %and3A_563 = vector.broadcast %and3A_562 : i32 to vector<16xi32>
      %and3A_564 = arith.andi %sub3A_554, %and3A_563 : vector<16xi32>
      %add3A_565 = arith.constant 25000 : i32
      %add3A_566 = vector.broadcast %add3A_565 : i32 to vector<16xi32>
      %add3A_567 = arith.addi %add3A_566, %and3A_564 : vector<16xi32>
      %add3A_568 = vector.broadcast %arg1 : i32 to vector<16xi32>
      %add3A_569 = arith.addi %add3A_567, %add3A_568 : vector<16xi32>
      %select_n3A_570 = arith.select %and3A_561, %sub3A_554, %add3A_569 : vector<16xi1>, vector<16xi32>
      %swap3A_571 = arith.constant 16 : index
      %swap3A_572 = tpu.vector_load %arg17[%swap3A_571] {strides = array<i32>} : memref<80xi32, #tpu.memory_space<vmem>>, vector<16xi32>,
      %swap3A_573 = vector.shape_cast %swap3A_572 : vector<16xi32> to vector<16xi32>
      %swap3A_574 = vector.shape_cast %select_n3A_570 : vector<16xi32> to vector<16xi32>
      tpu.vector_store %arg17[%swap3A_571], %swap3A_574 {strides = array<i32>} : memref<80xi32, #tpu.memory_space<vmem>>, vector<16xi32>,
      %get3A_575 = arith.constant 32 : index
      %get3A_576 = tpu.vector_load %arg17[%get3A_575] {strides = array<i32>} : memref<80xi32, #tpu.memory_space<vmem>>, vector<16xi32>,
      %get3A_577 = vector.shape_cast %get3A_576 : vector<16xi32> to vector<16xi32>
      %sub3A_578 = vector.broadcast %mul3A_12 : i32 to vector<16xi32>
      %sub3A_579 = arith.subi %get3A_577, %sub3A_578 : vector<16xi32>
      %ge3A_580 = arith.constant 0 : i32
      %ge3A_581 = vector.broadcast %ge3A_580 : i32 to vector<16xi32>
      %ge3A_582 = arith.cmpi sge, %sub3A_579, %ge3A_581 : vector<16xi32>
      %lt3A_583 = arith.constant 25000 : i32
      %lt3A_584 = vector.broadcast %lt3A_583 : i32 to vector<16xi32>
      %lt3A_585 = arith.cmpi slt, %sub3A_579, %lt3A_584 : vector<16xi32>
      %and3A_586 = arith.andi %ge3A_582, %lt3A_585 : vector<16xi1>
      %and3A_587 = arith.constant 31 : i32
      %and3A_588 = vector.broadcast %and3A_587 : i32 to vector<16xi32>
      %and3A_589 = arith.andi %sub3A_579, %and3A_588 : vector<16xi32>
      %add3A_590 = arith.constant 25000 : i32
      %add3A_591 = vector.broadcast %add3A_590 : i32 to vector<16xi32>
      %add3A_592 = arith.addi %add3A_591, %and3A_589 : vector<16xi32>
      %add3A_593 = vector.broadcast %arg1 : i32 to vector<16xi32>
      %add3A_594 = arith.addi %add3A_592, %add3A_593 : vector<16xi32>
      %select_n3A_595 = arith.select %and3A_586, %sub3A_579, %add3A_594 : vector<16xi1>, vector<16xi32>
      %swap3A_596 = arith.constant 32 : index
      %swap3A_597 = tpu.vector_load %arg17[%swap3A_596] {strides = array<i32>} : memref<80xi32, #tpu.memory_space<vmem>>, vector<16xi32>,
      %swap3A_598 = vector.shape_cast %swap3A_597 : vector<16xi32> to vector<16xi32>
      %swap3A_599 = vector.shape_cast %select_n3A_595 : vector<16xi32> to vector<16xi32>
      tpu.vector_store %arg17[%swap3A_596], %swap3A_599 {strides = array<i32>} : memref<80xi32, #tpu.memory_space<vmem>>, vector<16xi32>,
      %get3A_600 = arith.constant 48 : index
      %get3A_601 = tpu.vector_load %arg17[%get3A_600] {strides = array<i32>} : memref<80xi32, #tpu.memory_space<vmem>>, vector<16xi32>,
      %get3A_602 = vector.shape_cast %get3A_601 : vector<16xi32> to vector<16xi32>
      %sub3A_603 = vector.broadcast %mul3A_12 : i32 to vector<16xi32>
      %sub3A_604 = arith.subi %get3A_602, %sub3A_603 : vector<16xi32>
      %ge3A_605 = arith.constant 0 : i32
      %ge3A_606 = vector.broadcast %ge3A_605 : i32 to vector<16xi32>
      %ge3A_607 = arith.cmpi sge, %sub3A_604, %ge3A_606 : vector<16xi32>
      %lt3A_608 = arith.constant 25000 : i32
      %lt3A_609 = vector.broadcast %lt3A_608 : i32 to vector<16xi32>
      %lt3A_610 = arith.cmpi slt, %sub3A_604, %lt3A_609 : vector<16xi32>
      %and3A_611 = arith.andi %ge3A_607, %lt3A_610 : vector<16xi1>
      %and3A_612 = arith.constant 31 : i32
      %and3A_613 = vector.broadcast %and3A_612 : i32 to vector<16xi32>
      %and3A_614 = arith.andi %sub3A_604, %and3A_613 : vector<16xi32>
      %add3A_615 = arith.constant 25000 : i32
      %add3A_616 = vector.broadcast %add3A_615 : i32 to vector<16xi32>
      %add3A_617 = arith.addi %add3A_616, %and3A_614 : vector<16xi32>
      %add3A_618 = vector.broadcast %arg1 : i32 to vector<16xi32>
      %add3A_619 = arith.addi %add3A_617, %add3A_618 : vector<16xi32>
      %select_n3A_620 = arith.select %and3A_611, %sub3A_604, %add3A_619 : vector<16xi1>, vector<16xi32>
      %swap3A_621 = arith.constant 48 : index
      %swap3A_622 = tpu.vector_load %arg17[%swap3A_621] {strides = array<i32>} : memref<80xi32, #tpu.memory_space<vmem>>, vector<16xi32>,
      %swap3A_623 = vector.shape_cast %swap3A_622 : vector<16xi32> to vector<16xi32>
      %swap3A_624 = vector.shape_cast %select_n3A_620 : vector<16xi32> to vector<16xi32>
      tpu.vector_store %arg17[%swap3A_621], %swap3A_624 {strides = array<i32>} : memref<80xi32, #tpu.memory_space<vmem>>, vector<16xi32>,
      %get3A_625 = arith.constant 64 : index
      %get3A_626 = tpu.vector_load %arg17[%get3A_625] {strides = array<i32>} : memref<80xi32, #tpu.memory_space<vmem>>, vector<16xi32>,
      %get3A_627 = vector.shape_cast %get3A_626 : vector<16xi32> to vector<16xi32>
      %sub3A_628 = vector.broadcast %mul3A_12 : i32 to vector<16xi32>
      %sub3A_629 = arith.subi %get3A_627, %sub3A_628 : vector<16xi32>
      %ge3A_630 = arith.constant 0 : i32
      %ge3A_631 = vector.broadcast %ge3A_630 : i32 to vector<16xi32>
      %ge3A_632 = arith.cmpi sge, %sub3A_629, %ge3A_631 : vector<16xi32>
      %lt3A_633 = arith.constant 25000 : i32
      %lt3A_634 = vector.broadcast %lt3A_633 : i32 to vector<16xi32>
      %lt3A_635 = arith.cmpi slt, %sub3A_629, %lt3A_634 : vector<16xi32>
      %and3A_636 = arith.andi %ge3A_632, %lt3A_635 : vector<16xi1>
      %and3A_637 = arith.constant 31 : i32
      %and3A_638 = vector.broadcast %and3A_637 : i32 to vector<16xi32>
      %and3A_639 = arith.andi %sub3A_629, %and3A_638 : vector<16xi32>
      %add3A_640 = arith.constant 25000 : i32
      %add3A_641 = vector.broadcast %add3A_640 : i32 to vector<16xi32>
      %add3A_642 = arith.addi %add3A_641, %and3A_639 : vector<16xi32>
      %add3A_643 = vector.broadcast %arg1 : i32 to vector<16xi32>
      %add3A_644 = arith.addi %add3A_642, %add3A_643 : vector<16xi32>
      %select_n3A_645 = arith.select %and3A_636, %sub3A_629, %add3A_644 : vector<16xi1>, vector<16xi32>
      %swap3A_646 = arith.constant 64 : index
      %swap3A_647 = tpu.vector_load %arg17[%swap3A_646] {strides = array<i32>} : memref<80xi32, #tpu.memory_space<vmem>>, vector<16xi32>,
      %swap3A_648 = vector.shape_cast %swap3A_647 : vector<16xi32> to vector<16xi32>
      %swap3A_649 = vector.shape_cast %select_n3A_645 : vector<16xi32> to vector<16xi32>
      tpu.vector_store %arg17[%swap3A_646], %swap3A_649 {strides = array<i32>} : memref<80xi32, #tpu.memory_space<vmem>>, vector<16xi32>,
      %dma_start3A_650 = arith.constant 0 : i32
      %dma_start3A_651 = arith.constant 0 : i32
      %dma_start3A_652 = tpu.memref_slice %arg5[%dma_start3A_650, %dma_start3A_651] : memref<25056x64xf32, #tpu.memory_space<vmem_shared>> -> memref<25056x64xf32, #tpu.memory_space<vmem_shared>>
      tpu.enqueue_indirect_dma source(%arg7 : memref<80x64xf32, #tpu.memory_space<vmem>>) target(%dma_start3A_652 : memref<25056x64xf32, #tpu.memory_space<vmem_shared>>) offsets(%arg12 : memref<80xi32, #tpu.memory_space<vmem>>) semaphore(%arg28 : memref<!tpu.dma_semaphore, #tpu.memory_space<semaphore_mem>>) {add = true}
      %dma_start3A_653 = arith.constant 0 : i32
      %dma_start3A_654 = arith.constant 0 : i32
      %dma_start3A_655 = tpu.memref_slice %arg5[%dma_start3A_653, %dma_start3A_654] : memref<25056x64xf32, #tpu.memory_space<vmem_shared>> -> memref<25056x64xf32, #tpu.memory_space<vmem_shared>>
      tpu.enqueue_indirect_dma source(%arg7 : memref<80x64xf32, #tpu.memory_space<vmem>>) target(%dma_start3A_655 : memref<25056x64xf32, #tpu.memory_space<vmem_shared>>) offsets(%arg17 : memref<80xi32, #tpu.memory_space<vmem>>) semaphore(%arg28 : memref<!tpu.dma_semaphore, #tpu.memory_space<semaphore_mem>>) {add = true}
      %mul3A_656 = arith.constant 5 : i32
      %mul3A_657 = arith.muli %scan3A_78, %mul3A_656 : i32
      %add3A_658 = arith.constant 2 : i32
      %add3A_659 = arith.addi %mul3A_657, %add3A_658 : i32
      %ge3A_660 = arith.constant 3 : i32
      %ge3A_661 = arith.cmpi sge, %add3A_659, %ge3A_660 : i32
      %convert_element_type3A_662 = arith.extui %ge3A_661 : i1 to i32
      %cond3A_663 = arith.constant 0 : i32
      %cond3A_664 = arith.cmpi ne, %convert_element_type3A_662, %cond3A_663 : i32
      scf.if %cond3A_664 {
        %dma_wait3A_1532 = arith.constant 0 : i32
        %dma_wait3A_1533 = arith.constant 0 : i32
        %dma_wait3A_1534 = tpu.memref_slice %arg5[%dma_wait3A_1532, %dma_wait3A_1533] : memref<25056x64xf32, #tpu.memory_space<vmem_shared>> -> memref<25056x64xf32, #tpu.memory_space<vmem_shared>>
        tpu.wait_indirect_dma semaphore(%arg31 : memref<!tpu.dma_semaphore, #tpu.memory_space<semaphore_mem>>) src(%arg10 : memref<80x64xf32, #tpu.memory_space<vmem>>) dst(%dma_wait3A_1534 : memref<25056x64xf32, #tpu.memory_space<vmem_shared>>)
        %dma_wait3A_1535 = arith.constant 0 : i32
        %dma_wait3A_1536 = arith.constant 0 : i32
        %dma_wait3A_1537 = tpu.memref_slice %arg5[%dma_wait3A_1535, %dma_wait3A_1536] : memref<25056x64xf32, #tpu.memory_space<vmem_shared>> -> memref<25056x64xf32, #tpu.memory_space<vmem_shared>>
        tpu.wait_indirect_dma semaphore(%arg31 : memref<!tpu.dma_semaphore, #tpu.memory_space<semaphore_mem>>) src(%arg10 : memref<80x64xf32, #tpu.memory_space<vmem>>) dst(%dma_wait3A_1537 : memref<25056x64xf32, #tpu.memory_space<vmem_shared>>)
      } else {
      }
      %add3A_665 = arith.constant 2 : i32
      %add3A_666 = arith.addi %add3A_659, %add3A_665 : i32
      %lt3A_667 = arith.constant 625 : i32
      %lt3A_668 = arith.cmpi slt, %add3A_666, %lt3A_667 : i32
      %convert_element_type3A_669 = arith.extui %lt3A_668 : i1 to i32
      %cond3A_670 = arith.constant 0 : i32
      %cond3A_671 = arith.cmpi ne, %convert_element_type3A_669, %cond3A_670 : i32
      scf.if %cond3A_671 {
        %add3A_1532 = arith.constant 2 : i32
        %add3A_1533 = arith.addi %add3A_659, %add3A_1532 : i32
        %mul3A_1534 = arith.constant 80 : i32
        %mul3A_1535 = arith.muli %add3A_1533, %mul3A_1534 : i32
        %add3A_1536 = arith.addi %mul3A_14, %mul3A_1535 : i32
        %dma_start3A_1537 = arith.constant 0 : i32
        %dma_start3A_1538 = tpu.memref_slice %arg2[%add3A_1536, %dma_start3A_1537] : memref<800000x128xf32, #tpu.memory_space<hbm>> -> memref<80x64xf32, #tpu.memory_space<hbm>>
        %dma_start3A_1539 = arith.constant 0 : i32
        %dma_start3A_1540 = tpu.memref_slice %arg2[%add3A_1536, %dma_start3A_1539] : memref<800000x128xf32, #tpu.memory_space<hbm>> -> memref<80x64xf32, #tpu.memory_space<hbm>>
        tpu.enqueue_dma source(%dma_start3A_1540 : memref<80x64xf32, #tpu.memory_space<hbm>>) target(%arg10 : memref<80x64xf32, #tpu.memory_space<vmem>>) target_semaphore(%arg26 : memref<!tpu.dma_semaphore, #tpu.memory_space<semaphore_mem>>)
        %dma_start3A_1541 = arith.constant 0 : i32
        %dma_start3A_1542 = tpu.memref_slice %arg3[%dma_start3A_1541, %add3A_1536] : memref<2x800000xi32, #tpu.memory_space<hbm>> -> memref<1x80xi32, #tpu.memory_space<hbm>>
        %dma_start3A_1543 = tpu.memref_squeeze %dma_start3A_1542 : memref<1x80xi32, #tpu.memory_space<hbm>> -> memref<80xi32, #tpu.memory_space<hbm>>
        %dma_start3A_1544 = tpu.memref_slice %arg3[%dma_start3A_1541, %add3A_1536] : memref<2x800000xi32, #tpu.memory_space<hbm>> -> memref<1x80xi32, #tpu.memory_space<hbm>>
        %dma_start3A_1545 = tpu.memref_squeeze %dma_start3A_1544 : memref<1x80xi32, #tpu.memory_space<hbm>> -> memref<80xi32, #tpu.memory_space<hbm>>
        tpu.enqueue_dma source(%dma_start3A_1545 : memref<80xi32, #tpu.memory_space<hbm>>) target(%arg15 : memref<80xi32, #tpu.memory_space<vmem>>) target_semaphore(%arg26 : memref<!tpu.dma_semaphore, #tpu.memory_space<semaphore_mem>>)
        %dma_start3A_1546 = arith.constant 1 : i32
        %dma_start3A_1547 = tpu.memref_slice %arg3[%dma_start3A_1546, %add3A_1536] : memref<2x800000xi32, #tpu.memory_space<hbm>> -> memref<1x80xi32, #tpu.memory_space<hbm>>
        %dma_start3A_1548 = tpu.memref_squeeze %dma_start3A_1547 : memref<1x80xi32, #tpu.memory_space<hbm>> -> memref<80xi32, #tpu.memory_space<hbm>>
        %dma_start3A_1549 = tpu.memref_slice %arg3[%dma_start3A_1546, %add3A_1536] : memref<2x800000xi32, #tpu.memory_space<hbm>> -> memref<1x80xi32, #tpu.memory_space<hbm>>
        %dma_start3A_1550 = tpu.memref_squeeze %dma_start3A_1549 : memref<1x80xi32, #tpu.memory_space<hbm>> -> memref<80xi32, #tpu.memory_space<hbm>>
        tpu.enqueue_dma source(%dma_start3A_1550 : memref<80xi32, #tpu.memory_space<hbm>>) target(%arg20 : memref<80xi32, #tpu.memory_space<vmem>>) target_semaphore(%arg26 : memref<!tpu.dma_semaphore, #tpu.memory_space<semaphore_mem>>)
      } else {
      }
      %dma_wait3A_672 = arith.constant 0 : i32
      %dma_wait3A_673 = arith.constant 0 : i32
      %dma_wait3A_674 = tpu.memref_slice %arg2[%dma_wait3A_672, %dma_wait3A_673] : memref<800000x128xf32, #tpu.memory_space<hbm>> -> memref<80x64xf32, #tpu.memory_space<hbm>>
      %dma_wait3A_675 = arith.constant 0 : i32
      %dma_wait3A_676 = arith.constant 0 : i32
      %dma_wait3A_677 = tpu.memref_slice %arg2[%dma_wait3A_675, %dma_wait3A_676] : memref<800000x128xf32, #tpu.memory_space<hbm>> -> memref<80x64xf32, #tpu.memory_space<hbm>>
      tpu.wait_dma2 semaphore(%arg24 : memref<!tpu.dma_semaphore, #tpu.memory_space<semaphore_mem>>) src(%dma_wait3A_677 : memref<80x64xf32, #tpu.memory_space<hbm>>) dst(%arg8 : memref<80x64xf32, #tpu.memory_space<vmem>>)
      %dma_wait3A_678 = arith.constant 0 : i32
      %dma_wait3A_679 = arith.constant 0 : i32
      %dma_wait3A_680 = tpu.memref_slice %arg3[%dma_wait3A_678, %dma_wait3A_679] : memref<2x800000xi32, #tpu.memory_space<hbm>> -> memref<1x80xi32, #tpu.memory_space<hbm>>
      %dma_wait3A_681 = tpu.memref_squeeze %dma_wait3A_680 : memref<1x80xi32, #tpu.memory_space<hbm>> -> memref<80xi32, #tpu.memory_space<hbm>>
      %dma_wait3A_682 = arith.constant 0 : i32
      %dma_wait3A_683 = tpu.memref_slice %arg3[%dma_wait3A_678, %dma_wait3A_682] : memref<2x800000xi32, #tpu.memory_space<hbm>> -> memref<1x80xi32, #tpu.memory_space<hbm>>
      %dma_wait3A_684 = tpu.memref_squeeze %dma_wait3A_683 : memref<1x80xi32, #tpu.memory_space<hbm>> -> memref<80xi32, #tpu.memory_space<hbm>>
      tpu.wait_dma2 semaphore(%arg24 : memref<!tpu.dma_semaphore, #tpu.memory_space<semaphore_mem>>) src(%dma_wait3A_684 : memref<80xi32, #tpu.memory_space<hbm>>) dst(%arg13 : memref<80xi32, #tpu.memory_space<vmem>>)
      %dma_wait3A_685 = arith.constant 1 : i32
      %dma_wait3A_686 = arith.constant 0 : i32
      %dma_wait3A_687 = tpu.memref_slice %arg3[%dma_wait3A_685, %dma_wait3A_686] : memref<2x800000xi32, #tpu.memory_space<hbm>> -> memref<1x80xi32, #tpu.memory_space<hbm>>
      %dma_wait3A_688 = tpu.memref_squeeze %dma_wait3A_687 : memref<1x80xi32, #tpu.memory_space<hbm>> -> memref<80xi32, #tpu.memory_space<hbm>>
      %dma_wait3A_689 = arith.constant 0 : i32
      %dma_wait3A_690 = tpu.memref_slice %arg3[%dma_wait3A_685, %dma_wait3A_689] : memref<2x800000xi32, #tpu.memory_space<hbm>> -> memref<1x80xi32, #tpu.memory_space<hbm>>
      %dma_wait3A_691 = tpu.memref_squeeze %dma_wait3A_690 : memref<1x80xi32, #tpu.memory_space<hbm>> -> memref<80xi32, #tpu.memory_space<hbm>>
      tpu.wait_dma2 semaphore(%arg24 : memref<!tpu.dma_semaphore, #tpu.memory_space<semaphore_mem>>) src(%dma_wait3A_691 : memref<80xi32, #tpu.memory_space<hbm>>) dst(%arg18 : memref<80xi32, #tpu.memory_space<vmem>>)
      %get3A_692 = arith.constant 0 : index
      %get3A_693 = tpu.vector_load %arg13[%get3A_692] {strides = array<i32>} : memref<80xi32, #tpu.memory_space<vmem>>, vector<16xi32>,
      %get3A_694 = vector.shape_cast %get3A_693 : vector<16xi32> to vector<16xi32>
      %sub3A_695 = vector.broadcast %mul3A_12 : i32 to vector<16xi32>
      %sub3A_696 = arith.subi %get3A_694, %sub3A_695 : vector<16xi32>
      %ge3A_697 = arith.constant 0 : i32
      %ge3A_698 = vector.broadcast %ge3A_697 : i32 to vector<16xi32>
      %ge3A_699 = arith.cmpi sge, %sub3A_696, %ge3A_698 : vector<16xi32>
      %lt3A_700 = arith.constant 25000 : i32
      %lt3A_701 = vector.broadcast %lt3A_700 : i32 to vector<16xi32>
      %lt3A_702 = arith.cmpi slt, %sub3A_696, %lt3A_701 : vector<16xi32>
      %and3A_703 = arith.andi %ge3A_699, %lt3A_702 : vector<16xi1>
      %and3A_704 = arith.constant 31 : i32
      %and3A_705 = vector.broadcast %and3A_704 : i32 to vector<16xi32>
      %and3A_706 = arith.andi %sub3A_696, %and3A_705 : vector<16xi32>
      %add3A_707 = arith.constant 25000 : i32
      %add3A_708 = vector.broadcast %add3A_707 : i32 to vector<16xi32>
      %add3A_709 = arith.addi %add3A_708, %and3A_706 : vector<16xi32>
      %add3A_710 = vector.broadcast %arg1 : i32 to vector<16xi32>
      %add3A_711 = arith.addi %add3A_709, %add3A_710 : vector<16xi32>
      %select_n3A_712 = arith.select %and3A_703, %sub3A_696, %add3A_711 : vector<16xi1>, vector<16xi32>
      %swap3A_713 = arith.constant 0 : index
      %swap3A_714 = tpu.vector_load %arg13[%swap3A_713] {strides = array<i32>} : memref<80xi32, #tpu.memory_space<vmem>>, vector<16xi32>,
      %swap3A_715 = vector.shape_cast %swap3A_714 : vector<16xi32> to vector<16xi32>
      %swap3A_716 = vector.shape_cast %select_n3A_712 : vector<16xi32> to vector<16xi32>
      tpu.vector_store %arg13[%swap3A_713], %swap3A_716 {strides = array<i32>} : memref<80xi32, #tpu.memory_space<vmem>>, vector<16xi32>,
      %get3A_717 = arith.constant 16 : index
      %get3A_718 = tpu.vector_load %arg13[%get3A_717] {strides = array<i32>} : memref<80xi32, #tpu.memory_space<vmem>>, vector<16xi32>,
      %get3A_719 = vector.shape_cast %get3A_718 : vector<16xi32> to vector<16xi32>
      %sub3A_720 = vector.broadcast %mul3A_12 : i32 to vector<16xi32>
      %sub3A_721 = arith.subi %get3A_719, %sub3A_720 : vector<16xi32>
      %ge3A_722 = arith.constant 0 : i32
      %ge3A_723 = vector.broadcast %ge3A_722 : i32 to vector<16xi32>
      %ge3A_724 = arith.cmpi sge, %sub3A_721, %ge3A_723 : vector<16xi32>
      %lt3A_725 = arith.constant 25000 : i32
      %lt3A_726 = vector.broadcast %lt3A_725 : i32 to vector<16xi32>
      %lt3A_727 = arith.cmpi slt, %sub3A_721, %lt3A_726 : vector<16xi32>
      %and3A_728 = arith.andi %ge3A_724, %lt3A_727 : vector<16xi1>
      %and3A_729 = arith.constant 31 : i32
      %and3A_730 = vector.broadcast %and3A_729 : i32 to vector<16xi32>
      %and3A_731 = arith.andi %sub3A_721, %and3A_730 : vector<16xi32>
      %add3A_732 = arith.constant 25000 : i32
      %add3A_733 = vector.broadcast %add3A_732 : i32 to vector<16xi32>
      %add3A_734 = arith.addi %add3A_733, %and3A_731 : vector<16xi32>
      %add3A_735 = vector.broadcast %arg1 : i32 to vector<16xi32>
      %add3A_736 = arith.addi %add3A_734, %add3A_735 : vector<16xi32>
      %select_n3A_737 = arith.select %and3A_728, %sub3A_721, %add3A_736 : vector<16xi1>, vector<16xi32>
      %swap3A_738 = arith.constant 16 : index
      %swap3A_739 = tpu.vector_load %arg13[%swap3A_738] {strides = array<i32>} : memref<80xi32, #tpu.memory_space<vmem>>, vector<16xi32>,
      %swap3A_740 = vector.shape_cast %swap3A_739 : vector<16xi32> to vector<16xi32>
      %swap3A_741 = vector.shape_cast %select_n3A_737 : vector<16xi32> to vector<16xi32>
      tpu.vector_store %arg13[%swap3A_738], %swap3A_741 {strides = array<i32>} : memref<80xi32, #tpu.memory_space<vmem>>, vector<16xi32>,
      %get3A_742 = arith.constant 32 : index
      %get3A_743 = tpu.vector_load %arg13[%get3A_742] {strides = array<i32>} : memref<80xi32, #tpu.memory_space<vmem>>, vector<16xi32>,
      %get3A_744 = vector.shape_cast %get3A_743 : vector<16xi32> to vector<16xi32>
      %sub3A_745 = vector.broadcast %mul3A_12 : i32 to vector<16xi32>
      %sub3A_746 = arith.subi %get3A_744, %sub3A_745 : vector<16xi32>
      %ge3A_747 = arith.constant 0 : i32
      %ge3A_748 = vector.broadcast %ge3A_747 : i32 to vector<16xi32>
      %ge3A_749 = arith.cmpi sge, %sub3A_746, %ge3A_748 : vector<16xi32>
      %lt3A_750 = arith.constant 25000 : i32
      %lt3A_751 = vector.broadcast %lt3A_750 : i32 to vector<16xi32>
      %lt3A_752 = arith.cmpi slt, %sub3A_746, %lt3A_751 : vector<16xi32>
      %and3A_753 = arith.andi %ge3A_749, %lt3A_752 : vector<16xi1>
      %and3A_754 = arith.constant 31 : i32
      %and3A_755 = vector.broadcast %and3A_754 : i32 to vector<16xi32>
      %and3A_756 = arith.andi %sub3A_746, %and3A_755 : vector<16xi32>
      %add3A_757 = arith.constant 25000 : i32
      %add3A_758 = vector.broadcast %add3A_757 : i32 to vector<16xi32>
      %add3A_759 = arith.addi %add3A_758, %and3A_756 : vector<16xi32>
      %add3A_760 = vector.broadcast %arg1 : i32 to vector<16xi32>
      %add3A_761 = arith.addi %add3A_759, %add3A_760 : vector<16xi32>
      %select_n3A_762 = arith.select %and3A_753, %sub3A_746, %add3A_761 : vector<16xi1>, vector<16xi32>
      %swap3A_763 = arith.constant 32 : index
      %swap3A_764 = tpu.vector_load %arg13[%swap3A_763] {strides = array<i32>} : memref<80xi32, #tpu.memory_space<vmem>>, vector<16xi32>,
      %swap3A_765 = vector.shape_cast %swap3A_764 : vector<16xi32> to vector<16xi32>
      %swap3A_766 = vector.shape_cast %select_n3A_762 : vector<16xi32> to vector<16xi32>
      tpu.vector_store %arg13[%swap3A_763], %swap3A_766 {strides = array<i32>} : memref<80xi32, #tpu.memory_space<vmem>>, vector<16xi32>,
      %get3A_767 = arith.constant 48 : index
      %get3A_768 = tpu.vector_load %arg13[%get3A_767] {strides = array<i32>} : memref<80xi32, #tpu.memory_space<vmem>>, vector<16xi32>,
      %get3A_769 = vector.shape_cast %get3A_768 : vector<16xi32> to vector<16xi32>
      %sub3A_770 = vector.broadcast %mul3A_12 : i32 to vector<16xi32>
      %sub3A_771 = arith.subi %get3A_769, %sub3A_770 : vector<16xi32>
      %ge3A_772 = arith.constant 0 : i32
      %ge3A_773 = vector.broadcast %ge3A_772 : i32 to vector<16xi32>
      %ge3A_774 = arith.cmpi sge, %sub3A_771, %ge3A_773 : vector<16xi32>
      %lt3A_775 = arith.constant 25000 : i32
      %lt3A_776 = vector.broadcast %lt3A_775 : i32 to vector<16xi32>
      %lt3A_777 = arith.cmpi slt, %sub3A_771, %lt3A_776 : vector<16xi32>
      %and3A_778 = arith.andi %ge3A_774, %lt3A_777 : vector<16xi1>
      %and3A_779 = arith.constant 31 : i32
      %and3A_780 = vector.broadcast %and3A_779 : i32 to vector<16xi32>
      %and3A_781 = arith.andi %sub3A_771, %and3A_780 : vector<16xi32>
      %add3A_782 = arith.constant 25000 : i32
      %add3A_783 = vector.broadcast %add3A_782 : i32 to vector<16xi32>
      %add3A_784 = arith.addi %add3A_783, %and3A_781 : vector<16xi32>
      %add3A_785 = vector.broadcast %arg1 : i32 to vector<16xi32>
      %add3A_786 = arith.addi %add3A_784, %add3A_785 : vector<16xi32>
      %select_n3A_787 = arith.select %and3A_778, %sub3A_771, %add3A_786 : vector<16xi1>, vector<16xi32>
      %swap3A_788 = arith.constant 48 : index
      %swap3A_789 = tpu.vector_load %arg13[%swap3A_788] {strides = array<i32>} : memref<80xi32, #tpu.memory_space<vmem>>, vector<16xi32>,
      %swap3A_790 = vector.shape_cast %swap3A_789 : vector<16xi32> to vector<16xi32>
      %swap3A_791 = vector.shape_cast %select_n3A_787 : vector<16xi32> to vector<16xi32>
      tpu.vector_store %arg13[%swap3A_788], %swap3A_791 {strides = array<i32>} : memref<80xi32, #tpu.memory_space<vmem>>, vector<16xi32>,
      %get3A_792 = arith.constant 64 : index
      %get3A_793 = tpu.vector_load %arg13[%get3A_792] {strides = array<i32>} : memref<80xi32, #tpu.memory_space<vmem>>, vector<16xi32>,
      %get3A_794 = vector.shape_cast %get3A_793 : vector<16xi32> to vector<16xi32>
      %sub3A_795 = vector.broadcast %mul3A_12 : i32 to vector<16xi32>
      %sub3A_796 = arith.subi %get3A_794, %sub3A_795 : vector<16xi32>
      %ge3A_797 = arith.constant 0 : i32
      %ge3A_798 = vector.broadcast %ge3A_797 : i32 to vector<16xi32>
      %ge3A_799 = arith.cmpi sge, %sub3A_796, %ge3A_798 : vector<16xi32>
      %lt3A_800 = arith.constant 25000 : i32
      %lt3A_801 = vector.broadcast %lt3A_800 : i32 to vector<16xi32>
      %lt3A_802 = arith.cmpi slt, %sub3A_796, %lt3A_801 : vector<16xi32>
      %and3A_803 = arith.andi %ge3A_799, %lt3A_802 : vector<16xi1>
      %and3A_804 = arith.constant 31 : i32
      %and3A_805 = vector.broadcast %and3A_804 : i32 to vector<16xi32>
      %and3A_806 = arith.andi %sub3A_796, %and3A_805 : vector<16xi32>
      %add3A_807 = arith.constant 25000 : i32
      %add3A_808 = vector.broadcast %add3A_807 : i32 to vector<16xi32>
      %add3A_809 = arith.addi %add3A_808, %and3A_806 : vector<16xi32>
      %add3A_810 = vector.broadcast %arg1 : i32 to vector<16xi32>
      %add3A_811 = arith.addi %add3A_809, %add3A_810 : vector<16xi32>
      %select_n3A_812 = arith.select %and3A_803, %sub3A_796, %add3A_811 : vector<16xi1>, vector<16xi32>
      %swap3A_813 = arith.constant 64 : index
      %swap3A_814 = tpu.vector_load %arg13[%swap3A_813] {strides = array<i32>} : memref<80xi32, #tpu.memory_space<vmem>>, vector<16xi32>,
      %swap3A_815 = vector.shape_cast %swap3A_814 : vector<16xi32> to vector<16xi32>
      %swap3A_816 = vector.shape_cast %select_n3A_812 : vector<16xi32> to vector<16xi32>
      tpu.vector_store %arg13[%swap3A_813], %swap3A_816 {strides = array<i32>} : memref<80xi32, #tpu.memory_space<vmem>>, vector<16xi32>,
      %get3A_817 = arith.constant 0 : index
      %get3A_818 = tpu.vector_load %arg18[%get3A_817] {strides = array<i32>} : memref<80xi32, #tpu.memory_space<vmem>>, vector<16xi32>,
      %get3A_819 = vector.shape_cast %get3A_818 : vector<16xi32> to vector<16xi32>
      %sub3A_820 = vector.broadcast %mul3A_12 : i32 to vector<16xi32>
      %sub3A_821 = arith.subi %get3A_819, %sub3A_820 : vector<16xi32>
      %ge3A_822 = arith.constant 0 : i32
      %ge3A_823 = vector.broadcast %ge3A_822 : i32 to vector<16xi32>
      %ge3A_824 = arith.cmpi sge, %sub3A_821, %ge3A_823 : vector<16xi32>
      %lt3A_825 = arith.constant 25000 : i32
      %lt3A_826 = vector.broadcast %lt3A_825 : i32 to vector<16xi32>
      %lt3A_827 = arith.cmpi slt, %sub3A_821, %lt3A_826 : vector<16xi32>
      %and3A_828 = arith.andi %ge3A_824, %lt3A_827 : vector<16xi1>
      %and3A_829 = arith.constant 31 : i32
      %and3A_830 = vector.broadcast %and3A_829 : i32 to vector<16xi32>
      %and3A_831 = arith.andi %sub3A_821, %and3A_830 : vector<16xi32>
      %add3A_832 = arith.constant 25000 : i32
      %add3A_833 = vector.broadcast %add3A_832 : i32 to vector<16xi32>
      %add3A_834 = arith.addi %add3A_833, %and3A_831 : vector<16xi32>
      %add3A_835 = vector.broadcast %arg1 : i32 to vector<16xi32>
      %add3A_836 = arith.addi %add3A_834, %add3A_835 : vector<16xi32>
      %select_n3A_837 = arith.select %and3A_828, %sub3A_821, %add3A_836 : vector<16xi1>, vector<16xi32>
      %swap3A_838 = arith.constant 0 : index
      %swap3A_839 = tpu.vector_load %arg18[%swap3A_838] {strides = array<i32>} : memref<80xi32, #tpu.memory_space<vmem>>, vector<16xi32>,
      %swap3A_840 = vector.shape_cast %swap3A_839 : vector<16xi32> to vector<16xi32>
      %swap3A_841 = vector.shape_cast %select_n3A_837 : vector<16xi32> to vector<16xi32>
      tpu.vector_store %arg18[%swap3A_838], %swap3A_841 {strides = array<i32>} : memref<80xi32, #tpu.memory_space<vmem>>, vector<16xi32>,
      %get3A_842 = arith.constant 16 : index
      %get3A_843 = tpu.vector_load %arg18[%get3A_842] {strides = array<i32>} : memref<80xi32, #tpu.memory_space<vmem>>, vector<16xi32>,
      %get3A_844 = vector.shape_cast %get3A_843 : vector<16xi32> to vector<16xi32>
      %sub3A_845 = vector.broadcast %mul3A_12 : i32 to vector<16xi32>
      %sub3A_846 = arith.subi %get3A_844, %sub3A_845 : vector<16xi32>
      %ge3A_847 = arith.constant 0 : i32
      %ge3A_848 = vector.broadcast %ge3A_847 : i32 to vector<16xi32>
      %ge3A_849 = arith.cmpi sge, %sub3A_846, %ge3A_848 : vector<16xi32>
      %lt3A_850 = arith.constant 25000 : i32
      %lt3A_851 = vector.broadcast %lt3A_850 : i32 to vector<16xi32>
      %lt3A_852 = arith.cmpi slt, %sub3A_846, %lt3A_851 : vector<16xi32>
      %and3A_853 = arith.andi %ge3A_849, %lt3A_852 : vector<16xi1>
      %and3A_854 = arith.constant 31 : i32
      %and3A_855 = vector.broadcast %and3A_854 : i32 to vector<16xi32>
      %and3A_856 = arith.andi %sub3A_846, %and3A_855 : vector<16xi32>
      %add3A_857 = arith.constant 25000 : i32
      %add3A_858 = vector.broadcast %add3A_857 : i32 to vector<16xi32>
      %add3A_859 = arith.addi %add3A_858, %and3A_856 : vector<16xi32>
      %add3A_860 = vector.broadcast %arg1 : i32 to vector<16xi32>
      %add3A_861 = arith.addi %add3A_859, %add3A_860 : vector<16xi32>
      %select_n3A_862 = arith.select %and3A_853, %sub3A_846, %add3A_861 : vector<16xi1>, vector<16xi32>
      %swap3A_863 = arith.constant 16 : index
      %swap3A_864 = tpu.vector_load %arg18[%swap3A_863] {strides = array<i32>} : memref<80xi32, #tpu.memory_space<vmem>>, vector<16xi32>,
      %swap3A_865 = vector.shape_cast %swap3A_864 : vector<16xi32> to vector<16xi32>
      %swap3A_866 = vector.shape_cast %select_n3A_862 : vector<16xi32> to vector<16xi32>
      tpu.vector_store %arg18[%swap3A_863], %swap3A_866 {strides = array<i32>} : memref<80xi32, #tpu.memory_space<vmem>>, vector<16xi32>,
      %get3A_867 = arith.constant 32 : index
      %get3A_868 = tpu.vector_load %arg18[%get3A_867] {strides = array<i32>} : memref<80xi32, #tpu.memory_space<vmem>>, vector<16xi32>,
      %get3A_869 = vector.shape_cast %get3A_868 : vector<16xi32> to vector<16xi32>
      %sub3A_870 = vector.broadcast %mul3A_12 : i32 to vector<16xi32>
      %sub3A_871 = arith.subi %get3A_869, %sub3A_870 : vector<16xi32>
      %ge3A_872 = arith.constant 0 : i32
      %ge3A_873 = vector.broadcast %ge3A_872 : i32 to vector<16xi32>
      %ge3A_874 = arith.cmpi sge, %sub3A_871, %ge3A_873 : vector<16xi32>
      %lt3A_875 = arith.constant 25000 : i32
      %lt3A_876 = vector.broadcast %lt3A_875 : i32 to vector<16xi32>
      %lt3A_877 = arith.cmpi slt, %sub3A_871, %lt3A_876 : vector<16xi32>
      %and3A_878 = arith.andi %ge3A_874, %lt3A_877 : vector<16xi1>
      %and3A_879 = arith.constant 31 : i32
      %and3A_880 = vector.broadcast %and3A_879 : i32 to vector<16xi32>
      %and3A_881 = arith.andi %sub3A_871, %and3A_880 : vector<16xi32>
      %add3A_882 = arith.constant 25000 : i32
      %add3A_883 = vector.broadcast %add3A_882 : i32 to vector<16xi32>
      %add3A_884 = arith.addi %add3A_883, %and3A_881 : vector<16xi32>
      %add3A_885 = vector.broadcast %arg1 : i32 to vector<16xi32>
      %add3A_886 = arith.addi %add3A_884, %add3A_885 : vector<16xi32>
      %select_n3A_887 = arith.select %and3A_878, %sub3A_871, %add3A_886 : vector<16xi1>, vector<16xi32>
      %swap3A_888 = arith.constant 32 : index
      %swap3A_889 = tpu.vector_load %arg18[%swap3A_888] {strides = array<i32>} : memref<80xi32, #tpu.memory_space<vmem>>, vector<16xi32>,
      %swap3A_890 = vector.shape_cast %swap3A_889 : vector<16xi32> to vector<16xi32>
      %swap3A_891 = vector.shape_cast %select_n3A_887 : vector<16xi32> to vector<16xi32>
      tpu.vector_store %arg18[%swap3A_888], %swap3A_891 {strides = array<i32>} : memref<80xi32, #tpu.memory_space<vmem>>, vector<16xi32>,
      %get3A_892 = arith.constant 48 : index
      %get3A_893 = tpu.vector_load %arg18[%get3A_892] {strides = array<i32>} : memref<80xi32, #tpu.memory_space<vmem>>, vector<16xi32>,
      %get3A_894 = vector.shape_cast %get3A_893 : vector<16xi32> to vector<16xi32>
      %sub3A_895 = vector.broadcast %mul3A_12 : i32 to vector<16xi32>
      %sub3A_896 = arith.subi %get3A_894, %sub3A_895 : vector<16xi32>
      %ge3A_897 = arith.constant 0 : i32
      %ge3A_898 = vector.broadcast %ge3A_897 : i32 to vector<16xi32>
      %ge3A_899 = arith.cmpi sge, %sub3A_896, %ge3A_898 : vector<16xi32>
      %lt3A_900 = arith.constant 25000 : i32
      %lt3A_901 = vector.broadcast %lt3A_900 : i32 to vector<16xi32>
      %lt3A_902 = arith.cmpi slt, %sub3A_896, %lt3A_901 : vector<16xi32>
      %and3A_903 = arith.andi %ge3A_899, %lt3A_902 : vector<16xi1>
      %and3A_904 = arith.constant 31 : i32
      %and3A_905 = vector.broadcast %and3A_904 : i32 to vector<16xi32>
      %and3A_906 = arith.andi %sub3A_896, %and3A_905 : vector<16xi32>
      %add3A_907 = arith.constant 25000 : i32
      %add3A_908 = vector.broadcast %add3A_907 : i32 to vector<16xi32>
      %add3A_909 = arith.addi %add3A_908, %and3A_906 : vector<16xi32>
      %add3A_910 = vector.broadcast %arg1 : i32 to vector<16xi32>
      %add3A_911 = arith.addi %add3A_909, %add3A_910 : vector<16xi32>
      %select_n3A_912 = arith.select %and3A_903, %sub3A_896, %add3A_911 : vector<16xi1>, vector<16xi32>
      %swap3A_913 = arith.constant 48 : index
      %swap3A_914 = tpu.vector_load %arg18[%swap3A_913] {strides = array<i32>} : memref<80xi32, #tpu.memory_space<vmem>>, vector<16xi32>,
      %swap3A_915 = vector.shape_cast %swap3A_914 : vector<16xi32> to vector<16xi32>
      %swap3A_916 = vector.shape_cast %select_n3A_912 : vector<16xi32> to vector<16xi32>
      tpu.vector_store %arg18[%swap3A_913], %swap3A_916 {strides = array<i32>} : memref<80xi32, #tpu.memory_space<vmem>>, vector<16xi32>,
      %get3A_917 = arith.constant 64 : index
      %get3A_918 = tpu.vector_load %arg18[%get3A_917] {strides = array<i32>} : memref<80xi32, #tpu.memory_space<vmem>>, vector<16xi32>,
      %get3A_919 = vector.shape_cast %get3A_918 : vector<16xi32> to vector<16xi32>
      %sub3A_920 = vector.broadcast %mul3A_12 : i32 to vector<16xi32>
      %sub3A_921 = arith.subi %get3A_919, %sub3A_920 : vector<16xi32>
      %ge3A_922 = arith.constant 0 : i32
      %ge3A_923 = vector.broadcast %ge3A_922 : i32 to vector<16xi32>
      %ge3A_924 = arith.cmpi sge, %sub3A_921, %ge3A_923 : vector<16xi32>
      %lt3A_925 = arith.constant 25000 : i32
      %lt3A_926 = vector.broadcast %lt3A_925 : i32 to vector<16xi32>
      %lt3A_927 = arith.cmpi slt, %sub3A_921, %lt3A_926 : vector<16xi32>
      %and3A_928 = arith.andi %ge3A_924, %lt3A_927 : vector<16xi1>
      %and3A_929 = arith.constant 31 : i32
      %and3A_930 = vector.broadcast %and3A_929 : i32 to vector<16xi32>
      %and3A_931 = arith.andi %sub3A_921, %and3A_930 : vector<16xi32>
      %add3A_932 = arith.constant 25000 : i32
      %add3A_933 = vector.broadcast %add3A_932 : i32 to vector<16xi32>
      %add3A_934 = arith.addi %add3A_933, %and3A_931 : vector<16xi32>
      %add3A_935 = vector.broadcast %arg1 : i32 to vector<16xi32>
      %add3A_936 = arith.addi %add3A_934, %add3A_935 : vector<16xi32>
      %select_n3A_937 = arith.select %and3A_928, %sub3A_921, %add3A_936 : vector<16xi1>, vector<16xi32>
      %swap3A_938 = arith.constant 64 : index
      %swap3A_939 = tpu.vector_load %arg18[%swap3A_938] {strides = array<i32>} : memref<80xi32, #tpu.memory_space<vmem>>, vector<16xi32>,
      %swap3A_940 = vector.shape_cast %swap3A_939 : vector<16xi32> to vector<16xi32>
      %swap3A_941 = vector.shape_cast %select_n3A_937 : vector<16xi32> to vector<16xi32>
      tpu.vector_store %arg18[%swap3A_938], %swap3A_941 {strides = array<i32>} : memref<80xi32, #tpu.memory_space<vmem>>, vector<16xi32>,
      %dma_start3A_942 = arith.constant 0 : i32
      %dma_start3A_943 = arith.constant 0 : i32
      %dma_start3A_944 = tpu.memref_slice %arg5[%dma_start3A_942, %dma_start3A_943] : memref<25056x64xf32, #tpu.memory_space<vmem_shared>> -> memref<25056x64xf32, #tpu.memory_space<vmem_shared>>
      tpu.enqueue_indirect_dma source(%arg8 : memref<80x64xf32, #tpu.memory_space<vmem>>) target(%dma_start3A_944 : memref<25056x64xf32, #tpu.memory_space<vmem_shared>>) offsets(%arg13 : memref<80xi32, #tpu.memory_space<vmem>>) semaphore(%arg29 : memref<!tpu.dma_semaphore, #tpu.memory_space<semaphore_mem>>) {add = true}
      %dma_start3A_945 = arith.constant 0 : i32
      %dma_start3A_946 = arith.constant 0 : i32
      %dma_start3A_947 = tpu.memref_slice %arg5[%dma_start3A_945, %dma_start3A_946] : memref<25056x64xf32, #tpu.memory_space<vmem_shared>> -> memref<25056x64xf32, #tpu.memory_space<vmem_shared>>
      tpu.enqueue_indirect_dma source(%arg8 : memref<80x64xf32, #tpu.memory_space<vmem>>) target(%dma_start3A_947 : memref<25056x64xf32, #tpu.memory_space<vmem_shared>>) offsets(%arg18 : memref<80xi32, #tpu.memory_space<vmem>>) semaphore(%arg29 : memref<!tpu.dma_semaphore, #tpu.memory_space<semaphore_mem>>) {add = true}
      %mul3A_948 = arith.constant 5 : i32
      %mul3A_949 = arith.muli %scan3A_78, %mul3A_948 : i32
      %add3A_950 = arith.constant 3 : i32
      %add3A_951 = arith.addi %mul3A_949, %add3A_950 : i32
      %ge3A_952 = arith.constant 3 : i32
      %ge3A_953 = arith.cmpi sge, %add3A_951, %ge3A_952 : i32
      %convert_element_type3A_954 = arith.extui %ge3A_953 : i1 to i32
      %cond3A_955 = arith.constant 0 : i32
      %cond3A_956 = arith.cmpi ne, %convert_element_type3A_954, %cond3A_955 : i32
      scf.if %cond3A_956 {
        %dma_wait3A_1532 = arith.constant 0 : i32
        %dma_wait3A_1533 = arith.constant 0 : i32
        %dma_wait3A_1534 = tpu.memref_slice %arg5[%dma_wait3A_1532, %dma_wait3A_1533] : memref<25056x64xf32, #tpu.memory_space<vmem_shared>> -> memref<25056x64xf32, #tpu.memory_space<vmem_shared>>
        tpu.wait_indirect_dma semaphore(%arg27 : memref<!tpu.dma_semaphore, #tpu.memory_space<semaphore_mem>>) src(%arg6 : memref<80x64xf32, #tpu.memory_space<vmem>>) dst(%dma_wait3A_1534 : memref<25056x64xf32, #tpu.memory_space<vmem_shared>>)
        %dma_wait3A_1535 = arith.constant 0 : i32
        %dma_wait3A_1536 = arith.constant 0 : i32
        %dma_wait3A_1537 = tpu.memref_slice %arg5[%dma_wait3A_1535, %dma_wait3A_1536] : memref<25056x64xf32, #tpu.memory_space<vmem_shared>> -> memref<25056x64xf32, #tpu.memory_space<vmem_shared>>
        tpu.wait_indirect_dma semaphore(%arg27 : memref<!tpu.dma_semaphore, #tpu.memory_space<semaphore_mem>>) src(%arg6 : memref<80x64xf32, #tpu.memory_space<vmem>>) dst(%dma_wait3A_1537 : memref<25056x64xf32, #tpu.memory_space<vmem_shared>>)
      } else {
      }
      %add3A_957 = arith.constant 2 : i32
      %add3A_958 = arith.addi %add3A_951, %add3A_957 : i32
      %lt3A_959 = arith.constant 625 : i32
      %lt3A_960 = arith.cmpi slt, %add3A_958, %lt3A_959 : i32
      %convert_element_type3A_961 = arith.extui %lt3A_960 : i1 to i32
      %cond3A_962 = arith.constant 0 : i32
      %cond3A_963 = arith.cmpi ne, %convert_element_type3A_961, %cond3A_962 : i32
      scf.if %cond3A_963 {
        %add3A_1532 = arith.constant 2 : i32
        %add3A_1533 = arith.addi %add3A_951, %add3A_1532 : i32
        %mul3A_1534 = arith.constant 80 : i32
        %mul3A_1535 = arith.muli %add3A_1533, %mul3A_1534 : i32
        %add3A_1536 = arith.addi %mul3A_14, %mul3A_1535 : i32
        %dma_start3A_1537 = arith.constant 0 : i32
        %dma_start3A_1538 = tpu.memref_slice %arg2[%add3A_1536, %dma_start3A_1537] : memref<800000x128xf32, #tpu.memory_space<hbm>> -> memref<80x64xf32, #tpu.memory_space<hbm>>
        %dma_start3A_1539 = arith.constant 0 : i32
        %dma_start3A_1540 = tpu.memref_slice %arg2[%add3A_1536, %dma_start3A_1539] : memref<800000x128xf32, #tpu.memory_space<hbm>> -> memref<80x64xf32, #tpu.memory_space<hbm>>
        tpu.enqueue_dma source(%dma_start3A_1540 : memref<80x64xf32, #tpu.memory_space<hbm>>) target(%arg6 : memref<80x64xf32, #tpu.memory_space<vmem>>) target_semaphore(%arg22 : memref<!tpu.dma_semaphore, #tpu.memory_space<semaphore_mem>>)
        %dma_start3A_1541 = arith.constant 0 : i32
        %dma_start3A_1542 = tpu.memref_slice %arg3[%dma_start3A_1541, %add3A_1536] : memref<2x800000xi32, #tpu.memory_space<hbm>> -> memref<1x80xi32, #tpu.memory_space<hbm>>
        %dma_start3A_1543 = tpu.memref_squeeze %dma_start3A_1542 : memref<1x80xi32, #tpu.memory_space<hbm>> -> memref<80xi32, #tpu.memory_space<hbm>>
        %dma_start3A_1544 = tpu.memref_slice %arg3[%dma_start3A_1541, %add3A_1536] : memref<2x800000xi32, #tpu.memory_space<hbm>> -> memref<1x80xi32, #tpu.memory_space<hbm>>
        %dma_start3A_1545 = tpu.memref_squeeze %dma_start3A_1544 : memref<1x80xi32, #tpu.memory_space<hbm>> -> memref<80xi32, #tpu.memory_space<hbm>>
        tpu.enqueue_dma source(%dma_start3A_1545 : memref<80xi32, #tpu.memory_space<hbm>>) target(%arg11 : memref<80xi32, #tpu.memory_space<vmem>>) target_semaphore(%arg22 : memref<!tpu.dma_semaphore, #tpu.memory_space<semaphore_mem>>)
        %dma_start3A_1546 = arith.constant 1 : i32
        %dma_start3A_1547 = tpu.memref_slice %arg3[%dma_start3A_1546, %add3A_1536] : memref<2x800000xi32, #tpu.memory_space<hbm>> -> memref<1x80xi32, #tpu.memory_space<hbm>>
        %dma_start3A_1548 = tpu.memref_squeeze %dma_start3A_1547 : memref<1x80xi32, #tpu.memory_space<hbm>> -> memref<80xi32, #tpu.memory_space<hbm>>
        %dma_start3A_1549 = tpu.memref_slice %arg3[%dma_start3A_1546, %add3A_1536] : memref<2x800000xi32, #tpu.memory_space<hbm>> -> memref<1x80xi32, #tpu.memory_space<hbm>>
        %dma_start3A_1550 = tpu.memref_squeeze %dma_start3A_1549 : memref<1x80xi32, #tpu.memory_space<hbm>> -> memref<80xi32, #tpu.memory_space<hbm>>
        tpu.enqueue_dma source(%dma_start3A_1550 : memref<80xi32, #tpu.memory_space<hbm>>) target(%arg16 : memref<80xi32, #tpu.memory_space<vmem>>) target_semaphore(%arg22 : memref<!tpu.dma_semaphore, #tpu.memory_space<semaphore_mem>>)
      } else {
      }
      %dma_wait3A_964 = arith.constant 0 : i32
      %dma_wait3A_965 = arith.constant 0 : i32
      %dma_wait3A_966 = tpu.memref_slice %arg2[%dma_wait3A_964, %dma_wait3A_965] : memref<800000x128xf32, #tpu.memory_space<hbm>> -> memref<80x64xf32, #tpu.memory_space<hbm>>
      %dma_wait3A_967 = arith.constant 0 : i32
      %dma_wait3A_968 = arith.constant 0 : i32
      %dma_wait3A_969 = tpu.memref_slice %arg2[%dma_wait3A_967, %dma_wait3A_968] : memref<800000x128xf32, #tpu.memory_space<hbm>> -> memref<80x64xf32, #tpu.memory_space<hbm>>
      tpu.wait_dma2 semaphore(%arg25 : memref<!tpu.dma_semaphore, #tpu.memory_space<semaphore_mem>>) src(%dma_wait3A_969 : memref<80x64xf32, #tpu.memory_space<hbm>>) dst(%arg9 : memref<80x64xf32, #tpu.memory_space<vmem>>)
      %dma_wait3A_970 = arith.constant 0 : i32
      %dma_wait3A_971 = arith.constant 0 : i32
      %dma_wait3A_972 = tpu.memref_slice %arg3[%dma_wait3A_970, %dma_wait3A_971] : memref<2x800000xi32, #tpu.memory_space<hbm>> -> memref<1x80xi32, #tpu.memory_space<hbm>>
      %dma_wait3A_973 = tpu.memref_squeeze %dma_wait3A_972 : memref<1x80xi32, #tpu.memory_space<hbm>> -> memref<80xi32, #tpu.memory_space<hbm>>
      %dma_wait3A_974 = arith.constant 0 : i32
      %dma_wait3A_975 = tpu.memref_slice %arg3[%dma_wait3A_970, %dma_wait3A_974] : memref<2x800000xi32, #tpu.memory_space<hbm>> -> memref<1x80xi32, #tpu.memory_space<hbm>>
      %dma_wait3A_976 = tpu.memref_squeeze %dma_wait3A_975 : memref<1x80xi32, #tpu.memory_space<hbm>> -> memref<80xi32, #tpu.memory_space<hbm>>
      tpu.wait_dma2 semaphore(%arg25 : memref<!tpu.dma_semaphore, #tpu.memory_space<semaphore_mem>>) src(%dma_wait3A_976 : memref<80xi32, #tpu.memory_space<hbm>>) dst(%arg14 : memref<80xi32, #tpu.memory_space<vmem>>)
      %dma_wait3A_977 = arith.constant 1 : i32
      %dma_wait3A_978 = arith.constant 0 : i32
      %dma_wait3A_979 = tpu.memref_slice %arg3[%dma_wait3A_977, %dma_wait3A_978] : memref<2x800000xi32, #tpu.memory_space<hbm>> -> memref<1x80xi32, #tpu.memory_space<hbm>>
      %dma_wait3A_980 = tpu.memref_squeeze %dma_wait3A_979 : memref<1x80xi32, #tpu.memory_space<hbm>> -> memref<80xi32, #tpu.memory_space<hbm>>
      %dma_wait3A_981 = arith.constant 0 : i32
      %dma_wait3A_982 = tpu.memref_slice %arg3[%dma_wait3A_977, %dma_wait3A_981] : memref<2x800000xi32, #tpu.memory_space<hbm>> -> memref<1x80xi32, #tpu.memory_space<hbm>>
      %dma_wait3A_983 = tpu.memref_squeeze %dma_wait3A_982 : memref<1x80xi32, #tpu.memory_space<hbm>> -> memref<80xi32, #tpu.memory_space<hbm>>
      tpu.wait_dma2 semaphore(%arg25 : memref<!tpu.dma_semaphore, #tpu.memory_space<semaphore_mem>>) src(%dma_wait3A_983 : memref<80xi32, #tpu.memory_space<hbm>>) dst(%arg19 : memref<80xi32, #tpu.memory_space<vmem>>)
      %get3A_984 = arith.constant 0 : index
      %get3A_985 = tpu.vector_load %arg14[%get3A_984] {strides = array<i32>} : memref<80xi32, #tpu.memory_space<vmem>>, vector<16xi32>,
      %get3A_986 = vector.shape_cast %get3A_985 : vector<16xi32> to vector<16xi32>
      %sub3A_987 = vector.broadcast %mul3A_12 : i32 to vector<16xi32>
      %sub3A_988 = arith.subi %get3A_986, %sub3A_987 : vector<16xi32>
      %ge3A_989 = arith.constant 0 : i32
      %ge3A_990 = vector.broadcast %ge3A_989 : i32 to vector<16xi32>
      %ge3A_991 = arith.cmpi sge, %sub3A_988, %ge3A_990 : vector<16xi32>
      %lt3A_992 = arith.constant 25000 : i32
      %lt3A_993 = vector.broadcast %lt3A_992 : i32 to vector<16xi32>
      %lt3A_994 = arith.cmpi slt, %sub3A_988, %lt3A_993 : vector<16xi32>
      %and3A_995 = arith.andi %ge3A_991, %lt3A_994 : vector<16xi1>
      %and3A_996 = arith.constant 31 : i32
      %and3A_997 = vector.broadcast %and3A_996 : i32 to vector<16xi32>
      %and3A_998 = arith.andi %sub3A_988, %and3A_997 : vector<16xi32>
      %add3A_999 = arith.constant 25000 : i32
      %add3A_1000 = vector.broadcast %add3A_999 : i32 to vector<16xi32>
      %add3A_1001 = arith.addi %add3A_1000, %and3A_998 : vector<16xi32>
      %add3A_1002 = vector.broadcast %arg1 : i32 to vector<16xi32>
      %add3A_1003 = arith.addi %add3A_1001, %add3A_1002 : vector<16xi32>
      %select_n3A_1004 = arith.select %and3A_995, %sub3A_988, %add3A_1003 : vector<16xi1>, vector<16xi32>
      %swap3A_1005 = arith.constant 0 : index
      %swap3A_1006 = tpu.vector_load %arg14[%swap3A_1005] {strides = array<i32>} : memref<80xi32, #tpu.memory_space<vmem>>, vector<16xi32>,
      %swap3A_1007 = vector.shape_cast %swap3A_1006 : vector<16xi32> to vector<16xi32>
      %swap3A_1008 = vector.shape_cast %select_n3A_1004 : vector<16xi32> to vector<16xi32>
      tpu.vector_store %arg14[%swap3A_1005], %swap3A_1008 {strides = array<i32>} : memref<80xi32, #tpu.memory_space<vmem>>, vector<16xi32>,
      %get3A_1009 = arith.constant 16 : index
      %get3A_1010 = tpu.vector_load %arg14[%get3A_1009] {strides = array<i32>} : memref<80xi32, #tpu.memory_space<vmem>>, vector<16xi32>,
      %get3A_1011 = vector.shape_cast %get3A_1010 : vector<16xi32> to vector<16xi32>
      %sub3A_1012 = vector.broadcast %mul3A_12 : i32 to vector<16xi32>
      %sub3A_1013 = arith.subi %get3A_1011, %sub3A_1012 : vector<16xi32>
      %ge3A_1014 = arith.constant 0 : i32
      %ge3A_1015 = vector.broadcast %ge3A_1014 : i32 to vector<16xi32>
      %ge3A_1016 = arith.cmpi sge, %sub3A_1013, %ge3A_1015 : vector<16xi32>
      %lt3A_1017 = arith.constant 25000 : i32
      %lt3A_1018 = vector.broadcast %lt3A_1017 : i32 to vector<16xi32>
      %lt3A_1019 = arith.cmpi slt, %sub3A_1013, %lt3A_1018 : vector<16xi32>
      %and3A_1020 = arith.andi %ge3A_1016, %lt3A_1019 : vector<16xi1>
      %and3A_1021 = arith.constant 31 : i32
      %and3A_1022 = vector.broadcast %and3A_1021 : i32 to vector<16xi32>
      %and3A_1023 = arith.andi %sub3A_1013, %and3A_1022 : vector<16xi32>
      %add3A_1024 = arith.constant 25000 : i32
      %add3A_1025 = vector.broadcast %add3A_1024 : i32 to vector<16xi32>
      %add3A_1026 = arith.addi %add3A_1025, %and3A_1023 : vector<16xi32>
      %add3A_1027 = vector.broadcast %arg1 : i32 to vector<16xi32>
      %add3A_1028 = arith.addi %add3A_1026, %add3A_1027 : vector<16xi32>
      %select_n3A_1029 = arith.select %and3A_1020, %sub3A_1013, %add3A_1028 : vector<16xi1>, vector<16xi32>
      %swap3A_1030 = arith.constant 16 : index
      %swap3A_1031 = tpu.vector_load %arg14[%swap3A_1030] {strides = array<i32>} : memref<80xi32, #tpu.memory_space<vmem>>, vector<16xi32>,
      %swap3A_1032 = vector.shape_cast %swap3A_1031 : vector<16xi32> to vector<16xi32>
      %swap3A_1033 = vector.shape_cast %select_n3A_1029 : vector<16xi32> to vector<16xi32>
      tpu.vector_store %arg14[%swap3A_1030], %swap3A_1033 {strides = array<i32>} : memref<80xi32, #tpu.memory_space<vmem>>, vector<16xi32>,
      %get3A_1034 = arith.constant 32 : index
      %get3A_1035 = tpu.vector_load %arg14[%get3A_1034] {strides = array<i32>} : memref<80xi32, #tpu.memory_space<vmem>>, vector<16xi32>,
      %get3A_1036 = vector.shape_cast %get3A_1035 : vector<16xi32> to vector<16xi32>
      %sub3A_1037 = vector.broadcast %mul3A_12 : i32 to vector<16xi32>
      %sub3A_1038 = arith.subi %get3A_1036, %sub3A_1037 : vector<16xi32>
      %ge3A_1039 = arith.constant 0 : i32
      %ge3A_1040 = vector.broadcast %ge3A_1039 : i32 to vector<16xi32>
      %ge3A_1041 = arith.cmpi sge, %sub3A_1038, %ge3A_1040 : vector<16xi32>
      %lt3A_1042 = arith.constant 25000 : i32
      %lt3A_1043 = vector.broadcast %lt3A_1042 : i32 to vector<16xi32>
      %lt3A_1044 = arith.cmpi slt, %sub3A_1038, %lt3A_1043 : vector<16xi32>
      %and3A_1045 = arith.andi %ge3A_1041, %lt3A_1044 : vector<16xi1>
      %and3A_1046 = arith.constant 31 : i32
      %and3A_1047 = vector.broadcast %and3A_1046 : i32 to vector<16xi32>
      %and3A_1048 = arith.andi %sub3A_1038, %and3A_1047 : vector<16xi32>
      %add3A_1049 = arith.constant 25000 : i32
      %add3A_1050 = vector.broadcast %add3A_1049 : i32 to vector<16xi32>
      %add3A_1051 = arith.addi %add3A_1050, %and3A_1048 : vector<16xi32>
      %add3A_1052 = vector.broadcast %arg1 : i32 to vector<16xi32>
      %add3A_1053 = arith.addi %add3A_1051, %add3A_1052 : vector<16xi32>
      %select_n3A_1054 = arith.select %and3A_1045, %sub3A_1038, %add3A_1053 : vector<16xi1>, vector<16xi32>
      %swap3A_1055 = arith.constant 32 : index
      %swap3A_1056 = tpu.vector_load %arg14[%swap3A_1055] {strides = array<i32>} : memref<80xi32, #tpu.memory_space<vmem>>, vector<16xi32>,
      %swap3A_1057 = vector.shape_cast %swap3A_1056 : vector<16xi32> to vector<16xi32>
      %swap3A_1058 = vector.shape_cast %select_n3A_1054 : vector<16xi32> to vector<16xi32>
      tpu.vector_store %arg14[%swap3A_1055], %swap3A_1058 {strides = array<i32>} : memref<80xi32, #tpu.memory_space<vmem>>, vector<16xi32>,
      %get3A_1059 = arith.constant 48 : index
      %get3A_1060 = tpu.vector_load %arg14[%get3A_1059] {strides = array<i32>} : memref<80xi32, #tpu.memory_space<vmem>>, vector<16xi32>,
      %get3A_1061 = vector.shape_cast %get3A_1060 : vector<16xi32> to vector<16xi32>
      %sub3A_1062 = vector.broadcast %mul3A_12 : i32 to vector<16xi32>
      %sub3A_1063 = arith.subi %get3A_1061, %sub3A_1062 : vector<16xi32>
      %ge3A_1064 = arith.constant 0 : i32
      %ge3A_1065 = vector.broadcast %ge3A_1064 : i32 to vector<16xi32>
      %ge3A_1066 = arith.cmpi sge, %sub3A_1063, %ge3A_1065 : vector<16xi32>
      %lt3A_1067 = arith.constant 25000 : i32
      %lt3A_1068 = vector.broadcast %lt3A_1067 : i32 to vector<16xi32>
      %lt3A_1069 = arith.cmpi slt, %sub3A_1063, %lt3A_1068 : vector<16xi32>
      %and3A_1070 = arith.andi %ge3A_1066, %lt3A_1069 : vector<16xi1>
      %and3A_1071 = arith.constant 31 : i32
      %and3A_1072 = vector.broadcast %and3A_1071 : i32 to vector<16xi32>
      %and3A_1073 = arith.andi %sub3A_1063, %and3A_1072 : vector<16xi32>
      %add3A_1074 = arith.constant 25000 : i32
      %add3A_1075 = vector.broadcast %add3A_1074 : i32 to vector<16xi32>
      %add3A_1076 = arith.addi %add3A_1075, %and3A_1073 : vector<16xi32>
      %add3A_1077 = vector.broadcast %arg1 : i32 to vector<16xi32>
      %add3A_1078 = arith.addi %add3A_1076, %add3A_1077 : vector<16xi32>
      %select_n3A_1079 = arith.select %and3A_1070, %sub3A_1063, %add3A_1078 : vector<16xi1>, vector<16xi32>
      %swap3A_1080 = arith.constant 48 : index
      %swap3A_1081 = tpu.vector_load %arg14[%swap3A_1080] {strides = array<i32>} : memref<80xi32, #tpu.memory_space<vmem>>, vector<16xi32>,
      %swap3A_1082 = vector.shape_cast %swap3A_1081 : vector<16xi32> to vector<16xi32>
      %swap3A_1083 = vector.shape_cast %select_n3A_1079 : vector<16xi32> to vector<16xi32>
      tpu.vector_store %arg14[%swap3A_1080], %swap3A_1083 {strides = array<i32>} : memref<80xi32, #tpu.memory_space<vmem>>, vector<16xi32>,
      %get3A_1084 = arith.constant 64 : index
      %get3A_1085 = tpu.vector_load %arg14[%get3A_1084] {strides = array<i32>} : memref<80xi32, #tpu.memory_space<vmem>>, vector<16xi32>,
      %get3A_1086 = vector.shape_cast %get3A_1085 : vector<16xi32> to vector<16xi32>
      %sub3A_1087 = vector.broadcast %mul3A_12 : i32 to vector<16xi32>
      %sub3A_1088 = arith.subi %get3A_1086, %sub3A_1087 : vector<16xi32>
      %ge3A_1089 = arith.constant 0 : i32
      %ge3A_1090 = vector.broadcast %ge3A_1089 : i32 to vector<16xi32>
      %ge3A_1091 = arith.cmpi sge, %sub3A_1088, %ge3A_1090 : vector<16xi32>
      %lt3A_1092 = arith.constant 25000 : i32
      %lt3A_1093 = vector.broadcast %lt3A_1092 : i32 to vector<16xi32>
      %lt3A_1094 = arith.cmpi slt, %sub3A_1088, %lt3A_1093 : vector<16xi32>
      %and3A_1095 = arith.andi %ge3A_1091, %lt3A_1094 : vector<16xi1>
      %and3A_1096 = arith.constant 31 : i32
      %and3A_1097 = vector.broadcast %and3A_1096 : i32 to vector<16xi32>
      %and3A_1098 = arith.andi %sub3A_1088, %and3A_1097 : vector<16xi32>
      %add3A_1099 = arith.constant 25000 : i32
      %add3A_1100 = vector.broadcast %add3A_1099 : i32 to vector<16xi32>
      %add3A_1101 = arith.addi %add3A_1100, %and3A_1098 : vector<16xi32>
      %add3A_1102 = vector.broadcast %arg1 : i32 to vector<16xi32>
      %add3A_1103 = arith.addi %add3A_1101, %add3A_1102 : vector<16xi32>
      %select_n3A_1104 = arith.select %and3A_1095, %sub3A_1088, %add3A_1103 : vector<16xi1>, vector<16xi32>
      %swap3A_1105 = arith.constant 64 : index
      %swap3A_1106 = tpu.vector_load %arg14[%swap3A_1105] {strides = array<i32>} : memref<80xi32, #tpu.memory_space<vmem>>, vector<16xi32>,
      %swap3A_1107 = vector.shape_cast %swap3A_1106 : vector<16xi32> to vector<16xi32>
      %swap3A_1108 = vector.shape_cast %select_n3A_1104 : vector<16xi32> to vector<16xi32>
      tpu.vector_store %arg14[%swap3A_1105], %swap3A_1108 {strides = array<i32>} : memref<80xi32, #tpu.memory_space<vmem>>, vector<16xi32>,
      %get3A_1109 = arith.constant 0 : index
      %get3A_1110 = tpu.vector_load %arg19[%get3A_1109] {strides = array<i32>} : memref<80xi32, #tpu.memory_space<vmem>>, vector<16xi32>,
      %get3A_1111 = vector.shape_cast %get3A_1110 : vector<16xi32> to vector<16xi32>
      %sub3A_1112 = vector.broadcast %mul3A_12 : i32 to vector<16xi32>
      %sub3A_1113 = arith.subi %get3A_1111, %sub3A_1112 : vector<16xi32>
      %ge3A_1114 = arith.constant 0 : i32
      %ge3A_1115 = vector.broadcast %ge3A_1114 : i32 to vector<16xi32>
      %ge3A_1116 = arith.cmpi sge, %sub3A_1113, %ge3A_1115 : vector<16xi32>
      %lt3A_1117 = arith.constant 25000 : i32
      %lt3A_1118 = vector.broadcast %lt3A_1117 : i32 to vector<16xi32>
      %lt3A_1119 = arith.cmpi slt, %sub3A_1113, %lt3A_1118 : vector<16xi32>
      %and3A_1120 = arith.andi %ge3A_1116, %lt3A_1119 : vector<16xi1>
      %and3A_1121 = arith.constant 31 : i32
      %and3A_1122 = vector.broadcast %and3A_1121 : i32 to vector<16xi32>
      %and3A_1123 = arith.andi %sub3A_1113, %and3A_1122 : vector<16xi32>
      %add3A_1124 = arith.constant 25000 : i32
      %add3A_1125 = vector.broadcast %add3A_1124 : i32 to vector<16xi32>
      %add3A_1126 = arith.addi %add3A_1125, %and3A_1123 : vector<16xi32>
      %add3A_1127 = vector.broadcast %arg1 : i32 to vector<16xi32>
      %add3A_1128 = arith.addi %add3A_1126, %add3A_1127 : vector<16xi32>
      %select_n3A_1129 = arith.select %and3A_1120, %sub3A_1113, %add3A_1128 : vector<16xi1>, vector<16xi32>
      %swap3A_1130 = arith.constant 0 : index
      %swap3A_1131 = tpu.vector_load %arg19[%swap3A_1130] {strides = array<i32>} : memref<80xi32, #tpu.memory_space<vmem>>, vector<16xi32>,
      %swap3A_1132 = vector.shape_cast %swap3A_1131 : vector<16xi32> to vector<16xi32>
      %swap3A_1133 = vector.shape_cast %select_n3A_1129 : vector<16xi32> to vector<16xi32>
      tpu.vector_store %arg19[%swap3A_1130], %swap3A_1133 {strides = array<i32>} : memref<80xi32, #tpu.memory_space<vmem>>, vector<16xi32>,
      %get3A_1134 = arith.constant 16 : index
      %get3A_1135 = tpu.vector_load %arg19[%get3A_1134] {strides = array<i32>} : memref<80xi32, #tpu.memory_space<vmem>>, vector<16xi32>,
      %get3A_1136 = vector.shape_cast %get3A_1135 : vector<16xi32> to vector<16xi32>
      %sub3A_1137 = vector.broadcast %mul3A_12 : i32 to vector<16xi32>
      %sub3A_1138 = arith.subi %get3A_1136, %sub3A_1137 : vector<16xi32>
      %ge3A_1139 = arith.constant 0 : i32
      %ge3A_1140 = vector.broadcast %ge3A_1139 : i32 to vector<16xi32>
      %ge3A_1141 = arith.cmpi sge, %sub3A_1138, %ge3A_1140 : vector<16xi32>
      %lt3A_1142 = arith.constant 25000 : i32
      %lt3A_1143 = vector.broadcast %lt3A_1142 : i32 to vector<16xi32>
      %lt3A_1144 = arith.cmpi slt, %sub3A_1138, %lt3A_1143 : vector<16xi32>
      %and3A_1145 = arith.andi %ge3A_1141, %lt3A_1144 : vector<16xi1>
      %and3A_1146 = arith.constant 31 : i32
      %and3A_1147 = vector.broadcast %and3A_1146 : i32 to vector<16xi32>
      %and3A_1148 = arith.andi %sub3A_1138, %and3A_1147 : vector<16xi32>
      %add3A_1149 = arith.constant 25000 : i32
      %add3A_1150 = vector.broadcast %add3A_1149 : i32 to vector<16xi32>
      %add3A_1151 = arith.addi %add3A_1150, %and3A_1148 : vector<16xi32>
      %add3A_1152 = vector.broadcast %arg1 : i32 to vector<16xi32>
      %add3A_1153 = arith.addi %add3A_1151, %add3A_1152 : vector<16xi32>
      %select_n3A_1154 = arith.select %and3A_1145, %sub3A_1138, %add3A_1153 : vector<16xi1>, vector<16xi32>
      %swap3A_1155 = arith.constant 16 : index
      %swap3A_1156 = tpu.vector_load %arg19[%swap3A_1155] {strides = array<i32>} : memref<80xi32, #tpu.memory_space<vmem>>, vector<16xi32>,
      %swap3A_1157 = vector.shape_cast %swap3A_1156 : vector<16xi32> to vector<16xi32>
      %swap3A_1158 = vector.shape_cast %select_n3A_1154 : vector<16xi32> to vector<16xi32>
      tpu.vector_store %arg19[%swap3A_1155], %swap3A_1158 {strides = array<i32>} : memref<80xi32, #tpu.memory_space<vmem>>, vector<16xi32>,
      %get3A_1159 = arith.constant 32 : index
      %get3A_1160 = tpu.vector_load %arg19[%get3A_1159] {strides = array<i32>} : memref<80xi32, #tpu.memory_space<vmem>>, vector<16xi32>,
      %get3A_1161 = vector.shape_cast %get3A_1160 : vector<16xi32> to vector<16xi32>
      %sub3A_1162 = vector.broadcast %mul3A_12 : i32 to vector<16xi32>
      %sub3A_1163 = arith.subi %get3A_1161, %sub3A_1162 : vector<16xi32>
      %ge3A_1164 = arith.constant 0 : i32
      %ge3A_1165 = vector.broadcast %ge3A_1164 : i32 to vector<16xi32>
      %ge3A_1166 = arith.cmpi sge, %sub3A_1163, %ge3A_1165 : vector<16xi32>
      %lt3A_1167 = arith.constant 25000 : i32
      %lt3A_1168 = vector.broadcast %lt3A_1167 : i32 to vector<16xi32>
      %lt3A_1169 = arith.cmpi slt, %sub3A_1163, %lt3A_1168 : vector<16xi32>
      %and3A_1170 = arith.andi %ge3A_1166, %lt3A_1169 : vector<16xi1>
      %and3A_1171 = arith.constant 31 : i32
      %and3A_1172 = vector.broadcast %and3A_1171 : i32 to vector<16xi32>
      %and3A_1173 = arith.andi %sub3A_1163, %and3A_1172 : vector<16xi32>
      %add3A_1174 = arith.constant 25000 : i32
      %add3A_1175 = vector.broadcast %add3A_1174 : i32 to vector<16xi32>
      %add3A_1176 = arith.addi %add3A_1175, %and3A_1173 : vector<16xi32>
      %add3A_1177 = vector.broadcast %arg1 : i32 to vector<16xi32>
      %add3A_1178 = arith.addi %add3A_1176, %add3A_1177 : vector<16xi32>
      %select_n3A_1179 = arith.select %and3A_1170, %sub3A_1163, %add3A_1178 : vector<16xi1>, vector<16xi32>
      %swap3A_1180 = arith.constant 32 : index
      %swap3A_1181 = tpu.vector_load %arg19[%swap3A_1180] {strides = array<i32>} : memref<80xi32, #tpu.memory_space<vmem>>, vector<16xi32>,
      %swap3A_1182 = vector.shape_cast %swap3A_1181 : vector<16xi32> to vector<16xi32>
      %swap3A_1183 = vector.shape_cast %select_n3A_1179 : vector<16xi32> to vector<16xi32>
      tpu.vector_store %arg19[%swap3A_1180], %swap3A_1183 {strides = array<i32>} : memref<80xi32, #tpu.memory_space<vmem>>, vector<16xi32>,
      %get3A_1184 = arith.constant 48 : index
      %get3A_1185 = tpu.vector_load %arg19[%get3A_1184] {strides = array<i32>} : memref<80xi32, #tpu.memory_space<vmem>>, vector<16xi32>,
      %get3A_1186 = vector.shape_cast %get3A_1185 : vector<16xi32> to vector<16xi32>
      %sub3A_1187 = vector.broadcast %mul3A_12 : i32 to vector<16xi32>
      %sub3A_1188 = arith.subi %get3A_1186, %sub3A_1187 : vector<16xi32>
      %ge3A_1189 = arith.constant 0 : i32
      %ge3A_1190 = vector.broadcast %ge3A_1189 : i32 to vector<16xi32>
      %ge3A_1191 = arith.cmpi sge, %sub3A_1188, %ge3A_1190 : vector<16xi32>
      %lt3A_1192 = arith.constant 25000 : i32
      %lt3A_1193 = vector.broadcast %lt3A_1192 : i32 to vector<16xi32>
      %lt3A_1194 = arith.cmpi slt, %sub3A_1188, %lt3A_1193 : vector<16xi32>
      %and3A_1195 = arith.andi %ge3A_1191, %lt3A_1194 : vector<16xi1>
      %and3A_1196 = arith.constant 31 : i32
      %and3A_1197 = vector.broadcast %and3A_1196 : i32 to vector<16xi32>
      %and3A_1198 = arith.andi %sub3A_1188, %and3A_1197 : vector<16xi32>
      %add3A_1199 = arith.constant 25000 : i32
      %add3A_1200 = vector.broadcast %add3A_1199 : i32 to vector<16xi32>
      %add3A_1201 = arith.addi %add3A_1200, %and3A_1198 : vector<16xi32>
      %add3A_1202 = vector.broadcast %arg1 : i32 to vector<16xi32>
      %add3A_1203 = arith.addi %add3A_1201, %add3A_1202 : vector<16xi32>
      %select_n3A_1204 = arith.select %and3A_1195, %sub3A_1188, %add3A_1203 : vector<16xi1>, vector<16xi32>
      %swap3A_1205 = arith.constant 48 : index
      %swap3A_1206 = tpu.vector_load %arg19[%swap3A_1205] {strides = array<i32>} : memref<80xi32, #tpu.memory_space<vmem>>, vector<16xi32>,
      %swap3A_1207 = vector.shape_cast %swap3A_1206 : vector<16xi32> to vector<16xi32>
      %swap3A_1208 = vector.shape_cast %select_n3A_1204 : vector<16xi32> to vector<16xi32>
      tpu.vector_store %arg19[%swap3A_1205], %swap3A_1208 {strides = array<i32>} : memref<80xi32, #tpu.memory_space<vmem>>, vector<16xi32>,
      %get3A_1209 = arith.constant 64 : index
      %get3A_1210 = tpu.vector_load %arg19[%get3A_1209] {strides = array<i32>} : memref<80xi32, #tpu.memory_space<vmem>>, vector<16xi32>,
      %get3A_1211 = vector.shape_cast %get3A_1210 : vector<16xi32> to vector<16xi32>
      %sub3A_1212 = vector.broadcast %mul3A_12 : i32 to vector<16xi32>
      %sub3A_1213 = arith.subi %get3A_1211, %sub3A_1212 : vector<16xi32>
      %ge3A_1214 = arith.constant 0 : i32
      %ge3A_1215 = vector.broadcast %ge3A_1214 : i32 to vector<16xi32>
      %ge3A_1216 = arith.cmpi sge, %sub3A_1213, %ge3A_1215 : vector<16xi32>
      %lt3A_1217 = arith.constant 25000 : i32
      %lt3A_1218 = vector.broadcast %lt3A_1217 : i32 to vector<16xi32>
      %lt3A_1219 = arith.cmpi slt, %sub3A_1213, %lt3A_1218 : vector<16xi32>
      %and3A_1220 = arith.andi %ge3A_1216, %lt3A_1219 : vector<16xi1>
      %and3A_1221 = arith.constant 31 : i32
      %and3A_1222 = vector.broadcast %and3A_1221 : i32 to vector<16xi32>
      %and3A_1223 = arith.andi %sub3A_1213, %and3A_1222 : vector<16xi32>
      %add3A_1224 = arith.constant 25000 : i32
      %add3A_1225 = vector.broadcast %add3A_1224 : i32 to vector<16xi32>
      %add3A_1226 = arith.addi %add3A_1225, %and3A_1223 : vector<16xi32>
      %add3A_1227 = vector.broadcast %arg1 : i32 to vector<16xi32>
      %add3A_1228 = arith.addi %add3A_1226, %add3A_1227 : vector<16xi32>
      %select_n3A_1229 = arith.select %and3A_1220, %sub3A_1213, %add3A_1228 : vector<16xi1>, vector<16xi32>
      %swap3A_1230 = arith.constant 64 : index
      %swap3A_1231 = tpu.vector_load %arg19[%swap3A_1230] {strides = array<i32>} : memref<80xi32, #tpu.memory_space<vmem>>, vector<16xi32>,
      %swap3A_1232 = vector.shape_cast %swap3A_1231 : vector<16xi32> to vector<16xi32>
      %swap3A_1233 = vector.shape_cast %select_n3A_1229 : vector<16xi32> to vector<16xi32>
      tpu.vector_store %arg19[%swap3A_1230], %swap3A_1233 {strides = array<i32>} : memref<80xi32, #tpu.memory_space<vmem>>, vector<16xi32>,
      %dma_start3A_1234 = arith.constant 0 : i32
      %dma_start3A_1235 = arith.constant 0 : i32
      %dma_start3A_1236 = tpu.memref_slice %arg5[%dma_start3A_1234, %dma_start3A_1235] : memref<25056x64xf32, #tpu.memory_space<vmem_shared>> -> memref<25056x64xf32, #tpu.memory_space<vmem_shared>>
      tpu.enqueue_indirect_dma source(%arg9 : memref<80x64xf32, #tpu.memory_space<vmem>>) target(%dma_start3A_1236 : memref<25056x64xf32, #tpu.memory_space<vmem_shared>>) offsets(%arg14 : memref<80xi32, #tpu.memory_space<vmem>>) semaphore(%arg30 : memref<!tpu.dma_semaphore, #tpu.memory_space<semaphore_mem>>) {add = true}
      %dma_start3A_1237 = arith.constant 0 : i32
      %dma_start3A_1238 = arith.constant 0 : i32
      %dma_start3A_1239 = tpu.memref_slice %arg5[%dma_start3A_1237, %dma_start3A_1238] : memref<25056x64xf32, #tpu.memory_space<vmem_shared>> -> memref<25056x64xf32, #tpu.memory_space<vmem_shared>>
      tpu.enqueue_indirect_dma source(%arg9 : memref<80x64xf32, #tpu.memory_space<vmem>>) target(%dma_start3A_1239 : memref<25056x64xf32, #tpu.memory_space<vmem_shared>>) offsets(%arg19 : memref<80xi32, #tpu.memory_space<vmem>>) semaphore(%arg30 : memref<!tpu.dma_semaphore, #tpu.memory_space<semaphore_mem>>) {add = true}
      %mul3A_1240 = arith.constant 5 : i32
      %mul3A_1241 = arith.muli %scan3A_78, %mul3A_1240 : i32
      %add3A_1242 = arith.constant 4 : i32
      %add3A_1243 = arith.addi %mul3A_1241, %add3A_1242 : i32
      %ge3A_1244 = arith.constant 3 : i32
      %ge3A_1245 = arith.cmpi sge, %add3A_1243, %ge3A_1244 : i32
      %convert_element_type3A_1246 = arith.extui %ge3A_1245 : i1 to i32
      %cond3A_1247 = arith.constant 0 : i32
      %cond3A_1248 = arith.cmpi ne, %convert_element_type3A_1246, %cond3A_1247 : i32
      scf.if %cond3A_1248 {
        %dma_wait3A_1532 = arith.constant 0 : i32
        %dma_wait3A_1533 = arith.constant 0 : i32
        %dma_wait3A_1534 = tpu.memref_slice %arg5[%dma_wait3A_1532, %dma_wait3A_1533] : memref<25056x64xf32, #tpu.memory_space<vmem_shared>> -> memref<25056x64xf32, #tpu.memory_space<vmem_shared>>
        tpu.wait_indirect_dma semaphore(%arg28 : memref<!tpu.dma_semaphore, #tpu.memory_space<semaphore_mem>>) src(%arg7 : memref<80x64xf32, #tpu.memory_space<vmem>>) dst(%dma_wait3A_1534 : memref<25056x64xf32, #tpu.memory_space<vmem_shared>>)
        %dma_wait3A_1535 = arith.constant 0 : i32
        %dma_wait3A_1536 = arith.constant 0 : i32
        %dma_wait3A_1537 = tpu.memref_slice %arg5[%dma_wait3A_1535, %dma_wait3A_1536] : memref<25056x64xf32, #tpu.memory_space<vmem_shared>> -> memref<25056x64xf32, #tpu.memory_space<vmem_shared>>
        tpu.wait_indirect_dma semaphore(%arg28 : memref<!tpu.dma_semaphore, #tpu.memory_space<semaphore_mem>>) src(%arg7 : memref<80x64xf32, #tpu.memory_space<vmem>>) dst(%dma_wait3A_1537 : memref<25056x64xf32, #tpu.memory_space<vmem_shared>>)
      } else {
      }
      %add3A_1249 = arith.constant 2 : i32
      %add3A_1250 = arith.addi %add3A_1243, %add3A_1249 : i32
      %lt3A_1251 = arith.constant 625 : i32
      %lt3A_1252 = arith.cmpi slt, %add3A_1250, %lt3A_1251 : i32
      %convert_element_type3A_1253 = arith.extui %lt3A_1252 : i1 to i32
      %cond3A_1254 = arith.constant 0 : i32
      %cond3A_1255 = arith.cmpi ne, %convert_element_type3A_1253, %cond3A_1254 : i32
      scf.if %cond3A_1255 {
        %add3A_1532 = arith.constant 2 : i32
        %add3A_1533 = arith.addi %add3A_1243, %add3A_1532 : i32
        %mul3A_1534 = arith.constant 80 : i32
        %mul3A_1535 = arith.muli %add3A_1533, %mul3A_1534 : i32
        %add3A_1536 = arith.addi %mul3A_14, %mul3A_1535 : i32
        %dma_start3A_1537 = arith.constant 0 : i32
        %dma_start3A_1538 = tpu.memref_slice %arg2[%add3A_1536, %dma_start3A_1537] : memref<800000x128xf32, #tpu.memory_space<hbm>> -> memref<80x64xf32, #tpu.memory_space<hbm>>
        %dma_start3A_1539 = arith.constant 0 : i32
        %dma_start3A_1540 = tpu.memref_slice %arg2[%add3A_1536, %dma_start3A_1539] : memref<800000x128xf32, #tpu.memory_space<hbm>> -> memref<80x64xf32, #tpu.memory_space<hbm>>
        tpu.enqueue_dma source(%dma_start3A_1540 : memref<80x64xf32, #tpu.memory_space<hbm>>) target(%arg7 : memref<80x64xf32, #tpu.memory_space<vmem>>) target_semaphore(%arg23 : memref<!tpu.dma_semaphore, #tpu.memory_space<semaphore_mem>>)
        %dma_start3A_1541 = arith.constant 0 : i32
        %dma_start3A_1542 = tpu.memref_slice %arg3[%dma_start3A_1541, %add3A_1536] : memref<2x800000xi32, #tpu.memory_space<hbm>> -> memref<1x80xi32, #tpu.memory_space<hbm>>
        %dma_start3A_1543 = tpu.memref_squeeze %dma_start3A_1542 : memref<1x80xi32, #tpu.memory_space<hbm>> -> memref<80xi32, #tpu.memory_space<hbm>>
        %dma_start3A_1544 = tpu.memref_slice %arg3[%dma_start3A_1541, %add3A_1536] : memref<2x800000xi32, #tpu.memory_space<hbm>> -> memref<1x80xi32, #tpu.memory_space<hbm>>
        %dma_start3A_1545 = tpu.memref_squeeze %dma_start3A_1544 : memref<1x80xi32, #tpu.memory_space<hbm>> -> memref<80xi32, #tpu.memory_space<hbm>>
        tpu.enqueue_dma source(%dma_start3A_1545 : memref<80xi32, #tpu.memory_space<hbm>>) target(%arg12 : memref<80xi32, #tpu.memory_space<vmem>>) target_semaphore(%arg23 : memref<!tpu.dma_semaphore, #tpu.memory_space<semaphore_mem>>)
        %dma_start3A_1546 = arith.constant 1 : i32
        %dma_start3A_1547 = tpu.memref_slice %arg3[%dma_start3A_1546, %add3A_1536] : memref<2x800000xi32, #tpu.memory_space<hbm>> -> memref<1x80xi32, #tpu.memory_space<hbm>>
        %dma_start3A_1548 = tpu.memref_squeeze %dma_start3A_1547 : memref<1x80xi32, #tpu.memory_space<hbm>> -> memref<80xi32, #tpu.memory_space<hbm>>
        %dma_start3A_1549 = tpu.memref_slice %arg3[%dma_start3A_1546, %add3A_1536] : memref<2x800000xi32, #tpu.memory_space<hbm>> -> memref<1x80xi32, #tpu.memory_space<hbm>>
        %dma_start3A_1550 = tpu.memref_squeeze %dma_start3A_1549 : memref<1x80xi32, #tpu.memory_space<hbm>> -> memref<80xi32, #tpu.memory_space<hbm>>
        tpu.enqueue_dma source(%dma_start3A_1550 : memref<80xi32, #tpu.memory_space<hbm>>) target(%arg17 : memref<80xi32, #tpu.memory_space<vmem>>) target_semaphore(%arg23 : memref<!tpu.dma_semaphore, #tpu.memory_space<semaphore_mem>>)
      } else {
      }
      %dma_wait3A_1256 = arith.constant 0 : i32
      %dma_wait3A_1257 = arith.constant 0 : i32
      %dma_wait3A_1258 = tpu.memref_slice %arg2[%dma_wait3A_1256, %dma_wait3A_1257] : memref<800000x128xf32, #tpu.memory_space<hbm>> -> memref<80x64xf32, #tpu.memory_space<hbm>>
      %dma_wait3A_1259 = arith.constant 0 : i32
      %dma_wait3A_1260 = arith.constant 0 : i32
      %dma_wait3A_1261 = tpu.memref_slice %arg2[%dma_wait3A_1259, %dma_wait3A_1260] : memref<800000x128xf32, #tpu.memory_space<hbm>> -> memref<80x64xf32, #tpu.memory_space<hbm>>
      tpu.wait_dma2 semaphore(%arg26 : memref<!tpu.dma_semaphore, #tpu.memory_space<semaphore_mem>>) src(%dma_wait3A_1261 : memref<80x64xf32, #tpu.memory_space<hbm>>) dst(%arg10 : memref<80x64xf32, #tpu.memory_space<vmem>>)
      %dma_wait3A_1262 = arith.constant 0 : i32
      %dma_wait3A_1263 = arith.constant 0 : i32
      %dma_wait3A_1264 = tpu.memref_slice %arg3[%dma_wait3A_1262, %dma_wait3A_1263] : memref<2x800000xi32, #tpu.memory_space<hbm>> -> memref<1x80xi32, #tpu.memory_space<hbm>>
      %dma_wait3A_1265 = tpu.memref_squeeze %dma_wait3A_1264 : memref<1x80xi32, #tpu.memory_space<hbm>> -> memref<80xi32, #tpu.memory_space<hbm>>
      %dma_wait3A_1266 = arith.constant 0 : i32
      %dma_wait3A_1267 = tpu.memref_slice %arg3[%dma_wait3A_1262, %dma_wait3A_1266] : memref<2x800000xi32, #tpu.memory_space<hbm>> -> memref<1x80xi32, #tpu.memory_space<hbm>>
      %dma_wait3A_1268 = tpu.memref_squeeze %dma_wait3A_1267 : memref<1x80xi32, #tpu.memory_space<hbm>> -> memref<80xi32, #tpu.memory_space<hbm>>
      tpu.wait_dma2 semaphore(%arg26 : memref<!tpu.dma_semaphore, #tpu.memory_space<semaphore_mem>>) src(%dma_wait3A_1268 : memref<80xi32, #tpu.memory_space<hbm>>) dst(%arg15 : memref<80xi32, #tpu.memory_space<vmem>>)
      %dma_wait3A_1269 = arith.constant 1 : i32
      %dma_wait3A_1270 = arith.constant 0 : i32
      %dma_wait3A_1271 = tpu.memref_slice %arg3[%dma_wait3A_1269, %dma_wait3A_1270] : memref<2x800000xi32, #tpu.memory_space<hbm>> -> memref<1x80xi32, #tpu.memory_space<hbm>>
      %dma_wait3A_1272 = tpu.memref_squeeze %dma_wait3A_1271 : memref<1x80xi32, #tpu.memory_space<hbm>> -> memref<80xi32, #tpu.memory_space<hbm>>
      %dma_wait3A_1273 = arith.constant 0 : i32
      %dma_wait3A_1274 = tpu.memref_slice %arg3[%dma_wait3A_1269, %dma_wait3A_1273] : memref<2x800000xi32, #tpu.memory_space<hbm>> -> memref<1x80xi32, #tpu.memory_space<hbm>>
      %dma_wait3A_1275 = tpu.memref_squeeze %dma_wait3A_1274 : memref<1x80xi32, #tpu.memory_space<hbm>> -> memref<80xi32, #tpu.memory_space<hbm>>
      tpu.wait_dma2 semaphore(%arg26 : memref<!tpu.dma_semaphore, #tpu.memory_space<semaphore_mem>>) src(%dma_wait3A_1275 : memref<80xi32, #tpu.memory_space<hbm>>) dst(%arg20 : memref<80xi32, #tpu.memory_space<vmem>>)
      %get3A_1276 = arith.constant 0 : index
      %get3A_1277 = tpu.vector_load %arg15[%get3A_1276] {strides = array<i32>} : memref<80xi32, #tpu.memory_space<vmem>>, vector<16xi32>,
      %get3A_1278 = vector.shape_cast %get3A_1277 : vector<16xi32> to vector<16xi32>
      %sub3A_1279 = vector.broadcast %mul3A_12 : i32 to vector<16xi32>
      %sub3A_1280 = arith.subi %get3A_1278, %sub3A_1279 : vector<16xi32>
      %ge3A_1281 = arith.constant 0 : i32
      %ge3A_1282 = vector.broadcast %ge3A_1281 : i32 to vector<16xi32>
      %ge3A_1283 = arith.cmpi sge, %sub3A_1280, %ge3A_1282 : vector<16xi32>
      %lt3A_1284 = arith.constant 25000 : i32
      %lt3A_1285 = vector.broadcast %lt3A_1284 : i32 to vector<16xi32>
      %lt3A_1286 = arith.cmpi slt, %sub3A_1280, %lt3A_1285 : vector<16xi32>
      %and3A_1287 = arith.andi %ge3A_1283, %lt3A_1286 : vector<16xi1>
      %and3A_1288 = arith.constant 31 : i32
      %and3A_1289 = vector.broadcast %and3A_1288 : i32 to vector<16xi32>
      %and3A_1290 = arith.andi %sub3A_1280, %and3A_1289 : vector<16xi32>
      %add3A_1291 = arith.constant 25000 : i32
      %add3A_1292 = vector.broadcast %add3A_1291 : i32 to vector<16xi32>
      %add3A_1293 = arith.addi %add3A_1292, %and3A_1290 : vector<16xi32>
      %add3A_1294 = vector.broadcast %arg1 : i32 to vector<16xi32>
      %add3A_1295 = arith.addi %add3A_1293, %add3A_1294 : vector<16xi32>
      %select_n3A_1296 = arith.select %and3A_1287, %sub3A_1280, %add3A_1295 : vector<16xi1>, vector<16xi32>
      %swap3A_1297 = arith.constant 0 : index
      %swap3A_1298 = tpu.vector_load %arg15[%swap3A_1297] {strides = array<i32>} : memref<80xi32, #tpu.memory_space<vmem>>, vector<16xi32>,
      %swap3A_1299 = vector.shape_cast %swap3A_1298 : vector<16xi32> to vector<16xi32>
      %swap3A_1300 = vector.shape_cast %select_n3A_1296 : vector<16xi32> to vector<16xi32>
      tpu.vector_store %arg15[%swap3A_1297], %swap3A_1300 {strides = array<i32>} : memref<80xi32, #tpu.memory_space<vmem>>, vector<16xi32>,
      %get3A_1301 = arith.constant 16 : index
      %get3A_1302 = tpu.vector_load %arg15[%get3A_1301] {strides = array<i32>} : memref<80xi32, #tpu.memory_space<vmem>>, vector<16xi32>,
      %get3A_1303 = vector.shape_cast %get3A_1302 : vector<16xi32> to vector<16xi32>
      %sub3A_1304 = vector.broadcast %mul3A_12 : i32 to vector<16xi32>
      %sub3A_1305 = arith.subi %get3A_1303, %sub3A_1304 : vector<16xi32>
      %ge3A_1306 = arith.constant 0 : i32
      %ge3A_1307 = vector.broadcast %ge3A_1306 : i32 to vector<16xi32>
      %ge3A_1308 = arith.cmpi sge, %sub3A_1305, %ge3A_1307 : vector<16xi32>
      %lt3A_1309 = arith.constant 25000 : i32
      %lt3A_1310 = vector.broadcast %lt3A_1309 : i32 to vector<16xi32>
      %lt3A_1311 = arith.cmpi slt, %sub3A_1305, %lt3A_1310 : vector<16xi32>
      %and3A_1312 = arith.andi %ge3A_1308, %lt3A_1311 : vector<16xi1>
      %and3A_1313 = arith.constant 31 : i32
      %and3A_1314 = vector.broadcast %and3A_1313 : i32 to vector<16xi32>
      %and3A_1315 = arith.andi %sub3A_1305, %and3A_1314 : vector<16xi32>
      %add3A_1316 = arith.constant 25000 : i32
      %add3A_1317 = vector.broadcast %add3A_1316 : i32 to vector<16xi32>
      %add3A_1318 = arith.addi %add3A_1317, %and3A_1315 : vector<16xi32>
      %add3A_1319 = vector.broadcast %arg1 : i32 to vector<16xi32>
      %add3A_1320 = arith.addi %add3A_1318, %add3A_1319 : vector<16xi32>
      %select_n3A_1321 = arith.select %and3A_1312, %sub3A_1305, %add3A_1320 : vector<16xi1>, vector<16xi32>
      %swap3A_1322 = arith.constant 16 : index
      %swap3A_1323 = tpu.vector_load %arg15[%swap3A_1322] {strides = array<i32>} : memref<80xi32, #tpu.memory_space<vmem>>, vector<16xi32>,
      %swap3A_1324 = vector.shape_cast %swap3A_1323 : vector<16xi32> to vector<16xi32>
      %swap3A_1325 = vector.shape_cast %select_n3A_1321 : vector<16xi32> to vector<16xi32>
      tpu.vector_store %arg15[%swap3A_1322], %swap3A_1325 {strides = array<i32>} : memref<80xi32, #tpu.memory_space<vmem>>, vector<16xi32>,
      %get3A_1326 = arith.constant 32 : index
      %get3A_1327 = tpu.vector_load %arg15[%get3A_1326] {strides = array<i32>} : memref<80xi32, #tpu.memory_space<vmem>>, vector<16xi32>,
      %get3A_1328 = vector.shape_cast %get3A_1327 : vector<16xi32> to vector<16xi32>
      %sub3A_1329 = vector.broadcast %mul3A_12 : i32 to vector<16xi32>
      %sub3A_1330 = arith.subi %get3A_1328, %sub3A_1329 : vector<16xi32>
      %ge3A_1331 = arith.constant 0 : i32
      %ge3A_1332 = vector.broadcast %ge3A_1331 : i32 to vector<16xi32>
      %ge3A_1333 = arith.cmpi sge, %sub3A_1330, %ge3A_1332 : vector<16xi32>
      %lt3A_1334 = arith.constant 25000 : i32
      %lt3A_1335 = vector.broadcast %lt3A_1334 : i32 to vector<16xi32>
      %lt3A_1336 = arith.cmpi slt, %sub3A_1330, %lt3A_1335 : vector<16xi32>
      %and3A_1337 = arith.andi %ge3A_1333, %lt3A_1336 : vector<16xi1>
      %and3A_1338 = arith.constant 31 : i32
      %and3A_1339 = vector.broadcast %and3A_1338 : i32 to vector<16xi32>
      %and3A_1340 = arith.andi %sub3A_1330, %and3A_1339 : vector<16xi32>
      %add3A_1341 = arith.constant 25000 : i32
      %add3A_1342 = vector.broadcast %add3A_1341 : i32 to vector<16xi32>
      %add3A_1343 = arith.addi %add3A_1342, %and3A_1340 : vector<16xi32>
      %add3A_1344 = vector.broadcast %arg1 : i32 to vector<16xi32>
      %add3A_1345 = arith.addi %add3A_1343, %add3A_1344 : vector<16xi32>
      %select_n3A_1346 = arith.select %and3A_1337, %sub3A_1330, %add3A_1345 : vector<16xi1>, vector<16xi32>
      %swap3A_1347 = arith.constant 32 : index
      %swap3A_1348 = tpu.vector_load %arg15[%swap3A_1347] {strides = array<i32>} : memref<80xi32, #tpu.memory_space<vmem>>, vector<16xi32>,
      %swap3A_1349 = vector.shape_cast %swap3A_1348 : vector<16xi32> to vector<16xi32>
      %swap3A_1350 = vector.shape_cast %select_n3A_1346 : vector<16xi32> to vector<16xi32>
      tpu.vector_store %arg15[%swap3A_1347], %swap3A_1350 {strides = array<i32>} : memref<80xi32, #tpu.memory_space<vmem>>, vector<16xi32>,
      %get3A_1351 = arith.constant 48 : index
      %get3A_1352 = tpu.vector_load %arg15[%get3A_1351] {strides = array<i32>} : memref<80xi32, #tpu.memory_space<vmem>>, vector<16xi32>,
      %get3A_1353 = vector.shape_cast %get3A_1352 : vector<16xi32> to vector<16xi32>
      %sub3A_1354 = vector.broadcast %mul3A_12 : i32 to vector<16xi32>
      %sub3A_1355 = arith.subi %get3A_1353, %sub3A_1354 : vector<16xi32>
      %ge3A_1356 = arith.constant 0 : i32
      %ge3A_1357 = vector.broadcast %ge3A_1356 : i32 to vector<16xi32>
      %ge3A_1358 = arith.cmpi sge, %sub3A_1355, %ge3A_1357 : vector<16xi32>
      %lt3A_1359 = arith.constant 25000 : i32
      %lt3A_1360 = vector.broadcast %lt3A_1359 : i32 to vector<16xi32>
      %lt3A_1361 = arith.cmpi slt, %sub3A_1355, %lt3A_1360 : vector<16xi32>
      %and3A_1362 = arith.andi %ge3A_1358, %lt3A_1361 : vector<16xi1>
      %and3A_1363 = arith.constant 31 : i32
      %and3A_1364 = vector.broadcast %and3A_1363 : i32 to vector<16xi32>
      %and3A_1365 = arith.andi %sub3A_1355, %and3A_1364 : vector<16xi32>
      %add3A_1366 = arith.constant 25000 : i32
      %add3A_1367 = vector.broadcast %add3A_1366 : i32 to vector<16xi32>
      %add3A_1368 = arith.addi %add3A_1367, %and3A_1365 : vector<16xi32>
      %add3A_1369 = vector.broadcast %arg1 : i32 to vector<16xi32>
      %add3A_1370 = arith.addi %add3A_1368, %add3A_1369 : vector<16xi32>
      %select_n3A_1371 = arith.select %and3A_1362, %sub3A_1355, %add3A_1370 : vector<16xi1>, vector<16xi32>
      %swap3A_1372 = arith.constant 48 : index
      %swap3A_1373 = tpu.vector_load %arg15[%swap3A_1372] {strides = array<i32>} : memref<80xi32, #tpu.memory_space<vmem>>, vector<16xi32>,
      %swap3A_1374 = vector.shape_cast %swap3A_1373 : vector<16xi32> to vector<16xi32>
      %swap3A_1375 = vector.shape_cast %select_n3A_1371 : vector<16xi32> to vector<16xi32>
      tpu.vector_store %arg15[%swap3A_1372], %swap3A_1375 {strides = array<i32>} : memref<80xi32, #tpu.memory_space<vmem>>, vector<16xi32>,
      %get3A_1376 = arith.constant 64 : index
      %get3A_1377 = tpu.vector_load %arg15[%get3A_1376] {strides = array<i32>} : memref<80xi32, #tpu.memory_space<vmem>>, vector<16xi32>,
      %get3A_1378 = vector.shape_cast %get3A_1377 : vector<16xi32> to vector<16xi32>
      %sub3A_1379 = vector.broadcast %mul3A_12 : i32 to vector<16xi32>
      %sub3A_1380 = arith.subi %get3A_1378, %sub3A_1379 : vector<16xi32>
      %ge3A_1381 = arith.constant 0 : i32
      %ge3A_1382 = vector.broadcast %ge3A_1381 : i32 to vector<16xi32>
      %ge3A_1383 = arith.cmpi sge, %sub3A_1380, %ge3A_1382 : vector<16xi32>
      %lt3A_1384 = arith.constant 25000 : i32
      %lt3A_1385 = vector.broadcast %lt3A_1384 : i32 to vector<16xi32>
      %lt3A_1386 = arith.cmpi slt, %sub3A_1380, %lt3A_1385 : vector<16xi32>
      %and3A_1387 = arith.andi %ge3A_1383, %lt3A_1386 : vector<16xi1>
      %and3A_1388 = arith.constant 31 : i32
      %and3A_1389 = vector.broadcast %and3A_1388 : i32 to vector<16xi32>
      %and3A_1390 = arith.andi %sub3A_1380, %and3A_1389 : vector<16xi32>
      %add3A_1391 = arith.constant 25000 : i32
      %add3A_1392 = vector.broadcast %add3A_1391 : i32 to vector<16xi32>
      %add3A_1393 = arith.addi %add3A_1392, %and3A_1390 : vector<16xi32>
      %add3A_1394 = vector.broadcast %arg1 : i32 to vector<16xi32>
      %add3A_1395 = arith.addi %add3A_1393, %add3A_1394 : vector<16xi32>
      %select_n3A_1396 = arith.select %and3A_1387, %sub3A_1380, %add3A_1395 : vector<16xi1>, vector<16xi32>
      %swap3A_1397 = arith.constant 64 : index
      %swap3A_1398 = tpu.vector_load %arg15[%swap3A_1397] {strides = array<i32>} : memref<80xi32, #tpu.memory_space<vmem>>, vector<16xi32>,
      %swap3A_1399 = vector.shape_cast %swap3A_1398 : vector<16xi32> to vector<16xi32>
      %swap3A_1400 = vector.shape_cast %select_n3A_1396 : vector<16xi32> to vector<16xi32>
      tpu.vector_store %arg15[%swap3A_1397], %swap3A_1400 {strides = array<i32>} : memref<80xi32, #tpu.memory_space<vmem>>, vector<16xi32>,
      %get3A_1401 = arith.constant 0 : index
      %get3A_1402 = tpu.vector_load %arg20[%get3A_1401] {strides = array<i32>} : memref<80xi32, #tpu.memory_space<vmem>>, vector<16xi32>,
      %get3A_1403 = vector.shape_cast %get3A_1402 : vector<16xi32> to vector<16xi32>
      %sub3A_1404 = vector.broadcast %mul3A_12 : i32 to vector<16xi32>
      %sub3A_1405 = arith.subi %get3A_1403, %sub3A_1404 : vector<16xi32>
      %ge3A_1406 = arith.constant 0 : i32
      %ge3A_1407 = vector.broadcast %ge3A_1406 : i32 to vector<16xi32>
      %ge3A_1408 = arith.cmpi sge, %sub3A_1405, %ge3A_1407 : vector<16xi32>
      %lt3A_1409 = arith.constant 25000 : i32
      %lt3A_1410 = vector.broadcast %lt3A_1409 : i32 to vector<16xi32>
      %lt3A_1411 = arith.cmpi slt, %sub3A_1405, %lt3A_1410 : vector<16xi32>
      %and3A_1412 = arith.andi %ge3A_1408, %lt3A_1411 : vector<16xi1>
      %and3A_1413 = arith.constant 31 : i32
      %and3A_1414 = vector.broadcast %and3A_1413 : i32 to vector<16xi32>
      %and3A_1415 = arith.andi %sub3A_1405, %and3A_1414 : vector<16xi32>
      %add3A_1416 = arith.constant 25000 : i32
      %add3A_1417 = vector.broadcast %add3A_1416 : i32 to vector<16xi32>
      %add3A_1418 = arith.addi %add3A_1417, %and3A_1415 : vector<16xi32>
      %add3A_1419 = vector.broadcast %arg1 : i32 to vector<16xi32>
      %add3A_1420 = arith.addi %add3A_1418, %add3A_1419 : vector<16xi32>
      %select_n3A_1421 = arith.select %and3A_1412, %sub3A_1405, %add3A_1420 : vector<16xi1>, vector<16xi32>
      %swap3A_1422 = arith.constant 0 : index
      %swap3A_1423 = tpu.vector_load %arg20[%swap3A_1422] {strides = array<i32>} : memref<80xi32, #tpu.memory_space<vmem>>, vector<16xi32>,
      %swap3A_1424 = vector.shape_cast %swap3A_1423 : vector<16xi32> to vector<16xi32>
      %swap3A_1425 = vector.shape_cast %select_n3A_1421 : vector<16xi32> to vector<16xi32>
      tpu.vector_store %arg20[%swap3A_1422], %swap3A_1425 {strides = array<i32>} : memref<80xi32, #tpu.memory_space<vmem>>, vector<16xi32>,
      %get3A_1426 = arith.constant 16 : index
      %get3A_1427 = tpu.vector_load %arg20[%get3A_1426] {strides = array<i32>} : memref<80xi32, #tpu.memory_space<vmem>>, vector<16xi32>,
      %get3A_1428 = vector.shape_cast %get3A_1427 : vector<16xi32> to vector<16xi32>
      %sub3A_1429 = vector.broadcast %mul3A_12 : i32 to vector<16xi32>
      %sub3A_1430 = arith.subi %get3A_1428, %sub3A_1429 : vector<16xi32>
      %ge3A_1431 = arith.constant 0 : i32
      %ge3A_1432 = vector.broadcast %ge3A_1431 : i32 to vector<16xi32>
      %ge3A_1433 = arith.cmpi sge, %sub3A_1430, %ge3A_1432 : vector<16xi32>
      %lt3A_1434 = arith.constant 25000 : i32
      %lt3A_1435 = vector.broadcast %lt3A_1434 : i32 to vector<16xi32>
      %lt3A_1436 = arith.cmpi slt, %sub3A_1430, %lt3A_1435 : vector<16xi32>
      %and3A_1437 = arith.andi %ge3A_1433, %lt3A_1436 : vector<16xi1>
      %and3A_1438 = arith.constant 31 : i32
      %and3A_1439 = vector.broadcast %and3A_1438 : i32 to vector<16xi32>
      %and3A_1440 = arith.andi %sub3A_1430, %and3A_1439 : vector<16xi32>
      %add3A_1441 = arith.constant 25000 : i32
      %add3A_1442 = vector.broadcast %add3A_1441 : i32 to vector<16xi32>
      %add3A_1443 = arith.addi %add3A_1442, %and3A_1440 : vector<16xi32>
      %add3A_1444 = vector.broadcast %arg1 : i32 to vector<16xi32>
      %add3A_1445 = arith.addi %add3A_1443, %add3A_1444 : vector<16xi32>
      %select_n3A_1446 = arith.select %and3A_1437, %sub3A_1430, %add3A_1445 : vector<16xi1>, vector<16xi32>
      %swap3A_1447 = arith.constant 16 : index
      %swap3A_1448 = tpu.vector_load %arg20[%swap3A_1447] {strides = array<i32>} : memref<80xi32, #tpu.memory_space<vmem>>, vector<16xi32>,
      %swap3A_1449 = vector.shape_cast %swap3A_1448 : vector<16xi32> to vector<16xi32>
      %swap3A_1450 = vector.shape_cast %select_n3A_1446 : vector<16xi32> to vector<16xi32>
      tpu.vector_store %arg20[%swap3A_1447], %swap3A_1450 {strides = array<i32>} : memref<80xi32, #tpu.memory_space<vmem>>, vector<16xi32>,
      %get3A_1451 = arith.constant 32 : index
      %get3A_1452 = tpu.vector_load %arg20[%get3A_1451] {strides = array<i32>} : memref<80xi32, #tpu.memory_space<vmem>>, vector<16xi32>,
      %get3A_1453 = vector.shape_cast %get3A_1452 : vector<16xi32> to vector<16xi32>
      %sub3A_1454 = vector.broadcast %mul3A_12 : i32 to vector<16xi32>
      %sub3A_1455 = arith.subi %get3A_1453, %sub3A_1454 : vector<16xi32>
      %ge3A_1456 = arith.constant 0 : i32
      %ge3A_1457 = vector.broadcast %ge3A_1456 : i32 to vector<16xi32>
      %ge3A_1458 = arith.cmpi sge, %sub3A_1455, %ge3A_1457 : vector<16xi32>
      %lt3A_1459 = arith.constant 25000 : i32
      %lt3A_1460 = vector.broadcast %lt3A_1459 : i32 to vector<16xi32>
      %lt3A_1461 = arith.cmpi slt, %sub3A_1455, %lt3A_1460 : vector<16xi32>
      %and3A_1462 = arith.andi %ge3A_1458, %lt3A_1461 : vector<16xi1>
      %and3A_1463 = arith.constant 31 : i32
      %and3A_1464 = vector.broadcast %and3A_1463 : i32 to vector<16xi32>
      %and3A_1465 = arith.andi %sub3A_1455, %and3A_1464 : vector<16xi32>
      %add3A_1466 = arith.constant 25000 : i32
      %add3A_1467 = vector.broadcast %add3A_1466 : i32 to vector<16xi32>
      %add3A_1468 = arith.addi %add3A_1467, %and3A_1465 : vector<16xi32>
      %add3A_1469 = vector.broadcast %arg1 : i32 to vector<16xi32>
      %add3A_1470 = arith.addi %add3A_1468, %add3A_1469 : vector<16xi32>
      %select_n3A_1471 = arith.select %and3A_1462, %sub3A_1455, %add3A_1470 : vector<16xi1>, vector<16xi32>
      %swap3A_1472 = arith.constant 32 : index
      %swap3A_1473 = tpu.vector_load %arg20[%swap3A_1472] {strides = array<i32>} : memref<80xi32, #tpu.memory_space<vmem>>, vector<16xi32>,
      %swap3A_1474 = vector.shape_cast %swap3A_1473 : vector<16xi32> to vector<16xi32>
      %swap3A_1475 = vector.shape_cast %select_n3A_1471 : vector<16xi32> to vector<16xi32>
      tpu.vector_store %arg20[%swap3A_1472], %swap3A_1475 {strides = array<i32>} : memref<80xi32, #tpu.memory_space<vmem>>, vector<16xi32>,
      %get3A_1476 = arith.constant 48 : index
      %get3A_1477 = tpu.vector_load %arg20[%get3A_1476] {strides = array<i32>} : memref<80xi32, #tpu.memory_space<vmem>>, vector<16xi32>,
      %get3A_1478 = vector.shape_cast %get3A_1477 : vector<16xi32> to vector<16xi32>
      %sub3A_1479 = vector.broadcast %mul3A_12 : i32 to vector<16xi32>
      %sub3A_1480 = arith.subi %get3A_1478, %sub3A_1479 : vector<16xi32>
      %ge3A_1481 = arith.constant 0 : i32
      %ge3A_1482 = vector.broadcast %ge3A_1481 : i32 to vector<16xi32>
      %ge3A_1483 = arith.cmpi sge, %sub3A_1480, %ge3A_1482 : vector<16xi32>
      %lt3A_1484 = arith.constant 25000 : i32
      %lt3A_1485 = vector.broadcast %lt3A_1484 : i32 to vector<16xi32>
      %lt3A_1486 = arith.cmpi slt, %sub3A_1480, %lt3A_1485 : vector<16xi32>
      %and3A_1487 = arith.andi %ge3A_1483, %lt3A_1486 : vector<16xi1>
      %and3A_1488 = arith.constant 31 : i32
      %and3A_1489 = vector.broadcast %and3A_1488 : i32 to vector<16xi32>
      %and3A_1490 = arith.andi %sub3A_1480, %and3A_1489 : vector<16xi32>
      %add3A_1491 = arith.constant 25000 : i32
      %add3A_1492 = vector.broadcast %add3A_1491 : i32 to vector<16xi32>
      %add3A_1493 = arith.addi %add3A_1492, %and3A_1490 : vector<16xi32>
      %add3A_1494 = vector.broadcast %arg1 : i32 to vector<16xi32>
      %add3A_1495 = arith.addi %add3A_1493, %add3A_1494 : vector<16xi32>
      %select_n3A_1496 = arith.select %and3A_1487, %sub3A_1480, %add3A_1495 : vector<16xi1>, vector<16xi32>
      %swap3A_1497 = arith.constant 48 : index
      %swap3A_1498 = tpu.vector_load %arg20[%swap3A_1497] {strides = array<i32>} : memref<80xi32, #tpu.memory_space<vmem>>, vector<16xi32>,
      %swap3A_1499 = vector.shape_cast %swap3A_1498 : vector<16xi32> to vector<16xi32>
      %swap3A_1500 = vector.shape_cast %select_n3A_1496 : vector<16xi32> to vector<16xi32>
      tpu.vector_store %arg20[%swap3A_1497], %swap3A_1500 {strides = array<i32>} : memref<80xi32, #tpu.memory_space<vmem>>, vector<16xi32>,
      %get3A_1501 = arith.constant 64 : index
      %get3A_1502 = tpu.vector_load %arg20[%get3A_1501] {strides = array<i32>} : memref<80xi32, #tpu.memory_space<vmem>>, vector<16xi32>,
      %get3A_1503 = vector.shape_cast %get3A_1502 : vector<16xi32> to vector<16xi32>
      %sub3A_1504 = vector.broadcast %mul3A_12 : i32 to vector<16xi32>
      %sub3A_1505 = arith.subi %get3A_1503, %sub3A_1504 : vector<16xi32>
      %ge3A_1506 = arith.constant 0 : i32
      %ge3A_1507 = vector.broadcast %ge3A_1506 : i32 to vector<16xi32>
      %ge3A_1508 = arith.cmpi sge, %sub3A_1505, %ge3A_1507 : vector<16xi32>
      %lt3A_1509 = arith.constant 25000 : i32
      %lt3A_1510 = vector.broadcast %lt3A_1509 : i32 to vector<16xi32>
      %lt3A_1511 = arith.cmpi slt, %sub3A_1505, %lt3A_1510 : vector<16xi32>
      %and3A_1512 = arith.andi %ge3A_1508, %lt3A_1511 : vector<16xi1>
      %and3A_1513 = arith.constant 31 : i32
      %and3A_1514 = vector.broadcast %and3A_1513 : i32 to vector<16xi32>
      %and3A_1515 = arith.andi %sub3A_1505, %and3A_1514 : vector<16xi32>
      %add3A_1516 = arith.constant 25000 : i32
      %add3A_1517 = vector.broadcast %add3A_1516 : i32 to vector<16xi32>
      %add3A_1518 = arith.addi %add3A_1517, %and3A_1515 : vector<16xi32>
      %add3A_1519 = vector.broadcast %arg1 : i32 to vector<16xi32>
      %add3A_1520 = arith.addi %add3A_1518, %add3A_1519 : vector<16xi32>
      %select_n3A_1521 = arith.select %and3A_1512, %sub3A_1505, %add3A_1520 : vector<16xi1>, vector<16xi32>
      %swap3A_1522 = arith.constant 64 : index
      %swap3A_1523 = tpu.vector_load %arg20[%swap3A_1522] {strides = array<i32>} : memref<80xi32, #tpu.memory_space<vmem>>, vector<16xi32>,
      %swap3A_1524 = vector.shape_cast %swap3A_1523 : vector<16xi32> to vector<16xi32>
      %swap3A_1525 = vector.shape_cast %select_n3A_1521 : vector<16xi32> to vector<16xi32>
      tpu.vector_store %arg20[%swap3A_1522], %swap3A_1525 {strides = array<i32>} : memref<80xi32, #tpu.memory_space<vmem>>, vector<16xi32>,
      %dma_start3A_1526 = arith.constant 0 : i32
      %dma_start3A_1527 = arith.constant 0 : i32
      %dma_start3A_1528 = tpu.memref_slice %arg5[%dma_start3A_1526, %dma_start3A_1527] : memref<25056x64xf32, #tpu.memory_space<vmem_shared>> -> memref<25056x64xf32, #tpu.memory_space<vmem_shared>>
      tpu.enqueue_indirect_dma source(%arg10 : memref<80x64xf32, #tpu.memory_space<vmem>>) target(%dma_start3A_1528 : memref<25056x64xf32, #tpu.memory_space<vmem_shared>>) offsets(%arg15 : memref<80xi32, #tpu.memory_space<vmem>>) semaphore(%arg31 : memref<!tpu.dma_semaphore, #tpu.memory_space<semaphore_mem>>) {add = true}
      %dma_start3A_1529 = arith.constant 0 : i32
      %dma_start3A_1530 = arith.constant 0 : i32
      %dma_start3A_1531 = tpu.memref_slice %arg5[%dma_start3A_1529, %dma_start3A_1530] : memref<25056x64xf32, #tpu.memory_space<vmem_shared>> -> memref<25056x64xf32, #tpu.memory_space<vmem_shared>>
      tpu.enqueue_indirect_dma source(%arg10 : memref<80x64xf32, #tpu.memory_space<vmem>>) target(%dma_start3A_1531 : memref<25056x64xf32, #tpu.memory_space<vmem_shared>>) offsets(%arg20 : memref<80xi32, #tpu.memory_space<vmem>>) semaphore(%arg31 : memref<!tpu.dma_semaphore, #tpu.memory_space<semaphore_mem>>) {add = true}
    }
    %scan3A_50 = arith.constant 125 : i32
    %dma_wait3A = arith.constant 0 : i32
    %dma_wait3A_51 = arith.constant 0 : i32
    %dma_wait3A_52 = tpu.memref_slice %arg5[%dma_wait3A, %dma_wait3A_51] : memref<25056x64xf32, #tpu.memory_space<vmem_shared>> -> memref<25056x64xf32, #tpu.memory_space<vmem_shared>>
    tpu.wait_indirect_dma semaphore(%arg29 : memref<!tpu.dma_semaphore, #tpu.memory_space<semaphore_mem>>) src(%arg8 : memref<80x64xf32, #tpu.memory_space<vmem>>) dst(%dma_wait3A_52 : memref<25056x64xf32, #tpu.memory_space<vmem_shared>>)
    %dma_wait3A_53 = arith.constant 0 : i32
    %dma_wait3A_54 = arith.constant 0 : i32
    %dma_wait3A_55 = tpu.memref_slice %arg5[%dma_wait3A_53, %dma_wait3A_54] : memref<25056x64xf32, #tpu.memory_space<vmem_shared>> -> memref<25056x64xf32, #tpu.memory_space<vmem_shared>>
    tpu.wait_indirect_dma semaphore(%arg29 : memref<!tpu.dma_semaphore, #tpu.memory_space<semaphore_mem>>) src(%arg8 : memref<80x64xf32, #tpu.memory_space<vmem>>) dst(%dma_wait3A_55 : memref<25056x64xf32, #tpu.memory_space<vmem_shared>>)
    %dma_wait3A_56 = arith.constant 0 : i32
    %dma_wait3A_57 = arith.constant 0 : i32
    %dma_wait3A_58 = tpu.memref_slice %arg5[%dma_wait3A_56, %dma_wait3A_57] : memref<25056x64xf32, #tpu.memory_space<vmem_shared>> -> memref<25056x64xf32, #tpu.memory_space<vmem_shared>>
    tpu.wait_indirect_dma semaphore(%arg30 : memref<!tpu.dma_semaphore, #tpu.memory_space<semaphore_mem>>) src(%arg9 : memref<80x64xf32, #tpu.memory_space<vmem>>) dst(%dma_wait3A_58 : memref<25056x64xf32, #tpu.memory_space<vmem_shared>>)
    %dma_wait3A_59 = arith.constant 0 : i32
    %dma_wait3A_60 = arith.constant 0 : i32
    %dma_wait3A_61 = tpu.memref_slice %arg5[%dma_wait3A_59, %dma_wait3A_60] : memref<25056x64xf32, #tpu.memory_space<vmem_shared>> -> memref<25056x64xf32, #tpu.memory_space<vmem_shared>>
    tpu.wait_indirect_dma semaphore(%arg30 : memref<!tpu.dma_semaphore, #tpu.memory_space<semaphore_mem>>) src(%arg9 : memref<80x64xf32, #tpu.memory_space<vmem>>) dst(%dma_wait3A_61 : memref<25056x64xf32, #tpu.memory_space<vmem_shared>>)
    %dma_wait3A_62 = arith.constant 0 : i32
    %dma_wait3A_63 = arith.constant 0 : i32
    %dma_wait3A_64 = tpu.memref_slice %arg5[%dma_wait3A_62, %dma_wait3A_63] : memref<25056x64xf32, #tpu.memory_space<vmem_shared>> -> memref<25056x64xf32, #tpu.memory_space<vmem_shared>>
    tpu.wait_indirect_dma semaphore(%arg31 : memref<!tpu.dma_semaphore, #tpu.memory_space<semaphore_mem>>) src(%arg10 : memref<80x64xf32, #tpu.memory_space<vmem>>) dst(%dma_wait3A_64 : memref<25056x64xf32, #tpu.memory_space<vmem_shared>>)
    %dma_wait3A_65 = arith.constant 0 : i32
    %dma_wait3A_66 = arith.constant 0 : i32
    %dma_wait3A_67 = tpu.memref_slice %arg5[%dma_wait3A_65, %dma_wait3A_66] : memref<25056x64xf32, #tpu.memory_space<vmem_shared>> -> memref<25056x64xf32, #tpu.memory_space<vmem_shared>>
    tpu.wait_indirect_dma semaphore(%arg31 : memref<!tpu.dma_semaphore, #tpu.memory_space<semaphore_mem>>) src(%arg10 : memref<80x64xf32, #tpu.memory_space<vmem>>) dst(%dma_wait3A_67 : memref<25056x64xf32, #tpu.memory_space<vmem_shared>>)
    %barrier3A_68 = arith.constant 0 : index
    tpu.barrier barrier_id(%barrier3A_68)
    %mul3A_69 = arith.constant 1560 : i32
    %mul3A_70 = arith.muli %arg1, %mul3A_69 : i32
    %mul3A_71 = arith.constant 25000 : i32
    %mul3A_72 = arith.muli %arg0, %mul3A_71 : i32
    %mul3A_73 = arith.constant 1560 : i32
    %mul3A_74 = arith.muli %arg1, %mul3A_73 : i32
    %add3A_75 = arith.addi %mul3A_72, %mul3A_74 : i32
    "tpu.region"() ({
      %run_scoped3A = tpu.sem_alloc : memref<!tpu.dma_semaphore, #tpu.memory_space<semaphore_mem>>
      %dma_start3A_78 = arith.constant 0 : i32
      %dma_start3A_79 = tpu.memref_slice %arg4[%add3A_75, %dma_start3A_78] : memref<50048x64xf32, #tpu.memory_space<hbm>> -> memref<1560x64xf32, #tpu.memory_space<hbm>>
      %dma_start3A_80 = arith.constant 0 : i32
      %dma_start3A_81 = tpu.memref_slice %arg5[%mul3A_70, %dma_start3A_80] : memref<25056x64xf32, #tpu.memory_space<vmem_shared>> -> memref<1560x64xf32, #tpu.memory_space<vmem_shared>>
      tpu.enqueue_dma source(%dma_start3A_81 : memref<1560x64xf32, #tpu.memory_space<vmem_shared>>) target(%dma_start3A_79 : memref<1560x64xf32, #tpu.memory_space<hbm>>) target_semaphore(%run_scoped3A : memref<!tpu.dma_semaphore, #tpu.memory_space<semaphore_mem>>)
      %dma_wait3A_82 = arith.constant 0 : i32
      %dma_wait3A_83 = tpu.memref_slice %arg4[%add3A_75, %dma_wait3A_82] : memref<50048x64xf32, #tpu.memory_space<hbm>> -> memref<1560x64xf32, #tpu.memory_space<hbm>>
      %dma_wait3A_84 = arith.constant 0 : i32
      %dma_wait3A_85 = tpu.memref_slice %arg5[%mul3A_70, %dma_wait3A_84] : memref<25056x64xf32, #tpu.memory_space<vmem_shared>> -> memref<1560x64xf32, #tpu.memory_space<vmem_shared>>
      tpu.wait_dma2 semaphore(%run_scoped3A : memref<!tpu.dma_semaphore, #tpu.memory_space<semaphore_mem>>) src(%dma_wait3A_85 : memref<1560x64xf32, #tpu.memory_space<vmem_shared>>) dst(%dma_wait3A_83 : memref<1560x64xf32, #tpu.memory_space<hbm>>)
      tpu.yield
    }) : () -> ()
    %eq3A = arith.constant 0 : i32
    %eq3A_76 = arith.cmpi eq, %arg1, %eq3A : i32
    %convert_element_type3A = arith.extui %eq3A_76 : i1 to i32
    %cond3A = arith.constant 0 : i32
    %cond3A_77 = arith.cmpi ne, %convert_element_type3A, %cond3A : i32
    scf.if %cond3A_77 {
      %mul3A_78 = arith.constant 25000 : i32
      %mul3A_79 = arith.muli %arg0, %mul3A_78 : i32
      %add3A_80 = arith.constant 24960 : i32
      %add3A_81 = arith.addi %mul3A_79, %add3A_80 : i32
      "tpu.region"() ({
        %run_scoped3A = tpu.sem_alloc : memref<!tpu.dma_semaphore, #tpu.memory_space<semaphore_mem>>
        %dma_start3A_82 = arith.constant 0 : i32
        %dma_start3A_83 = tpu.memref_slice %arg4[%add3A_81, %dma_start3A_82] : memref<50048x64xf32, #tpu.memory_space<hbm>> -> memref<40x64xf32, #tpu.memory_space<hbm>>
        %dma_start3A_84 = arith.constant 24960 : i32
        %dma_start3A_85 = arith.constant 0 : i32
        %dma_start3A_86 = tpu.memref_slice %arg5[%dma_start3A_84, %dma_start3A_85] : memref<25056x64xf32, #tpu.memory_space<vmem_shared>> -> memref<40x64xf32, #tpu.memory_space<vmem_shared>>
        tpu.enqueue_dma source(%dma_start3A_86 : memref<40x64xf32, #tpu.memory_space<vmem_shared>>) target(%dma_start3A_83 : memref<40x64xf32, #tpu.memory_space<hbm>>) target_semaphore(%run_scoped3A : memref<!tpu.dma_semaphore, #tpu.memory_space<semaphore_mem>>)
        %dma_wait3A_87 = arith.constant 0 : i32
        %dma_wait3A_88 = tpu.memref_slice %arg4[%add3A_81, %dma_wait3A_87] : memref<50048x64xf32, #tpu.memory_space<hbm>> -> memref<40x64xf32, #tpu.memory_space<hbm>>
        %dma_wait3A_89 = arith.constant 24960 : i32
        %dma_wait3A_90 = arith.constant 0 : i32
        %dma_wait3A_91 = tpu.memref_slice %arg5[%dma_wait3A_89, %dma_wait3A_90] : memref<25056x64xf32, #tpu.memory_space<vmem_shared>> -> memref<40x64xf32, #tpu.memory_space<vmem_shared>>
        tpu.wait_dma2 semaphore(%run_scoped3A : memref<!tpu.dma_semaphore, #tpu.memory_space<semaphore_mem>>) src(%dma_wait3A_91 : memref<40x64xf32, #tpu.memory_space<vmem_shared>>) dst(%dma_wait3A_88 : memref<40x64xf32, #tpu.memory_space<hbm>>)
        tpu.yield
      }) : () -> ()
    } else {
    }
    return
  }
}

module attributes {stable_mosaic.version = 14 : i64} {
  func.func @body(%arg0: i32, %arg1: memref<6400x128xf32, #tpu.memory_space<vmem>>, %arg2: memref<64x6400xf32, #tpu.memory_space<vmem>>) attributes {dimension_semantics = [#tpu.dimension_semantics<arbitrary>], iteration_bounds = array<i64: 125>, scalar_prefetch = 0 : i64, scratch_operands = 0 : i64, tpu.core_type = #tpu.core_type<tc>, window_params = [{transform_indices = @transform_0, window_bounds = array<i64: 6400, 128>}, {transform_indices = @transform_1, window_bounds = array<i64: 64, 6400>}]} {
    %get3A = arith.constant 0 : index
    %get3A_0 = arith.constant 0 : index
    %get3A_1 = vector.load %arg1[%get3A, %get3A_0] : memref<6400x128xf32, #tpu.memory_space<vmem>>, vector<6400x64xf32>
    %transpose3A = tpu.transpose %get3A_1, [1, 0] : vector<6400x64xf32> -> vector<64x6400xf32>
    %swap3A = arith.constant 0 : index
    %swap3A_2 = arith.constant 0 : index
    %swap3A_3 = vector.load %arg2[%swap3A, %swap3A_2] : memref<64x6400xf32, #tpu.memory_space<vmem>>, vector<64x6400xf32>
    tpu.vector_store %arg2[%swap3A, %swap3A_2], %transpose3A {strides = array<i32>} : memref<64x6400xf32, #tpu.memory_space<vmem>>, vector<64x6400xf32>,
    return
  }
  func.func @transform_0(%arg0: i32) -> (i32, i32) {
    %c0_i32 = arith.constant 0 : i32
    %c0_i32_0 = arith.constant 0 : i32
    return %arg0, %c0_i32 : i32, i32
  }
  func.func @transform_1(%arg0: i32) -> (i32, i32) {
    %c0_i32 = arith.constant 0 : i32
    %c0_i32_0 = arith.constant 0 : i32
    return %c0_i32, %arg0 : i32, i32
  }
}

module attributes {stable_mosaic.version = 14 : i64} {
  func.func @_edge_mlp_body(%arg0: i32, %arg1: memref<32x6400xf32, #tpu.memory_space<vmem>>, %arg2: memref<64x32xf32, #tpu.memory_space<vmem>>, %arg3: memref<64x1xf32, #tpu.memory_space<vmem>>, %arg4: memref<64x64xf32, #tpu.memory_space<vmem>>, %arg5: memref<64x1xf32, #tpu.memory_space<vmem>>, %arg6: memref<64x64xf32, #tpu.memory_space<vmem>>, %arg7: memref<64x1xf32, #tpu.memory_space<vmem>>, %arg8: memref<64x64xf32, #tpu.memory_space<vmem>>, %arg9: memref<64x1xf32, #tpu.memory_space<vmem>>, %arg10: memref<64x1xf32, #tpu.memory_space<vmem>>, %arg11: memref<64x1xf32, #tpu.memory_space<vmem>>, %arg12: memref<6400x128xf32, #tpu.memory_space<vmem>>) attributes {dimension_semantics = [#tpu.dimension_semantics<arbitrary>], iteration_bounds = array<i64: 125>, scalar_prefetch = 0 : i64, scratch_operands = 0 : i64, tpu.core_type = #tpu.core_type<tc>, window_params = [{transform_indices = @transform_0, window_bounds = array<i64: 32, 6400>}, {pipeline_mode = #tpu.pipeline_mode<synchronous>, transform_indices = @transform_1, window_bounds = array<i64: 64, 32>}, {pipeline_mode = #tpu.pipeline_mode<synchronous>, transform_indices = @transform_2, window_bounds = array<i64: 64, 1>}, {pipeline_mode = #tpu.pipeline_mode<synchronous>, transform_indices = @transform_3, window_bounds = array<i64: 64, 64>}, {pipeline_mode = #tpu.pipeline_mode<synchronous>, transform_indices = @transform_4, window_bounds = array<i64: 64, 1>}, {pipeline_mode = #tpu.pipeline_mode<synchronous>, transform_indices = @transform_5, window_bounds = array<i64: 64, 64>}, {pipeline_mode = #tpu.pipeline_mode<synchronous>, transform_indices = @transform_6, window_bounds = array<i64: 64, 1>}, {pipeline_mode = #tpu.pipeline_mode<synchronous>, transform_indices = @transform_7, window_bounds = array<i64: 64, 64>}, {pipeline_mode = #tpu.pipeline_mode<synchronous>, transform_indices = @transform_8, window_bounds = array<i64: 64, 1>}, {pipeline_mode = #tpu.pipeline_mode<synchronous>, transform_indices = @transform_9, window_bounds = array<i64: 64, 1>}, {pipeline_mode = #tpu.pipeline_mode<synchronous>, transform_indices = @transform_10, window_bounds = array<i64: 64, 1>}, {transform_indices = @transform_11, window_bounds = array<i64: 6400, 128>}]} {
    %get3A = arith.constant 0 : index
    %get3A_0 = arith.constant 0 : index
    %get3A_1 = vector.load %arg1[%get3A, %get3A_0] : memref<32x6400xf32, #tpu.memory_space<vmem>>, vector<32x6400xf32>
    %get3A_2 = arith.constant 0 : index
    %get3A_3 = arith.constant 0 : index
    %get3A_4 = vector.load %arg2[%get3A_2, %get3A_3] : memref<64x32xf32, #tpu.memory_space<vmem>>, vector<64x32xf32>
    %convert_element_type3A = arith.truncf %get3A_4 : vector<64x32xf32> to vector<64x32xbf16>
    %convert_element_type3A_5 = arith.truncf %get3A_1 : vector<32x6400xf32> to vector<32x6400xbf16>
    %dot_general3A = arith.constant dense<0.000000e+00> : vector<64x6400xf32>
    %dot_general3A_6 = tpu.matmul %convert_element_type3A, %convert_element_type3A_5, %dot_general3A {dimension_numbers = #tpu.dot_dimension_numbers<[1], [0], [0], [1], [0, 0, 1, 1], [], []>, transpose_lhs_hint = false} : vector<64x32xbf16>, vector<32x6400xbf16>, vector<64x6400xf32> -> vector<64x6400xf32>
    %get3A_7 = arith.constant 0 : index
    %get3A_8 = arith.constant 0 : index
    %get3A_9 = vector.load %arg3[%get3A_7, %get3A_8] : memref<64x1xf32, #tpu.memory_space<vmem>>, vector<64x1xf32>
    %add3A = vector.broadcast %get3A_9 : vector<64x1xf32> to vector<64x6400xf32>
    %add3A_10 = arith.addf %dot_general3A_6, %add3A : vector<64x6400xf32>
    %max3A = arith.constant 0.000000e+00 : f32
    %max3A_11 = vector.broadcast %max3A : f32 to vector<64x6400xf32>
    %max3A_12 = arith.maximumf %add3A_10, %max3A_11 : vector<64x6400xf32>
    %get3A_13 = arith.constant 0 : index
    %get3A_14 = arith.constant 0 : index
    %get3A_15 = vector.load %arg4[%get3A_13, %get3A_14] : memref<64x64xf32, #tpu.memory_space<vmem>>, vector<64x64xf32>
    %convert_element_type3A_16 = arith.truncf %get3A_15 : vector<64x64xf32> to vector<64x64xbf16>
    %convert_element_type3A_17 = arith.truncf %max3A_12 : vector<64x6400xf32> to vector<64x6400xbf16>
    %dot_general3A_18 = arith.constant dense<0.000000e+00> : vector<64x6400xf32>
    %dot_general3A_19 = tpu.matmul %convert_element_type3A_16, %convert_element_type3A_17, %dot_general3A_18 {dimension_numbers = #tpu.dot_dimension_numbers<[1], [0], [0], [1], [0, 0, 1, 1], [], []>, transpose_lhs_hint = false} : vector<64x64xbf16>, vector<64x6400xbf16>, vector<64x6400xf32> -> vector<64x6400xf32>
    %get3A_20 = arith.constant 0 : index
    %get3A_21 = arith.constant 0 : index
    %get3A_22 = vector.load %arg5[%get3A_20, %get3A_21] : memref<64x1xf32, #tpu.memory_space<vmem>>, vector<64x1xf32>
    %add3A_23 = vector.broadcast %get3A_22 : vector<64x1xf32> to vector<64x6400xf32>
    %add3A_24 = arith.addf %dot_general3A_19, %add3A_23 : vector<64x6400xf32>
    %max3A_25 = arith.constant 0.000000e+00 : f32
    %max3A_26 = vector.broadcast %max3A_25 : f32 to vector<64x6400xf32>
    %max3A_27 = arith.maximumf %add3A_24, %max3A_26 : vector<64x6400xf32>
    %get3A_28 = arith.constant 0 : index
    %get3A_29 = arith.constant 0 : index
    %get3A_30 = vector.load %arg6[%get3A_28, %get3A_29] : memref<64x64xf32, #tpu.memory_space<vmem>>, vector<64x64xf32>
    %convert_element_type3A_31 = arith.truncf %get3A_30 : vector<64x64xf32> to vector<64x64xbf16>
    %convert_element_type3A_32 = arith.truncf %max3A_27 : vector<64x6400xf32> to vector<64x6400xbf16>
    %dot_general3A_33 = arith.constant dense<0.000000e+00> : vector<64x6400xf32>
    %dot_general3A_34 = tpu.matmul %convert_element_type3A_31, %convert_element_type3A_32, %dot_general3A_33 {dimension_numbers = #tpu.dot_dimension_numbers<[1], [0], [0], [1], [0, 0, 1, 1], [], []>, transpose_lhs_hint = false} : vector<64x64xbf16>, vector<64x6400xbf16>, vector<64x6400xf32> -> vector<64x6400xf32>
    %get3A_35 = arith.constant 0 : index
    %get3A_36 = arith.constant 0 : index
    %get3A_37 = vector.load %arg7[%get3A_35, %get3A_36] : memref<64x1xf32, #tpu.memory_space<vmem>>, vector<64x1xf32>
    %add3A_38 = vector.broadcast %get3A_37 : vector<64x1xf32> to vector<64x6400xf32>
    %add3A_39 = arith.addf %dot_general3A_34, %add3A_38 : vector<64x6400xf32>
    %max3A_40 = arith.constant 0.000000e+00 : f32
    %max3A_41 = vector.broadcast %max3A_40 : f32 to vector<64x6400xf32>
    %max3A_42 = arith.maximumf %add3A_39, %max3A_41 : vector<64x6400xf32>
    %get3A_43 = arith.constant 0 : index
    %get3A_44 = arith.constant 0 : index
    %get3A_45 = vector.load %arg8[%get3A_43, %get3A_44] : memref<64x64xf32, #tpu.memory_space<vmem>>, vector<64x64xf32>
    %convert_element_type3A_46 = arith.truncf %get3A_45 : vector<64x64xf32> to vector<64x64xbf16>
    %convert_element_type3A_47 = arith.truncf %max3A_42 : vector<64x6400xf32> to vector<64x6400xbf16>
    %dot_general3A_48 = arith.constant dense<0.000000e+00> : vector<64x6400xf32>
    %dot_general3A_49 = tpu.matmul %convert_element_type3A_46, %convert_element_type3A_47, %dot_general3A_48 {dimension_numbers = #tpu.dot_dimension_numbers<[1], [0], [0], [1], [0, 0, 1, 1], [], []>, transpose_lhs_hint = false} : vector<64x64xbf16>, vector<64x6400xbf16>, vector<64x6400xf32> -> vector<64x6400xf32>
    %get3A_50 = arith.constant 0 : index
    %get3A_51 = arith.constant 0 : index
    %get3A_52 = vector.load %arg9[%get3A_50, %get3A_51] : memref<64x1xf32, #tpu.memory_space<vmem>>, vector<64x1xf32>
    %add3A_53 = vector.broadcast %get3A_52 : vector<64x1xf32> to vector<64x6400xf32>
    %add3A_54 = arith.addf %dot_general3A_49, %add3A_53 : vector<64x6400xf32>
    %get3A_55 = arith.constant 0 : index
    %get3A_56 = arith.constant 0 : index
    %get3A_57 = vector.load %arg10[%get3A_55, %get3A_56] : memref<64x1xf32, #tpu.memory_space<vmem>>, vector<64x1xf32>
    %get3A_58 = arith.constant 0 : index
    %get3A_59 = arith.constant 0 : index
    %get3A_60 = vector.load %arg11[%get3A_58, %get3A_59] : memref<64x1xf32, #tpu.memory_space<vmem>>, vector<64x1xf32>
    %reduce_sum3A = arith.constant dense<0.000000e+00> : vector<6400xf32>
    %reduce_sum3A_61 = vector.multi_reduction <add>, %add3A_54, %reduce_sum3A [0] : vector<64x6400xf32> to vector<6400xf32>
    %broadcast_in_dim3A = vector.shape_cast %reduce_sum3A_61 : vector<6400xf32> to vector<1x6400xf32>
    %div3A = arith.constant 6.400000e+01 : f32
    %div3A_62 = vector.broadcast %div3A : f32 to vector<1x6400xf32>
    %div3A_63 = arith.divf %broadcast_in_dim3A, %div3A_62 : vector<1x6400xf32>
    %sub3A = vector.broadcast %div3A_63 : vector<1x6400xf32> to vector<64x6400xf32>
    %sub3A_64 = arith.subf %add3A_54, %sub3A : vector<64x6400xf32>
    %integer_pow3A = arith.mulf %sub3A_64, %sub3A_64 : vector<64x6400xf32>
    %reduce_sum3A_65 = arith.constant dense<0.000000e+00> : vector<6400xf32>
    %reduce_sum3A_66 = vector.multi_reduction <add>, %integer_pow3A, %reduce_sum3A_65 [0] : vector<64x6400xf32> to vector<6400xf32>
    %broadcast_in_dim3A_67 = vector.shape_cast %reduce_sum3A_66 : vector<6400xf32> to vector<1x6400xf32>
    %div3A_68 = arith.constant 6.400000e+01 : f32
    %div3A_69 = vector.broadcast %div3A_68 : f32 to vector<1x6400xf32>
    %div3A_70 = arith.divf %broadcast_in_dim3A_67, %div3A_69 : vector<1x6400xf32>
    %sub3A_71 = vector.broadcast %div3A_63 : vector<1x6400xf32> to vector<64x6400xf32>
    %sub3A_72 = arith.subf %add3A_54, %sub3A_71 : vector<64x6400xf32>
    %add3A_73 = arith.constant 9.99999974E-6 : f32
    %add3A_74 = vector.broadcast %add3A_73 : f32 to vector<1x6400xf32>
    %add3A_75 = arith.addf %div3A_70, %add3A_74 : vector<1x6400xf32>
    %rsqrt3A = math.rsqrt %add3A_75 : vector<1x6400xf32>
    %mul3A = vector.broadcast %rsqrt3A : vector<1x6400xf32> to vector<64x6400xf32>
    %mul3A_76 = arith.mulf %sub3A_72, %mul3A : vector<64x6400xf32>
    %mul3A_77 = vector.broadcast %get3A_57 : vector<64x1xf32> to vector<64x6400xf32>
    %mul3A_78 = arith.mulf %mul3A_76, %mul3A_77 : vector<64x6400xf32>
    %add3A_79 = vector.broadcast %get3A_60 : vector<64x1xf32> to vector<64x6400xf32>
    %add3A_80 = arith.addf %mul3A_78, %add3A_79 : vector<64x6400xf32>
    %transpose3A = tpu.transpose %add3A_80, [1, 0] : vector<64x6400xf32> -> vector<6400x64xf32>
    %swap3A = arith.constant 0 : index
    %swap3A_81 = arith.constant 0 : index
    %swap3A_82 = vector.load %arg12[%swap3A, %swap3A_81] : memref<6400x128xf32, #tpu.memory_space<vmem>>, vector<6400x64xf32>
    tpu.vector_store %arg12[%swap3A, %swap3A_81], %transpose3A {strides = array<i32>} : memref<6400x128xf32, #tpu.memory_space<vmem>>, vector<6400x64xf32>,
    return
  }
  func.func @transform_0(%arg0: i32) -> (i32, i32) {
    %c0_i32 = arith.constant 0 : i32
    %c0_i32_0 = arith.constant 0 : i32
    return %c0_i32, %arg0 : i32, i32
  }
  func.func @transform_1(%arg0: i32) -> (i32, i32) {
    %c0_i32 = arith.constant 0 : i32
    %c0_i32_0 = arith.constant 0 : i32
    %c0_i32_1 = arith.constant 0 : i32
    return %c0_i32, %c0_i32_0 : i32, i32
  }
  func.func @transform_2(%arg0: i32) -> (i32, i32) {
    %c0_i32 = arith.constant 0 : i32
    %c0_i32_0 = arith.constant 0 : i32
    %c0_i32_1 = arith.constant 0 : i32
    return %c0_i32, %c0_i32_0 : i32, i32
  }
  func.func @transform_3(%arg0: i32) -> (i32, i32) {
    %c0_i32 = arith.constant 0 : i32
    %c0_i32_0 = arith.constant 0 : i32
    %c0_i32_1 = arith.constant 0 : i32
    return %c0_i32, %c0_i32_0 : i32, i32
  }
  func.func @transform_4(%arg0: i32) -> (i32, i32) {
    %c0_i32 = arith.constant 0 : i32
    %c0_i32_0 = arith.constant 0 : i32
    %c0_i32_1 = arith.constant 0 : i32
    return %c0_i32, %c0_i32_0 : i32, i32
  }
  func.func @transform_5(%arg0: i32) -> (i32, i32) {
    %c0_i32 = arith.constant 0 : i32
    %c0_i32_0 = arith.constant 0 : i32
    %c0_i32_1 = arith.constant 0 : i32
    return %c0_i32, %c0_i32_0 : i32, i32
  }
  func.func @transform_6(%arg0: i32) -> (i32, i32) {
    %c0_i32 = arith.constant 0 : i32
    %c0_i32_0 = arith.constant 0 : i32
    %c0_i32_1 = arith.constant 0 : i32
    return %c0_i32, %c0_i32_0 : i32, i32
  }
  func.func @transform_7(%arg0: i32) -> (i32, i32) {
    %c0_i32 = arith.constant 0 : i32
    %c0_i32_0 = arith.constant 0 : i32
    %c0_i32_1 = arith.constant 0 : i32
    return %c0_i32, %c0_i32_0 : i32, i32
  }
  func.func @transform_8(%arg0: i32) -> (i32, i32) {
    %c0_i32 = arith.constant 0 : i32
    %c0_i32_0 = arith.constant 0 : i32
    %c0_i32_1 = arith.constant 0 : i32
    return %c0_i32, %c0_i32_0 : i32, i32
  }
  func.func @transform_9(%arg0: i32) -> (i32, i32) {
    %c0_i32 = arith.constant 0 : i32
    %c0_i32_0 = arith.constant 0 : i32
    %c0_i32_1 = arith.constant 0 : i32
    return %c0_i32, %c0_i32_0 : i32, i32
  }
  func.func @transform_10(%arg0: i32) -> (i32, i32) {
    %c0_i32 = arith.constant 0 : i32
    %c0_i32_0 = arith.constant 0 : i32
    %c0_i32_1 = arith.constant 0 : i32
    return %c0_i32, %c0_i32_0 : i32, i32
  }
  func.func @transform_11(%arg0: i32) -> (i32, i32) {
    %c0_i32 = arith.constant 0 : i32
    %c0_i32_0 = arith.constant 0 : i32
    return %arg0, %c0_i32 : i32, i32
  }
}

module attributes {stable_mosaic.version = 14 : i64} {
  func.func @_node_mlp_body(%arg0: i32, %arg1: memref<32x2176xf32, #tpu.memory_space<vmem>>, %arg2: memref<2176x64xf32, #tpu.memory_space<vmem>>, %arg3: memref<64x32xf32, #tpu.memory_space<vmem>>, %arg4: memref<64x64xf32, #tpu.memory_space<vmem>>, %arg5: memref<64x1xf32, #tpu.memory_space<vmem>>, %arg6: memref<64x64xf32, #tpu.memory_space<vmem>>, %arg7: memref<64x1xf32, #tpu.memory_space<vmem>>, %arg8: memref<64x64xf32, #tpu.memory_space<vmem>>, %arg9: memref<64x1xf32, #tpu.memory_space<vmem>>, %arg10: memref<64x64xf32, #tpu.memory_space<vmem>>, %arg11: memref<64x1xf32, #tpu.memory_space<vmem>>, %arg12: memref<64x1xf32, #tpu.memory_space<vmem>>, %arg13: memref<64x1xf32, #tpu.memory_space<vmem>>, %arg14: memref<64x2176xf32, #tpu.memory_space<vmem>>) attributes {dimension_semantics = [#tpu.dimension_semantics<arbitrary>], iteration_bounds = array<i64: 23>, scalar_prefetch = 0 : i64, scratch_operands = 0 : i64, tpu.core_type = #tpu.core_type<tc>, window_params = [{transform_indices = @transform_0, window_bounds = array<i64: 32, 2176>}, {transform_indices = @transform_1, window_bounds = array<i64: 2176, 64>}, {pipeline_mode = #tpu.pipeline_mode<synchronous>, transform_indices = @transform_2, window_bounds = array<i64: 64, 32>}, {pipeline_mode = #tpu.pipeline_mode<synchronous>, transform_indices = @transform_3, window_bounds = array<i64: 64, 64>}, {pipeline_mode = #tpu.pipeline_mode<synchronous>, transform_indices = @transform_4, window_bounds = array<i64: 64, 1>}, {pipeline_mode = #tpu.pipeline_mode<synchronous>, transform_indices = @transform_5, window_bounds = array<i64: 64, 64>}, {pipeline_mode = #tpu.pipeline_mode<synchronous>, transform_indices = @transform_6, window_bounds = array<i64: 64, 1>}, {pipeline_mode = #tpu.pipeline_mode<synchronous>, transform_indices = @transform_7, window_bounds = array<i64: 64, 64>}, {pipeline_mode = #tpu.pipeline_mode<synchronous>, transform_indices = @transform_8, window_bounds = array<i64: 64, 1>}, {pipeline_mode = #tpu.pipeline_mode<synchronous>, transform_indices = @transform_9, window_bounds = array<i64: 64, 64>}, {pipeline_mode = #tpu.pipeline_mode<synchronous>, transform_indices = @transform_10, window_bounds = array<i64: 64, 1>}, {pipeline_mode = #tpu.pipeline_mode<synchronous>, transform_indices = @transform_11, window_bounds = array<i64: 64, 1>}, {pipeline_mode = #tpu.pipeline_mode<synchronous>, transform_indices = @transform_12, window_bounds = array<i64: 64, 1>}, {transform_indices = @transform_13, window_bounds = array<i64: 64, 2176>}]} {
    %get3A = arith.constant 0 : index
    %get3A_0 = arith.constant 0 : index
    %get3A_1 = vector.load %arg2[%get3A, %get3A_0] : memref<2176x64xf32, #tpu.memory_space<vmem>>, vector<2176x64xf32>
    %transpose3A = tpu.transpose %get3A_1, [1, 0] : vector<2176x64xf32> -> vector<64x2176xf32>
    %get3A_2 = arith.constant 0 : index
    %get3A_3 = arith.constant 0 : index
    %get3A_4 = vector.load %arg3[%get3A_2, %get3A_3] : memref<64x32xf32, #tpu.memory_space<vmem>>, vector<64x32xf32>
    %get3A_5 = arith.constant 0 : index
    %get3A_6 = arith.constant 0 : index
    %get3A_7 = vector.load %arg1[%get3A_5, %get3A_6] : memref<32x2176xf32, #tpu.memory_space<vmem>>, vector<32x2176xf32>
    %dot_general3A = arith.constant dense<0.000000e+00> : vector<64x2176xf32>
    %dot_general3A_8 = tpu.matmul %get3A_4, %get3A_7, %dot_general3A {dimension_numbers = #tpu.dot_dimension_numbers<[1], [0], [0], [1], [0, 0, 1, 1], [], []>, transpose_lhs_hint = false} : vector<64x32xf32>, vector<32x2176xf32>, vector<64x2176xf32> -> vector<64x2176xf32>
    %get3A_9 = arith.constant 0 : index
    %get3A_10 = arith.constant 0 : index
    %get3A_11 = vector.load %arg4[%get3A_9, %get3A_10] : memref<64x64xf32, #tpu.memory_space<vmem>>, vector<64x64xf32>
    %dot_general3A_12 = arith.constant dense<0.000000e+00> : vector<64x2176xf32>
    %dot_general3A_13 = tpu.matmul %get3A_11, %transpose3A, %dot_general3A_12 {dimension_numbers = #tpu.dot_dimension_numbers<[1], [0], [0], [1], [0, 0, 1, 1], [], []>, transpose_lhs_hint = false} : vector<64x64xf32>, vector<64x2176xf32>, vector<64x2176xf32> -> vector<64x2176xf32>
    %add3A = arith.addf %dot_general3A_8, %dot_general3A_13 : vector<64x2176xf32>
    %get3A_14 = arith.constant 0 : index
    %get3A_15 = arith.constant 0 : index
    %get3A_16 = vector.load %arg5[%get3A_14, %get3A_15] : memref<64x1xf32, #tpu.memory_space<vmem>>, vector<64x1xf32>
    %add3A_17 = vector.broadcast %get3A_16 : vector<64x1xf32> to vector<64x2176xf32>
    %add3A_18 = arith.addf %add3A, %add3A_17 : vector<64x2176xf32>
    %max3A = arith.constant 0.000000e+00 : f32
    %max3A_19 = vector.broadcast %max3A : f32 to vector<64x2176xf32>
    %max3A_20 = arith.maximumf %add3A_18, %max3A_19 : vector<64x2176xf32>
    %get3A_21 = arith.constant 0 : index
    %get3A_22 = arith.constant 0 : index
    %get3A_23 = vector.load %arg6[%get3A_21, %get3A_22] : memref<64x64xf32, #tpu.memory_space<vmem>>, vector<64x64xf32>
    %dot_general3A_24 = arith.constant dense<0.000000e+00> : vector<64x2176xf32>
    %dot_general3A_25 = tpu.matmul %get3A_23, %max3A_20, %dot_general3A_24 {dimension_numbers = #tpu.dot_dimension_numbers<[1], [0], [0], [1], [0, 0, 1, 1], [], []>, transpose_lhs_hint = false} : vector<64x64xf32>, vector<64x2176xf32>, vector<64x2176xf32> -> vector<64x2176xf32>
    %get3A_26 = arith.constant 0 : index
    %get3A_27 = arith.constant 0 : index
    %get3A_28 = vector.load %arg7[%get3A_26, %get3A_27] : memref<64x1xf32, #tpu.memory_space<vmem>>, vector<64x1xf32>
    %add3A_29 = vector.broadcast %get3A_28 : vector<64x1xf32> to vector<64x2176xf32>
    %add3A_30 = arith.addf %dot_general3A_25, %add3A_29 : vector<64x2176xf32>
    %max3A_31 = arith.constant 0.000000e+00 : f32
    %max3A_32 = vector.broadcast %max3A_31 : f32 to vector<64x2176xf32>
    %max3A_33 = arith.maximumf %add3A_30, %max3A_32 : vector<64x2176xf32>
    %get3A_34 = arith.constant 0 : index
    %get3A_35 = arith.constant 0 : index
    %get3A_36 = vector.load %arg8[%get3A_34, %get3A_35] : memref<64x64xf32, #tpu.memory_space<vmem>>, vector<64x64xf32>
    %dot_general3A_37 = arith.constant dense<0.000000e+00> : vector<64x2176xf32>
    %dot_general3A_38 = tpu.matmul %get3A_36, %max3A_33, %dot_general3A_37 {dimension_numbers = #tpu.dot_dimension_numbers<[1], [0], [0], [1], [0, 0, 1, 1], [], []>, transpose_lhs_hint = false} : vector<64x64xf32>, vector<64x2176xf32>, vector<64x2176xf32> -> vector<64x2176xf32>
    %get3A_39 = arith.constant 0 : index
    %get3A_40 = arith.constant 0 : index
    %get3A_41 = vector.load %arg9[%get3A_39, %get3A_40] : memref<64x1xf32, #tpu.memory_space<vmem>>, vector<64x1xf32>
    %add3A_42 = vector.broadcast %get3A_41 : vector<64x1xf32> to vector<64x2176xf32>
    %add3A_43 = arith.addf %dot_general3A_38, %add3A_42 : vector<64x2176xf32>
    %max3A_44 = arith.constant 0.000000e+00 : f32
    %max3A_45 = vector.broadcast %max3A_44 : f32 to vector<64x2176xf32>
    %max3A_46 = arith.maximumf %add3A_43, %max3A_45 : vector<64x2176xf32>
    %get3A_47 = arith.constant 0 : index
    %get3A_48 = arith.constant 0 : index
    %get3A_49 = vector.load %arg10[%get3A_47, %get3A_48] : memref<64x64xf32, #tpu.memory_space<vmem>>, vector<64x64xf32>
    %dot_general3A_50 = arith.constant dense<0.000000e+00> : vector<64x2176xf32>
    %dot_general3A_51 = tpu.matmul %get3A_49, %max3A_46, %dot_general3A_50 {dimension_numbers = #tpu.dot_dimension_numbers<[1], [0], [0], [1], [0, 0, 1, 1], [], []>, transpose_lhs_hint = false} : vector<64x64xf32>, vector<64x2176xf32>, vector<64x2176xf32> -> vector<64x2176xf32>
    %get3A_52 = arith.constant 0 : index
    %get3A_53 = arith.constant 0 : index
    %get3A_54 = vector.load %arg11[%get3A_52, %get3A_53] : memref<64x1xf32, #tpu.memory_space<vmem>>, vector<64x1xf32>
    %add3A_55 = vector.broadcast %get3A_54 : vector<64x1xf32> to vector<64x2176xf32>
    %add3A_56 = arith.addf %dot_general3A_51, %add3A_55 : vector<64x2176xf32>
    %get3A_57 = arith.constant 0 : index
    %get3A_58 = arith.constant 0 : index
    %get3A_59 = vector.load %arg12[%get3A_57, %get3A_58] : memref<64x1xf32, #tpu.memory_space<vmem>>, vector<64x1xf32>
    %get3A_60 = arith.constant 0 : index
    %get3A_61 = arith.constant 0 : index
    %get3A_62 = vector.load %arg13[%get3A_60, %get3A_61] : memref<64x1xf32, #tpu.memory_space<vmem>>, vector<64x1xf32>
    %reduce_sum3A = arith.constant dense<0.000000e+00> : vector<2176xf32>
    %reduce_sum3A_63 = vector.multi_reduction <add>, %add3A_56, %reduce_sum3A [0] : vector<64x2176xf32> to vector<2176xf32>
    %broadcast_in_dim3A = vector.shape_cast %reduce_sum3A_63 : vector<2176xf32> to vector<1x2176xf32>
    %div3A = arith.constant 6.400000e+01 : f32
    %div3A_64 = vector.broadcast %div3A : f32 to vector<1x2176xf32>
    %div3A_65 = arith.divf %broadcast_in_dim3A, %div3A_64 : vector<1x2176xf32>
    %sub3A = vector.broadcast %div3A_65 : vector<1x2176xf32> to vector<64x2176xf32>
    %sub3A_66 = arith.subf %add3A_56, %sub3A : vector<64x2176xf32>
    %integer_pow3A = arith.mulf %sub3A_66, %sub3A_66 : vector<64x2176xf32>
    %reduce_sum3A_67 = arith.constant dense<0.000000e+00> : vector<2176xf32>
    %reduce_sum3A_68 = vector.multi_reduction <add>, %integer_pow3A, %reduce_sum3A_67 [0] : vector<64x2176xf32> to vector<2176xf32>
    %broadcast_in_dim3A_69 = vector.shape_cast %reduce_sum3A_68 : vector<2176xf32> to vector<1x2176xf32>
    %div3A_70 = arith.constant 6.400000e+01 : f32
    %div3A_71 = vector.broadcast %div3A_70 : f32 to vector<1x2176xf32>
    %div3A_72 = arith.divf %broadcast_in_dim3A_69, %div3A_71 : vector<1x2176xf32>
    %sub3A_73 = vector.broadcast %div3A_65 : vector<1x2176xf32> to vector<64x2176xf32>
    %sub3A_74 = arith.subf %add3A_56, %sub3A_73 : vector<64x2176xf32>
    %add3A_75 = arith.constant 9.99999974E-6 : f32
    %add3A_76 = vector.broadcast %add3A_75 : f32 to vector<1x2176xf32>
    %add3A_77 = arith.addf %div3A_72, %add3A_76 : vector<1x2176xf32>
    %rsqrt3A = math.rsqrt %add3A_77 : vector<1x2176xf32>
    %mul3A = vector.broadcast %rsqrt3A : vector<1x2176xf32> to vector<64x2176xf32>
    %mul3A_78 = arith.mulf %sub3A_74, %mul3A : vector<64x2176xf32>
    %mul3A_79 = vector.broadcast %get3A_59 : vector<64x1xf32> to vector<64x2176xf32>
    %mul3A_80 = arith.mulf %mul3A_78, %mul3A_79 : vector<64x2176xf32>
    %add3A_81 = vector.broadcast %get3A_62 : vector<64x1xf32> to vector<64x2176xf32>
    %add3A_82 = arith.addf %mul3A_80, %add3A_81 : vector<64x2176xf32>
    %swap3A = arith.constant 0 : index
    %swap3A_83 = arith.constant 0 : index
    %swap3A_84 = vector.load %arg14[%swap3A, %swap3A_83] : memref<64x2176xf32, #tpu.memory_space<vmem>>, vector<64x2176xf32>
    tpu.vector_store %arg14[%swap3A, %swap3A_83], %add3A_82 {strides = array<i32>} : memref<64x2176xf32, #tpu.memory_space<vmem>>, vector<64x2176xf32>,
    return
  }
  func.func @transform_0(%arg0: i32) -> (i32, i32) {
    %c0_i32 = arith.constant 0 : i32
    %c0_i32_0 = arith.constant 0 : i32
    return %c0_i32, %arg0 : i32, i32
  }
  func.func @transform_1(%arg0: i32) -> (i32, i32) {
    %c0_i32 = arith.constant 0 : i32
    %c0_i32_0 = arith.constant 0 : i32
    return %arg0, %c0_i32 : i32, i32
  }
  func.func @transform_2(%arg0: i32) -> (i32, i32) {
    %c0_i32 = arith.constant 0 : i32
    %c0_i32_0 = arith.constant 0 : i32
    %c0_i32_1 = arith.constant 0 : i32
    return %c0_i32, %c0_i32_0 : i32, i32
  }
  func.func @transform_3(%arg0: i32) -> (i32, i32) {
    %c0_i32 = arith.constant 0 : i32
    %c0_i32_0 = arith.constant 0 : i32
    %c0_i32_1 = arith.constant 0 : i32
    return %c0_i32, %c0_i32_0 : i32, i32
  }
  func.func @transform_4(%arg0: i32) -> (i32, i32) {
    %c0_i32 = arith.constant 0 : i32
    %c0_i32_0 = arith.constant 0 : i32
    %c0_i32_1 = arith.constant 0 : i32
    return %c0_i32, %c0_i32_0 : i32, i32
  }
  func.func @transform_5(%arg0: i32) -> (i32, i32) {
    %c0_i32 = arith.constant 0 : i32
    %c0_i32_0 = arith.constant 0 : i32
    %c0_i32_1 = arith.constant 0 : i32
    return %c0_i32, %c0_i32_0 : i32, i32
  }
  func.func @transform_6(%arg0: i32) -> (i32, i32) {
    %c0_i32 = arith.constant 0 : i32
    %c0_i32_0 = arith.constant 0 : i32
    %c0_i32_1 = arith.constant 0 : i32
    return %c0_i32, %c0_i32_0 : i32, i32
  }
  func.func @transform_7(%arg0: i32) -> (i32, i32) {
    %c0_i32 = arith.constant 0 : i32
    %c0_i32_0 = arith.constant 0 : i32
    %c0_i32_1 = arith.constant 0 : i32
    return %c0_i32, %c0_i32_0 : i32, i32
  }
  func.func @transform_8(%arg0: i32) -> (i32, i32) {
    %c0_i32 = arith.constant 0 : i32
    %c0_i32_0 = arith.constant 0 : i32
    %c0_i32_1 = arith.constant 0 : i32
    return %c0_i32, %c0_i32_0 : i32, i32
  }
  func.func @transform_9(%arg0: i32) -> (i32, i32) {
    %c0_i32 = arith.constant 0 : i32
    %c0_i32_0 = arith.constant 0 : i32
    %c0_i32_1 = arith.constant 0 : i32
    return %c0_i32, %c0_i32_0 : i32, i32
  }
  func.func @transform_10(%arg0: i32) -> (i32, i32) {
    %c0_i32 = arith.constant 0 : i32
    %c0_i32_0 = arith.constant 0 : i32
    %c0_i32_1 = arith.constant 0 : i32
    return %c0_i32, %c0_i32_0 : i32, i32
  }
  func.func @transform_11(%arg0: i32) -> (i32, i32) {
    %c0_i32 = arith.constant 0 : i32
    %c0_i32_0 = arith.constant 0 : i32
    %c0_i32_1 = arith.constant 0 : i32
    return %c0_i32, %c0_i32_0 : i32, i32
  }
  func.func @transform_12(%arg0: i32) -> (i32, i32) {
    %c0_i32 = arith.constant 0 : i32
    %c0_i32_0 = arith.constant 0 : i32
    %c0_i32_1 = arith.constant 0 : i32
    return %c0_i32, %c0_i32_0 : i32, i32
  }
  func.func @transform_13(%arg0: i32) -> (i32, i32) {
    %c0_i32 = arith.constant 0 : i32
    %c0_i32_0 = arith.constant 0 : i32
    return %c0_i32, %arg0 : i32, i32
  }
}

</mosaic_0001>

<sc_bundles>
// kernel: kernel.6.cloned.1.call-start
scs
__scs_entry_jumppad:
0x0: {  	(pc) =	sbr.rel $0x88, $3  }
0x1: {  	(tag) =	ssettag $0x0;
	lr =	simm.s32 $0x1  }
0x2: {  	[smem:$0x3F8A] =	sst lr;
	_ =	strace $0xD0000000  }
0x3: {  	_ = 	snop  }
0x4: {  	_ = 	snop  }
0x5: {  	_ = 	snop  }
0x6: {  	_ = 	snop  }
0x7: {  	_ = 	snop  }
__scs_overlays_trampoline_lowered:
0x8: {  	[smem:$0x3F99] =	sst s0  }
0x9: {  	[smem:$0x3F9A] =	sst s1  }
0xa: {  	[smem:$0x3F9B] =	sst s2  }
0xb: {  	[smem:$0x3F9C] =	sst s3  }
0xc: {  	[smem:$0x3F9D] =	sst s4  }
0xd: {  	[smem:$0x3F9E] =	sst s5  }
0xe: {  	[smem:$0x3F9F] =	sst s6  }
0xf: {  	[smem:$0x3FA0] =	sst s7  }
0x10: {  	[smem:$0x3FA1] =	sst s8  }
0x11: {  	[smem:$0x3FA2] =	sst s9;
	s0 =	simm.s32 @!p0 $0x0  }
0x12: {  	s1 =	sld [smem:$0x3F88];
	s0 =	simm.s32 @p0 $0x1  }
0x13: {  	[smem:$0x3FA3] =	sst s0;
	s0 =	simm.s32 @!p1 $0x0  }
0x14: {  	s2 =	sld [smem:$0x3F87];
	s0 =	simm.s32 @p1 $0x1  }
0x15: {  	[smem:$0x3FA4] =	sst s0;
	s0 =	simm.s32 @!p2 $0x0  }
0x16: {  	s3 =	sld [smem:$0x3FDB];
	s0 =	simm.s32 @p2 $0x1  }
0x17: {  	s4 =	simm.s32 $0x1BF5;
	[smem:$0x3FA6] =	sst s0  }
0x18: {  	s0 =	sld [smem:$0x3F89];
	_ =	swait.ge [sflag:s4], $0x0  }
0x19: {  	s7 =	sld [smem:$0x3F8A]  }
0x1a: {  	s8 =	sadd.s32 $0xFFFFE003, lr  }
0x1b: {  	s9 =	sadd.s32 $0xFFFFFEF7, lr;
	s5 =	simm.s32 $0xFFFFFFFF;
	p2 =	slt.u32 s8, $0xFFFFF086  }
0x1c: {  	p1 =	slt.u32 s9, $0xF7A;
	s5 =	simm.s32 @!p2 $0x0  }
0x1d: {  	s5 =	simm.s32 @p1 $0x1;
	p0 =	seq.s32 s7, s2  }
0x1e: {  	s7 =	smul.u32 @!p0 $0xF7A, s2;
	p2 =	seq.s32 @!p0 s5, $0x0  }
0x1f: {  	s9 =	smul.u32 $0xF7A, s1;
	s8 =	simm.s32 @!p0 $0x1BF5;
	p2 =	por !p2, p0  }
0x20: {  	[sflag:s8] =	ssyncset.s32 @!p0 $0xFFFFF086;
	s6 =	sadd.s32 @!p0 s3, s7;
	s7 =	simm.s32 @!p0 $0x108  }
0x21: {  	s3 =	sadd.s32 s3, s9;
	s6 =	sadd.s32 @!p0 $0x88, s6;
	s7 =	simm.s32 @p2 $0x1082  }
0x22: {  	[simem:s7], [sflag:s8] =	dma.local @!p0 [hbm:s6], $0xF7A  }
0x23: {  	s9 =	sor.u32 $0xD0000000, s2;
	s6 =	simm.s32 $0x108;
	_ =	swait.ge @!p0 [sflag:s8], $0x0  }
0x24: {  	s3 =	sadd.s32 $0x88, s3;
	s6 =	simm.s32 @!p1 $0x1082;
	[sflag:s4] =	ssyncset.s32 $0xFFFFF086  }
0x25: {  	[simem:s6], [sflag:s4] =	dma.local [hbm:s3], $0xF7A  }
0x26: {  	[smem:$0x3F8A] =	sst s1;
	(tag) =	ssettag s2;
	_ =	strace s9  }
0x27: {  	s1 =	sld [smem:$0x3F9A]  }
0x28: {  	s2 =	sld [smem:$0x3F9B]  }
0x29: {  	s4 =	sld [smem:$0x3F9D]  }
0x2a: {  	p0 =	seq.s32 s5, $0x0;
	s5 =	sld [smem:$0x3F9E]  }
0x2b: {  	s6 =	sld [smem:$0x3F9F]  }
0x2c: {  	s7 =	sld [smem:$0x3FA0]  }
0x2d: {  	s3 =	simm.s32 $0x108;
	s8 =	sld [smem:$0x3FA1]  }
0x2e: {  	s3 =	simm.s32 @!p0 $0x1082;
	s9 =	sld [smem:$0x3FA2]  }
0x2f: {  	lr =	sadd.s32 s0, s3;
	s0 =	sld [smem:$0x3F99]  }
0x30: {  	s3 =	sld [smem:$0x3F9C]  }
0x31: {  	[smem:$0x3FA5] =	sst s10  }
0x32: {  	s10 =	sld [smem:$0x3FA3];
	_ =	sdelay $0x3  }
0x33: {  	p0 =	seq.s32 s10, $0x1;
	s10 =	sld [smem:$0x3FA5];
	_ =	sdelay $0x3  }
0x34: {  	[smem:$0x3FA5] =	sst s10  }
0x35: {  	s10 =	sld [smem:$0x3FA4];
	_ =	sdelay $0x3  }
0x36: {  	p1 =	seq.s32 s10, $0x1;
	s10 =	sld [smem:$0x3FA5];
	_ =	sdelay $0x3  }
0x37: {  	[smem:$0x3FA5] =	sst s10  }
0x38: {  	s10 =	sld [smem:$0x3FA6]  }
0x39: {  	_ = 	snop;
	(pc) =	sbr.ind lr, $3  }
0x3a: {  	_ = 	snop  }
0x3b: {  	_ = 	snop  }
0x3c: {  	p2 =	seq.s32 s10, $0x1;
	s10 =	sld [smem:$0x3FA5]  }
0x3d: {  	_ =	shalt  }
0x3e: {  	_ =	shalt  }
0x3f: {  	_ =	shalt  }
0x40: {  	_ =	shalt  }
0x41: {  	_ =	shalt  }
0x42: {  	_ =	shalt  }
0x43: {  	_ =	shalt  }
0x44: {  	_ =	shalt  }
0x45: {  	_ =	shalt  }
0x46: {  	_ =	shalt  }
0x47: {  	_ =	shalt  }
0x48: {  	_ =	shalt  }
0x49: {  	_ =	shalt  }
0x4a: {  	_ =	shalt  }
0x4b: {  	_ =	shalt  }
0x4c: {  	_ =	shalt  }
0x4d: {  	_ =	shalt  }
0x4e: {  	_ =	shalt  }
0x4f: {  	_ =	shalt  }
0x50: {  	_ =	shalt  }
0x51: {  	_ =	shalt  }
0x52: {  	_ =	shalt  }
0x53: {  	_ =	shalt  }
0x54: {  	_ =	shalt  }
0x55: {  	_ =	shalt  }
0x56: {  	_ =	shalt  }
0x57: {  	_ =	shalt  }
0x58: {  	_ =	shalt  }
0x59: {  	_ =	shalt  }
0x5a: {  	_ =	shalt  }
0x5b: {  	_ =	shalt  }
0x5c: {  	_ =	shalt  }
0x5d: {  	_ =	shalt  }
0x5e: {  	_ =	shalt  }
0x5f: {  	_ =	shalt  }
0x60: {  	_ =	shalt  }
0x61: {  	_ =	shalt  }
0x62: {  	_ =	shalt  }
0x63: {  	_ =	shalt  }
0x64: {  	_ =	shalt  }
0x65: {  	_ =	shalt  }
0x66: {  	_ =	shalt  }
0x67: {  	_ =	shalt  }
0x68: {  	_ =	shalt  }
0x69: {  	_ =	shalt  }
0x6a: {  	_ =	shalt  }
0x6b: {  	_ =	shalt  }
0x6c: {  	_ =	shalt  }
0x6d: {  	_ =	shalt  }
0x6e: {  	_ =	shalt  }
0x6f: {  	_ =	shalt  }
0x70: {  	_ =	shalt  }
0x71: {  	_ =	shalt  }
0x72: {  	_ =	shalt  }
0x73: {  	_ =	shalt  }
0x74: {  	_ =	shalt  }
0x75: {  	_ =	shalt  }
0x76: {  	_ =	shalt  }
0x77: {  	_ =	shalt  }
0x78: {  	_ =	shalt  }
0x79: {  	_ =	shalt  }
0x7a: {  	_ =	shalt  }
0x7b: {  	_ =	shalt  }
0x7c: {  	_ =	shalt  }
0x7d: {  	_ =	shalt  }
0x7e: {  	_ =	shalt  }
0x7f: {  	_ =	shalt  }
0x80: {  	_ =	shalt  }
0x81: {  	_ =	shalt  }
0x82: {  	_ =	shalt  }
0x83: {  	_ =	shalt  }
0x84: {  	_ =	shalt  }
0x85: {  	_ =	shalt  }
0x86: {  	_ =	shalt  }
0x87: {  	_ =	shalt  }
.Lfunc_end0:
.L_simem_size_0:
called_computation_lowered:
.L_overlay_start_0:
0x88: {  	s2 =	sld [smem:$0x3FD9]  }
0x89: {  	s3 =	sld [smem:$0x3FFE];
	_ =	sdelay $0x1  }
0x8a: {  	s1 =	srdreg.scid  }
0x8b: {  	s0 =	sand.u32 $0x1, s1  }
0x8c: {  	s14 =	sshll.u32 s0, $0xA;
	s2 =	sadd.s32 s3, s2  }
0x8d: {  	s2 =	sadd.s32 s2, s14  }
0x8e: {  	[smem:$0x3FB1] =	sst s2  }
0x8f: {  	_ = 	snop  }
0x90: {  	s2 =	sld [smem:$0x3FD0];
	_ =	sdelay $0x2  }
0x91: {  	s15 =	simm.s32 $0xA;
	s4 =	simm.s32 $0x10  }
0x92: {  	[smem:s4], [sflag:s15] =	dma.local [hbm:s2], $0x1  }
0x93: {  	_ =	swait.eq [sflag:s15], $0x1  }
0x94: {  	[sflag:s15] =	ssyncset.done $0x0  }
0x95: {  	[sflag:s15] =	ssyncadd.s32 $0xFFFFFFFF  }
0x96: {  	s16 =	sld [smem:$0x10];
	(tm) =	ssettm $0x1  }
0x97: {  	s17 =	sld [smem:$0x3FFB];
	_ =	sdelay $0x3  }
0x98: {  	_ =	strace s17  }
0x99: {  	s3 =	sld [smem:$0x3FFC];
	_ =	sdelay $0x3  }
0x9a: {  	_ =	strace s3  }
0x9b: {  	s3 =	sld [smem:$0x3FFD];
	_ =	sdelay $0x3  }
0x9c: {  	_ =	strace s3  }
0x9d: {  	_ =	strace $0x8FFFFFFF  }
0x9e: {  	s18 =	sld [smem:$0x3FDB];
	_ =	sdelay $0x1  }
0x9f: {  	s19 =	simm.s32 $_scs_section_size  }
0xa0: {  	s5 =	simm.s32 $_size__tile_overlayer_lowered;
	s6 =	simm.s32 $_tile_overlayer_lowered  }
0xa1: {  	s22 =	simm.s32 $0x1BFF;
	s21 =	sshll.u32 s6, $0x1;
	s3 =	sadd.s32 s19, s18  }
0xa2: {  	s7 =	simm.s32 $0x0;
	s20 =	sshll.u32 s5, $0x1;
	s5 =	sadd.s32 s21, s3  }
0xa3: {  	[timem:s7], [sflag:s22] =	dma.local [hbm:s5], s20  }
0xa4: {  	_ =	swait.ge [sflag:s22], s20  }
0xa5: {  	s4 =	ssub.s32 $0x0, s20;
	[sflag:s22] =	ssyncset.done $0x0  }
0xa6: {  	[sflag:s22] =	ssyncadd.s32 s4;
	_ =	sdelay $0x1  }
0xa7: {  	s23 =	simm.s32 $0x1B8B  }
0xa8: {  	_ =	swait.ge [sflag:s23], $0x1  }
0xa9: {  	[sflag:s23] =	ssyncset.done $0x0  }
0xaa: {  	s25 =	simm.s32 $0x1B8E;
	s24 =	sld [smem:$0x3FFE];
	[sflag:s23] =	ssyncadd.s32 $0xFFFFFFFF  }
0xab: {  	s26 =	simm.s32 $execute0_lowered;
	[smem:$0x3FD2] =	sst s25  }
0xac: {  	s5 =	sshll.u32 s26, $0x1;
	_ =	strace $0x80000046;
	[dreg:$0x1] =	wrdreg $0xFFFFFFFF  }
0xad: {  	s28 =	simm.s32 $_size_execute0_lowered;
	s3 =	sadd.s32 s3, s5;
	[dreg:$0x0] =	wrdreg $0x0  }
0xae: {  	s5 =	sshll.u32 s28, $0x1;
	[dreg:$0x2] =	wrdreg s3  }
0xaf: {  	[dreg:$0x3] =	wrdreg s5  }
0xb0: {  	[dreg:$0x4] =	wrdreg $0xC0  }
0xb1: {  	_ =	task [dreg:s7], $0x5FFFF  }
0xb2: {  	[dreg:$0x1] =	wrdreg $0xFFFFFFFF  }
0xb3: {  	[dreg:$0x0] =	wrdreg $0x60  }
0xb4: {  	[dreg:$0x2] =	wrdreg s24  }
0xb5: {  	[dreg:$0x3] =	wrdreg s16  }
0xb6: {  	[dreg:$0x4] =	wrdreg $0x0  }
0xb7: {  	[dreg:$0x5] =	wrdreg $0x9  }
0xb8: {  	_ =	task.clear_ibuf [dreg:s7], $0x6FFFF;
	_ =	strace $0x90000046  }
0xb9: {  	s29 =	simm.s32 $0x9;
	_ =	strace $0x80000048  }
0xba: {  	_ =	swait.ge [sflag:s29], $0x1  }
0xbb: {  	[sflag:s29] =	ssyncadd.s32 $0xFFFFFFFF  }
0xbc: {  	_ =	strace $0x90000048  }
0xbd: {  	_ =	sfence  }
0xbe: {  	s30 =	sld [smem:$0x0];
	_ =	sdelay $0x2  }
0xbf: {  	s31 =	sshll.u32 s1, $0xD;
	s1 =	sshrl.u32 s1, $0x2  }
0xc0: {  	s3 =	sand.u32 $0x4000, s31;
	s1 =	sadd.s32 s1, s30  }
0xc1: {  	s0 =	sor.u32 s3, s0;
	s1 =	sshll.u32 s1, $0x11  }
0xc2: {  	s0 =	sor.u32 s1, s0  }
0xc3: {  	s0 =	sadd.s32 $0x8F2B, s0  }
0xc4: {  	[sflag:s0] =	ssyncadd.remote.s32 $0x1  }
0xc5: {  	_ =	sfence.sel $0xFFFF  }
0xc6: {  	[dreg:$0x0] =	wrdreg $0xFFFFFFFF;
	(pc) =	sbr.abs _section_cstart, $3  }
0xc7: {  	[dreg:$0x1] =	wrdreg $0xFFFFFFFF  }
0xc8: {  	_ =	task.clear_ibuf [dreg:s7], $0x2FFFF;
	_ =	strace $0x9FFFFFFF  }
0xc9: {  	(tm) =	ssettm $0x7FFFFFFF  }
tec
execute0_lowered:
.L_overlay_start_1:
0x0: {  	(tag) =	ssettag $0x1  }
0x1: {  	s0 =	rddreg [dreg:$0x0]  }
0x2: {  	s3 =	rddreg [dreg:$0x1]  }
0x3: {  	s1 =	rddreg [dreg:$0x2];
	s12 =	stileid.u32  }
0x4: {  	s2 =	simm.s32 $0x0;
	s4 =	srdreg.scid;
	s6 =	smul.u32 $0xC350, s12  }
0x5: {  	s29 =	simm.s32 $0x40;
	s28 =	simm.s32 $0x18780;
	s9 =	smul.u32 $0xC3500, s12  }
0x6: {  	s30 =	simm.s32 $0x1EB80;
	s31 =	simm.s32 $0x1ED10;
	s15 =	smul.u32 $0x618, s12  }
0x7: {  	[smem:$0x7FF] =	sst s2;
	s4 =	sand.u32 $0x1, s4;
	s16 =	smul.u32 $0x61800, s12  }
0x8: {  	s7 =	sadd.s32 $0x32800, s0;
	s0 =	sadd.s32 $0x1A00, s0;
	s21 =	smul.u32 $0x61E00, s12  }
0x9: {  	s24 =	smul.u32 $0x186A, s12;
	p0 =	sne.s32 s12, $0x0;
	v0 =	vmov s12;
	s12 =	simm.s32 $0x3  }
0xa: {  	_ =	strace $0x80000047;
	s5 =	ssub.s32 $0x2, s4;
	s20 =	smul.u32 $0x61A8, s4  }
0xb: {  	s4 =	smul.u32 $0x186A00, s4;
	s8 =	sshrl.u32 s5, $0x1;
	s10 =	sadd.s32 s7, s9  }
0xc: {  	s13 =	sshrl.u32 s6, $0x3;
	s6 =	sadd.s32 $0x50, s6;
	s23 =	sshrl.u32 s21, $0x2  }
0xd: {  	s9 =	simm.s32 $0x2;
	s5 =	ssub.s32 s5, s8;
	s11 =	sadd.s32 s0, s13  }
0xe: {  	s14 =	sshll.u32 s6, $0x4;
	s6 =	sshrl.u32 s6, $0x3;
	s17 =	sadd.s32 s15, s20  }
0xf: {  	s4 =	sshrl.u32 s4, $0x3;
	[dreg:$0x4] =	wrdreg s10;
	s25 =	sadd.s32 $0x1E00, s10  }
0x10: {  	s15 =	sadd.s32 s24, s0;
	s8 =	simm.s32 $0x19B80;
	s10 =	simm.s32 $0x1D780  }
0x11: {  	s24 =	simm.s32 $0x7;
	s13 =	sadd.s32 $0x186A0, s11;
	[dreg:$0x5] =	wrdreg s11  }
0x12: {  	s7 =	sadd.s32 s7, s14;
	s6 =	sadd.s32 s0, s6;
	[dreg:$0xd] =	wrdreg s25  }
0x13: {  	s18 =	sadd.s32 $0x186AA, s11;
	s19 =	sshll.u32 s17, $0x3;
	[dreg:$0x6] =	wrdreg s13  }
0x14: {  	s5 =	smax.u32 s5, $0x1;
	s17 =	simm.s32 $0xB;
	[dreg:$0x7] =	wrdreg s7  }
0x15: {  	s11 =	simm.s32 $0x1AF80;
	s14 =	simm.s32 $0x6;
	[dreg:$0x8] =	wrdreg s6  }
0x16: {  	s25 =	simm.s32 $0x1EDB0;
	[dreg:$0x9] =	wrdreg s18;
	s7 =	sshrl.u32 s16, $0x2  }
0x17: {  	s6 =	sadd.s32 s3, s19;
	s3 =	sadd.s32 s3, s4;
	[dreg:$0xc] =	wrdreg s5  }
0x18: {  	s13 =	sadd.s32 s23, s1;
	s16 =	simm.s32 $0x1EEA0;
	s19 =	simm.s32 $0x80  }
0x19: {  	s23 =	simm.s32 $0x4;
	s5 =	simm.s32 $0x5;
	s4 =	simm.s32 $0x0  }
0x1a: {  	s18 =	simm.s32 $0x1AF80;
	[dreg:$0xa] =	wrdreg s6;
	s22 =	sadd.s32 s7, s1  }
0x1b: {  	s3 =	sadd.s32 $0x30C00, s3;
	s7 =	sadd.s32 $0x186000, s1;
	s6 =	simm.s32 $0x1C380  }
0x1c: {  	[dreg:$0xb] =	wrdreg s3;
	s26 =	sshrl.u32 s22, $0x3;
	s0 =	sshrl.u32 @!p0 s7, $0x3  }
0x1d: {  	v1 =	vadd.s32 $0x61A8, v0;
	s22 =	simm.s32 $0x1EBD0;
	s3 =	simm.s32 $0x50;
	[dreg:$0xe] =	wrdreg s26  }
0x1e: {  	v2 =	vimm.f32 $0.0e+00;
	v1 =	vbroadcast v1, $0x0;
	v0 =	vmov s20;
	[dreg:$0xf] =	wrdreg s0;
	s26 =	simm.s32 $0x1ED60;
	s0 =	simm.s32 $0x1  }
.LBB2_1:
0x1f: {  	s20 =	simm.s32 $0x0  }
.LBB2_2:
0x20: {  	p1 =	sne.s32 s20, $0x3500  }
.Ltmp0:
0x21: {  	s21 =	sshra.s32 s20, $0x2;
	(pc) =	sbr.rel @p1 .LBB2_2-.Ltmp0, $4  }
0x22: {  	[tilespmem:s21+$0x1EEA0] =	vst v2  }
0x23: {  	[tilespmem:s21+$0x1EEB0] =	vst v2  }
0x24: {  	[tilespmem:s21+$0x1EEC0] =	vst v2  }
0x25: {  	s20 =	sadd.s32 $0x100, s20;
	[tilespmem:s21+$0x1EED0] =	vst v2  }
0x26: {  	[dreg:$0x10] =	wrdreg s4;
	s20 =	sadd.s32 $0x0, s13  }
0x27: {  	[spmem:s20] =	stream.linear.scatter [tilespmem:s16], [sflag:$0xB], $0xD80, $0x38;
	[tilespmem:$0x1FC20] =	vst v63  }
0x28: {  	s20 =	simm.s32 $0x3600;
	_ =	swait.ge [sflag:s17], $0xD80  }
.LBB2_4:
0x29: {  	s21 =	sshra.s32 s20, $0x2;
	[sflag:s17] =	ssyncset.done $0x0;
	p1 =	sne.s32 s20, $0x5E800  }
.Ltmp1:
0x2a: {  	s21 =	sadd.s32 s21, s13;
	[sflag:s17] =	ssyncadd.s32 $0xFFFFF280;
	(pc) =	sbr.rel @p1 .LBB2_4-.Ltmp1, $3  }
0x2b: {  	[spmem:s21] =	stream.linear.scatter [tilespmem:s16], [sflag:$0xB], $0xD80, $0x38;
	[tilespmem:$0x1FC20] =	vst v63  }
0x2c: {  	s20 =	sadd.s32 $0x3600, s20;
	_ =	sdelay $0x1  }
0x2d: {  	_ =	swait.ge [sflag:s17], $0xD80  }
0x2e: {  	[sflag:s17] =	ssyncset.done $0x0  }
0x2f: {  	[sflag:s17] =	ssyncadd.s32 $0xFFFFF280  }
0x30: {  	[bflag:$0x0] =	sbarrier.arrive $0xFFFF  }
0x31: {  	s7 =	rddreg [dreg:$0x4]  }
0x32: {  	[tilespmem:s28], [sflag:$0x1] =	stream.strided.gather [hbm4b:s7+s29], $0x1400, s19, s29, $0x38;
	[tilespmem:$0x1FC20] =	vst v63  }
0x33: {  	s21 =	simm.s32 $0x0;
	s4 =	rddreg [dreg:$0x5]  }
0x34: {  	[tilespmem:s30], [sflag:$0x1] =	stream.linear.gather [hbm4b:s4+s21], $0x50, $0x38;
	[tilespmem:$0x1FC20] =	vst v63  }
0x35: {  	s20 =	rddreg [dreg:$0x6]  }
0x36: {  	[tilespmem:s31], [sflag:$0x1] =	stream.linear.gather [hbm4b:s20+s21], $0x50, $0x38;
	[tilespmem:$0x1FC20] =	vst v63  }
0x37: {  	s4 =	rddreg [dreg:$0x7]  }
0x38: {  	[tilespmem:s8], [sflag:$0x2] =	stream.strided.gather [hbm4b:s4+s29], $0x1400, s19, s29, $0x38;
	[tilespmem:$0x1FC20] =	vst v63  }
0x39: {  	s20 =	rddreg [dreg:$0x8]  }
0x3a: {  	[tilespmem:s22], [sflag:$0x2] =	stream.linear.gather [hbm4b:s20+s21], $0x50, $0x38;
	[tilespmem:$0x1FC20] =	vst v63  }
0x3b: {  	s22 =	rddreg [dreg:$0x9]  }
0x3c: {  	[tilespmem:s26], [sflag:$0x2] =	stream.linear.gather [hbm4b:s22+s21], $0x50, $0x38;
	[tilespmem:$0x1FC20] =	vst v63  }
0x3d: {  	s22 =	rddreg [dreg:$0xd]  }
.LBB2_6:
0x3e: {  	p1 =	seq.s32 s21, $0x0  }
0x3f: {  	s20 =	simm.s32 @!p1 $0x8  }
0x40: {  	_ =	swait.ge @!p1 [sflag:s20], $0x1400  }
0x41: {  	[sflag:s20] =	ssyncset.done @!p1 $0x0  }
0x42: {  	[sflag:s20] =	ssyncadd.s32 @!p1 $0xFFFFEC00  }
0x43: {  	_ =	swait.ge @!p1 [sflag:s20], $0x1400  }
0x44: {  	[sflag:s20] =	ssyncset.done @!p1 $0x0  }
0x45: {  	s26 =	sadd.s32 $0xFFFFEC00, s22;
	[sflag:s20] =	ssyncadd.s32 @!p1 $0xFFFFEC00  }
0x46: {  	[tilespmem:s11], [sflag:$0x3] =	stream.strided.gather [hbm4b:s26+s29], $0x1400, s19, s29, $0x38;
	[tilespmem:$0x1FC20] =	vst v63  }
0x47: {  	s26 =	sadd.s32 s21, s15  }
0x48: {  	s11 =	simm.s32 $0x1EC20;
	s4 =	sadd.s32 $0x14, s26  }
0x49: {  	[tilespmem:s11], [sflag:$0x3] =	stream.linear.gather [hbm4b:s4+s2], $0x50, $0x38;
	[tilespmem:$0x1FC20] =	vst v63  }
0x4a: {  	s7 =	sadd.s32 $0x186B4, s26  }
0x4b: {  	[tilespmem:s25], [sflag:$0x3] =	stream.linear.gather [hbm4b:s7+s2], $0x50, $0x38;
	[tilespmem:$0x1FC20] =	vst v63  }
0x4c: {  	_ =	swait.ge [sflag:s0], $0x1400  }
0x4d: {  	[sflag:s0] =	ssyncset.done $0x0  }
0x4e: {  	[sflag:s0] =	ssyncadd.s32 $0xFFFFEC00  }
0x4f: {  	_ =	swait.ge [sflag:s0], $0x50  }
0x50: {  	[sflag:s0] =	ssyncset.done $0x0  }
0x51: {  	[sflag:s0] =	ssyncadd.s32 $0xFFFFFFB0  }
0x52: {  	_ =	swait.ge [sflag:s0], $0x50  }
0x53: {  	[sflag:s0] =	ssyncset.done $0x0  }
0x54: {  	[sflag:s0] =	ssyncadd.s32 $0xFFFFFFB0  }
0x55: {  	v3 =	vld [tilespmem:$0x1EB80]  }
0x56: {  	v4 =	vld [tilespmem:$0x1EB90]  }
0x57: {  	v5 =	vld [tilespmem:$0x1EBA0]  }
0x58: {  	v6 =	vld [tilespmem:$0x1EBB0]  }
0x59: {  	v8 =	vld [tilespmem:$0x1EBC0]  }
0x5a: {  	v9 =	vld [tilespmem:$0x1ED10]  }
0x5b: {  	v10 =	vld [tilespmem:$0x1ED20]  }
0x5c: {  	v12 =	vld [tilespmem:$0x1ED30]  }
0x5d: {  	v58 =	vld [tilespmem:$0x1ED50];
	_ =	sdelay $0x1  }
0x5e: {  	v3 =	vsub.s32 v3, v0  }
0x5f: {  	v4 =	vsub.s32 v4, v0;
	v5 =	vsub.s32 v5, v0;
	v6 =	vsub.s32 v6, v0  }
0x60: {  	v8 =	vsub.s32 v8, v0;
	v9 =	vsub.s32 v9, v0;
	v57 =	vsub.s32 v10, v0  }
0x61: {  	v62 =	vsub.s32 v12, v0;
	v12 =	vsub.s32 v58, v0;
	v7 =	vand.u32 $0x1F, v3  }
0x62: {  	vm0 =	vlt.u32 v3, $0x61A8;
	v52 =	vand.u32 $0x1F, v4;
	vm4 =	vlt.u32 v4, $0x61A8  }
0x63: {  	v53 =	vand.u32 $0x1F, v5;
	vm5 =	vlt.u32 v5, $0x61A8;
	v11 =	vand.u32 $0x1F, v6  }
0x64: {  	vm1 =	vlt.u32 v6, $0x61A8;
	v54 =	vand.u32 $0x1F, v8;
	vm6 =	vlt.u32 v8, $0x61A8  }
0x65: {  	v56 =	vand.u32 $0x1F, v9;
	vm7 =	vlt.u32 v9, $0x61A8;
	v7 =	vadd.s32 v7, v1  }
0x66: {  	v55 =	vld [tilespmem:$0x1ED40];
	v60 =	vand.u32 $0x1F, v57;
	v11 =	vadd.s32 v11, v1;
	v3 =	vsel vm0, v3, v7  }
0x67: {  	vm8 =	vlt.u32 v57, $0x61A8;
	v7 =	vadd.s32 v52, v1;
	v6 =	vsel vm1, v6, v11;
	[tilespmem:$0x1EB80] =	vst v3  }
0x68: {  	v63 =	vand.u32 $0x1F, v62;
	v4 =	vsel vm4, v4, v7;
	v7 =	vadd.s32 v53, v1;
	[tilespmem:$0x1EBB0] =	vst v6  }
0x69: {  	vm9 =	vlt.u32 v62, $0x61A8;
	v59 =	vadd.s32 v56, v1;
	v5 =	vsel vm5, v5, v7;
	[tilespmem:$0x1EB90] =	vst v4  }
0x6a: {  	v13 =	vand.u32 $0x1F, v12;
	v7 =	vadd.s32 v54, v1;
	v4 =	vsel vm7, v9, v59;
	[tilespmem:$0x1EBA0] =	vst v5  }
0x6b: {  	v61 =	vadd.s32 v60, v1;
	v9 =	vsub.s32 v55, v0;
	v3 =	vsel vm6, v8, v7;
	[tilespmem:$0x1ED10] =	vst v4  }
0x6c: {  	v5 =	vsel vm8, v57, v61;
	v11 =	vand.u32 $0x1F, v9;
	[tilespmem:$0x1EBC0] =	vst v3;
	v3 =	vadd.s32 v63, v1  }
0x6d: {  	vm10 =	vlt.u32 v9, $0x61A8;
	[tilespmem:$0x1ED20] =	vst v5;
	v4 =	vadd.s32 v11, v1;
	v3 =	vsel vm9, v62, v3  }
0x6e: {  	vm11 =	vlt.u32 v12, $0x61A8;
	v14 =	vadd.s32 v13, v1;
	[tilespmem:$0x1ED30] =	vst v3;
	v3 =	vsel vm10, v9, v4  }
0x6f: {  	[tilespmem:$0x1ED40] =	vst v3;
	v3 =	vsel vm11, v12, v14  }
0x70: {  	[tilespmem:$0x1ED50] =	vst v3  }
0x71: {  	[spmem:s1] =	stream.indirect.scatter.add.f32 [tilespmem:s28], [sflag:$0x6], $0x40, s30, s3, $0xb8;
	[tilespmem:$0x1FC20] =	vst v63  }
0x72: {  	s20 =	simm.s32 @!p1 $0x9  }
0x73: {  	[spmem:s1] =	stream.indirect.scatter.add.f32 [tilespmem:s28], [sflag:$0x6], $0x40, s31, s3, $0xb8;
	[tilespmem:$0x1FC20] =	vst v63  }
0x74: {  	_ =	swait.ge @!p1 [sflag:s20], $0x1400  }
0x75: {  	[sflag:s20] =	ssyncset.done @!p1 $0x0  }
0x76: {  	[sflag:s20] =	ssyncadd.s32 @!p1 $0xFFFFEC00  }
0x77: {  	_ =	swait.ge @!p1 [sflag:s20], $0x1400  }
0x78: {  	[sflag:s20] =	ssyncset.done @!p1 $0x0  }
0x79: {  	s8 =	sadd.s32 $0xFFFFF100, s22;
	[sflag:s20] =	ssyncadd.s32 @!p1 $0xFFFFEC00  }
0x7a: {  	[tilespmem:s6], [sflag:$0x4] =	stream.strided.gather [hbm4b:s8+s29], $0x1400, s19, s29, $0x38;
	[tilespmem:$0x1FC20] =	vst v63  }
0x7b: {  	s4 =	sadd.s32 $0x1E, s26;
	s8 =	simm.s32 $0x1EC70  }
0x7c: {  	[tilespmem:s8], [sflag:$0x4] =	stream.linear.gather [hbm4b:s4+s2], $0x50, $0x38;
	[tilespmem:$0x1FC20] =	vst v63  }
0x7d: {  	s7 =	sadd.s32 $0x186BE, s26;
	s4 =	simm.s32 $0x1EE00  }
0x7e: {  	[tilespmem:s4], [sflag:$0x4] =	stream.linear.gather [hbm4b:s7+s2], $0x50, $0x38;
	[tilespmem:$0x1FC20] =	vst v63  }
0x7f: {  	_ =	swait.ge [sflag:s9], $0x1400  }
0x80: {  	[sflag:s9] =	ssyncset.done $0x0  }
0x81: {  	[sflag:s9] =	ssyncadd.s32 $0xFFFFEC00  }
0x82: {  	_ =	swait.ge [sflag:s9], $0x50  }
0x83: {  	[sflag:s9] =	ssyncset.done $0x0  }
0x84: {  	[sflag:s9] =	ssyncadd.s32 $0xFFFFFFB0  }
0x85: {  	_ =	swait.ge [sflag:s9], $0x50  }
0x86: {  	[sflag:s9] =	ssyncset.done $0x0  }
0x87: {  	[sflag:s9] =	ssyncadd.s32 $0xFFFFFFB0  }
0x88: {  	v3 =	vld [tilespmem:$0x1EBD0]  }
0x89: {  	v15 =	vld [tilespmem:$0x1EBE0]  }
0x8a: {  	v16 =	vld [tilespmem:$0x1EBF0]  }
0x8b: {  	v17 =	vld [tilespmem:$0x1EC00]  }
0x8c: {  	v19 =	vld [tilespmem:$0x1EC10]  }
0x8d: {  	v21 =	vld [tilespmem:$0x1ED60]  }
0x8e: {  	v23 =	vld [tilespmem:$0x1ED70]  }
0x8f: {  	v25 =	vld [tilespmem:$0x1ED80]  }
0x90: {  	v27 =	vld [tilespmem:$0x1ED90]  }
0x91: {  	v30 =	vld [tilespmem:$0x1EDA0];
	_ =	sdelay $0x1  }
0x92: {  	v3 =	vsub.s32 v3, v0  }
0x93: {  	v4 =	vsub.s32 v15, v0;
	v5 =	vsub.s32 v16, v0;
	v6 =	vsub.s32 v17, v0  }
0x94: {  	v8 =	vsub.s32 v19, v0;
	v9 =	vsub.s32 v21, v0;
	v29 =	vsub.s32 v23, v0  }
0x95: {  	v34 =	vsub.s32 v25, v0;
	v36 =	vsub.s32 v27, v0;
	v38 =	vsub.s32 v30, v0  }
0x96: {  	v18 =	vand.u32 $0x1F, v3;
	vm12 =	vlt.u32 v3, $0x61A8;
	v20 =	vand.u32 $0x1F, v4  }
0x97: {  	vm13 =	vlt.u32 v4, $0x61A8;
	v22 =	vand.u32 $0x1F, v5;
	vm14 =	vlt.u32 v5, $0x61A8  }
0x98: {  	v24 =	vand.u32 $0x1F, v6;
	vm15 =	vlt.u32 v6, $0x61A8;
	v26 =	vand.u32 $0x1F, v8  }
0x99: {  	vm4 =	vlt.u32 v8, $0x61A8;
	v28 =	vand.u32 $0x1F, v9;
	v7 =	vadd.s32 v18, v1  }
0x9a: {  	vm5 =	vlt.u32 v9, $0x61A8;
	v11 =	vadd.s32 v24, v1;
	v3 =	vsel vm12, v3, v7  }
0x9b: {  	v32 =	vand.u32 $0x1F, v29;
	v7 =	vadd.s32 v20, v1;
	v6 =	vsel vm15, v6, v11;
	[tilespmem:$0x1EBD0] =	vst v3  }
0x9c: {  	vm6 =	vlt.u32 v29, $0x61A8;
	v4 =	vsel vm13, v4, v7;
	v7 =	vadd.s32 v22, v1;
	[tilespmem:$0x1EC00] =	vst v6  }
0x9d: {  	v35 =	vand.u32 $0x1F, v34;
	v31 =	vadd.s32 v28, v1;
	v5 =	vsel vm14, v5, v7;
	[tilespmem:$0x1EBE0] =	vst v4  }
0x9e: {  	vm7 =	vlt.u32 v34, $0x61A8;
	v7 =	vadd.s32 v26, v1;
	v4 =	vsel vm5, v9, v31;
	[tilespmem:$0x1EBF0] =	vst v5  }
0x9f: {  	v37 =	vand.u32 $0x1F, v36;
	v33 =	vadd.s32 v32, v1;
	v3 =	vsel vm4, v8, v7;
	[tilespmem:$0x1ED60] =	vst v4  }
0xa0: {  	vm8 =	vlt.u32 v36, $0x61A8;
	v5 =	vsel vm6, v29, v33;
	[tilespmem:$0x1EC10] =	vst v3;
	v3 =	vadd.s32 v35, v1  }
0xa1: {  	v39 =	vand.u32 $0x1F, v38;
	v4 =	vadd.s32 v37, v1;
	[tilespmem:$0x1ED70] =	vst v5;
	v3 =	vsel vm7, v34, v3  }
0xa2: {  	vm9 =	vlt.u32 v38, $0x61A8;
	v40 =	vadd.s32 v39, v1;
	[tilespmem:$0x1ED80] =	vst v3;
	v3 =	vsel vm8, v36, v4  }
0xa3: {  	[tilespmem:$0x1ED90] =	vst v3;
	v3 =	vsel vm9, v38, v40  }
0xa4: {  	s20 =	simm.s32 $0x19B80;
	s7 =	simm.s32 $0x1EBD0;
	[tilespmem:$0x1EDA0] =	vst v3  }
0xa5: {  	[spmem:s1] =	stream.indirect.scatter.add.f32 [tilespmem:s20], [sflag:$0x7], $0x40, s7, s3, $0xb8;
	[tilespmem:$0x1FC20] =	vst v63  }
0xa6: {  	s7 =	simm.s32 $0x1ED60  }
0xa7: {  	[spmem:s1] =	stream.indirect.scatter.add.f32 [tilespmem:s20], [sflag:$0x7], $0x40, s7, s3, $0xb8;
	[tilespmem:$0x1FC20] =	vst v63  }
0xa8: {  	s20 =	simm.s32 @!p1 $0xA  }
0xa9: {  	_ =	swait.ge @!p1 [sflag:s20], $0x1400  }
0xaa: {  	[sflag:s20] =	ssyncset.done @!p1 $0x0  }
0xab: {  	[sflag:s20] =	ssyncadd.s32 @!p1 $0xFFFFEC00  }
0xac: {  	_ =	swait.ge @!p1 [sflag:s20], $0x1400  }
0xad: {  	[sflag:s20] =	ssyncset.done @!p1 $0x0  }
0xae: {  	s7 =	sadd.s32 $0xFFFFF600, s22;
	[sflag:s20] =	ssyncadd.s32 @!p1 $0xFFFFEC00  }
0xaf: {  	[tilespmem:s10], [sflag:$0x5] =	stream.strided.gather [hbm4b:s7+s29], $0x1400, s19, s29, $0x38;
	[tilespmem:$0x1FC20] =	vst v63  }
0xb0: {  	s19 =	sadd.s32 $0x28, s26;
	s29 =	simm.s32 $0x1ECC0  }
0xb1: {  	[tilespmem:s29], [sflag:$0x5] =	stream.linear.gather [hbm4b:s19+s2], $0x50, $0x38;
	[tilespmem:$0x1FC20] =	vst v63  }
0xb2: {  	s26 =	sadd.s32 $0x186C8, s26;
	s19 =	simm.s32 $0x1EE50  }
0xb3: {  	[tilespmem:s19], [sflag:$0x5] =	stream.linear.gather [hbm4b:s26+s2], $0x50, $0x38;
	[tilespmem:$0x1FC20] =	vst v63  }
0xb4: {  	_ =	swait.ge [sflag:s12], $0x1400  }
0xb5: {  	[sflag:s12] =	ssyncset.done $0x0  }
0xb6: {  	[sflag:s12] =	ssyncadd.s32 $0xFFFFEC00  }
0xb7: {  	_ =	swait.ge [sflag:s12], $0x50  }
0xb8: {  	[sflag:s12] =	ssyncset.done $0x0  }
0xb9: {  	[sflag:s12] =	ssyncadd.s32 $0xFFFFFFB0  }
0xba: {  	_ =	swait.ge [sflag:s12], $0x50  }
0xbb: {  	[sflag:s12] =	ssyncset.done $0x0  }
0xbc: {  	[sflag:s12] =	ssyncadd.s32 $0xFFFFFFB0  }
0xbd: {  	v3 =	vld [tilespmem:$0x1EC20]  }
0xbe: {  	v41 =	vld [tilespmem:$0x1EC30]  }
0xbf: {  	v42 =	vld [tilespmem:$0x1EC40]  }
0xc0: {  	v43 =	vld [tilespmem:$0x1EC50]  }
0xc1: {  	v45 =	vld [tilespmem:$0x1EC60]  }
0xc2: {  	v47 =	vld [tilespmem:$0x1EDB0]  }
0xc3: {  	v49 =	vld [tilespmem:$0x1EDC0]  }
0xc4: {  	v51 =	vld [tilespmem:$0x1EDD0]  }
0xc5: {  	v53 =	vld [tilespmem:$0x1EDE0];
	_ =	sdelay $0x1  }
0xc6: {  	v3 =	vsub.s32 v3, v0  }
0xc7: {  	v4 =	vsub.s32 v41, v0;
	v5 =	vsub.s32 v42, v0;
	v6 =	vsub.s32 v43, v0  }
0xc8: {  	v8 =	vsub.s32 v45, v0;
	v9 =	vsub.s32 v47, v0;
	v55 =	vsub.s32 v49, v0  }
0xc9: {  	v60 =	vsub.s32 v51, v0;
	v62 =	vsub.s32 v53, v0;
	v44 =	vand.u32 $0x1F, v3  }
0xca: {  	vm10 =	vlt.u32 v3, $0x61A8;
	v46 =	vand.u32 $0x1F, v4;
	vm11 =	vlt.u32 v4, $0x61A8  }
0xcb: {  	v48 =	vand.u32 $0x1F, v5;
	vm12 =	vlt.u32 v5, $0x61A8;
	v50 =	vand.u32 $0x1F, v6  }
0xcc: {  	vm13 =	vlt.u32 v6, $0x61A8;
	v52 =	vand.u32 $0x1F, v8;
	vm14 =	vlt.u32 v8, $0x61A8  }
0xcd: {  	v54 =	vand.u32 $0x1F, v9;
	vm15 =	vlt.u32 v9, $0x61A8;
	v7 =	vadd.s32 v44, v1  }
0xce: {  	v58 =	vand.u32 $0x1F, v55;
	v11 =	vadd.s32 v50, v1;
	v3 =	vsel vm10, v3, v7  }
0xcf: {  	v56 =	vld [tilespmem:$0x1EDF0];
	vm4 =	vlt.u32 v55, $0x61A8;
	v7 =	vadd.s32 v46, v1;
	v6 =	vsel vm13, v6, v11;
	[tilespmem:$0x1EC20] =	vst v3  }
0xd0: {  	v61 =	vand.u32 $0x1F, v60;
	v4 =	vsel vm11, v4, v7;
	v7 =	vadd.s32 v48, v1;
	[tilespmem:$0x1EC50] =	vst v6  }
0xd1: {  	vm5 =	vlt.u32 v60, $0x61A8;
	v57 =	vadd.s32 v54, v1;
	v5 =	vsel vm12, v5, v7;
	[tilespmem:$0x1EC30] =	vst v4  }
0xd2: {  	v63 =	vand.u32 $0x1F, v62;
	v7 =	vadd.s32 v52, v1;
	v4 =	vsel vm15, v9, v57;
	[tilespmem:$0x1EC40] =	vst v5  }
0xd3: {  	vm6 =	vlt.u32 v62, $0x61A8;
	v59 =	vadd.s32 v58, v1;
	v3 =	vsel vm14, v8, v7;
	[tilespmem:$0x1EDB0] =	vst v4  }
0xd4: {  	v9 =	vsub.s32 v56, v0;
	v5 =	vsel vm4, v55, v59;
	[tilespmem:$0x1EC60] =	vst v3;
	v3 =	vadd.s32 v61, v1  }
0xd5: {  	v4 =	vadd.s32 v63, v1;
	v10 =	vand.u32 $0x1F, v9;
	[tilespmem:$0x1EDC0] =	vst v5;
	v3 =	vsel vm5, v60, v3  }
0xd6: {  	vm7 =	vlt.u32 v9, $0x61A8;
	v11 =	vadd.s32 v10, v1;
	[tilespmem:$0x1EDD0] =	vst v3;
	v3 =	vsel vm6, v62, v4  }
0xd7: {  	[tilespmem:$0x1EDE0] =	vst v3;
	v3 =	vsel vm7, v9, v11  }
0xd8: {  	[tilespmem:$0x1EDF0] =	vst v3  }
0xd9: {  	[spmem:s1] =	stream.indirect.scatter.add.f32 [tilespmem:s18], [sflag:$0x8], $0x40, s11, s3, $0xb8;
	[tilespmem:$0x1FC20] =	vst v63  }
0xda: {  	s11 =	simm.s32 $0x1AF80  }
0xdb: {  	[spmem:s1] =	stream.indirect.scatter.add.f32 [tilespmem:s11], [sflag:$0x8], $0x40, s25, s3, $0xb8;
	[tilespmem:$0x1FC20] =	vst v63  }
0xdc: {  	_ =	swait.ge [sflag:s14], $0x1400  }
0xdd: {  	[sflag:s14] =	ssyncset.done $0x0  }
0xde: {  	[sflag:s14] =	ssyncadd.s32 $0xFFFFEC00  }
0xdf: {  	p1 =	seq.s32 s21, $0x1838;
	_ =	swait.ge [sflag:s14], $0x1400  }
0xe0: {  	s20 =	sadd.s32 @!p1 $0xFFFFFB00, s22;
	s30 =	simm.s32 @!p1 $0x80;
	[sflag:s14] =	ssyncset.done $0x0  }
0xe1: {  	s28 =	simm.s32 @!p1 $0x18780;
	s26 =	simm.s32 @!p1 $0x40;
	[sflag:s14] =	ssyncadd.s32 $0xFFFFEC00  }
0xe2: {  	[tilespmem:s28], [sflag:$0x1] =	stream.strided.gather @!p1 [hbm4b:s20+s26], $0x1400, s30, s26, $0x38;
	[tilespmem:$0x1FC20] =	vst v63  }
0xe3: {  	s28 =	sadd.s32 @!p1 s21, s15  }
0xe4: {  	s7 =	simm.s32 @!p1 $0x1EB80;
	s20 =	simm.s32 @!p1 $0x0;
	s31 =	sadd.s32 @!p1 $0x32, s28  }
0xe5: {  	[tilespmem:s7], [sflag:$0x1] =	stream.linear.gather @!p1 [hbm4b:s31+s20], $0x50, $0x38;
	[tilespmem:$0x1FC20] =	vst v63  }
0xe6: {  	s7 =	sadd.s32 @!p1 $0x186D2, s28;
	s31 =	simm.s32 @!p1 $0x1ED10  }
0xe7: {  	[tilespmem:s31], [sflag:$0x1] =	stream.linear.gather @!p1 [hbm4b:s7+s20], $0x50, $0x38;
	[tilespmem:$0x1FC20] =	vst v63  }
0xe8: {  	_ =	swait.ge [sflag:s23], $0x1400  }
0xe9: {  	[sflag:s23] =	ssyncset.done $0x0  }
0xea: {  	[sflag:s23] =	ssyncadd.s32 $0xFFFFEC00  }
0xeb: {  	_ =	swait.ge [sflag:s23], $0x50  }
0xec: {  	[sflag:s23] =	ssyncset.done $0x0  }
0xed: {  	[sflag:s23] =	ssyncadd.s32 $0xFFFFFFB0  }
0xee: {  	_ =	swait.ge [sflag:s23], $0x50  }
0xef: {  	[sflag:s23] =	ssyncset.done $0x0  }
0xf0: {  	[sflag:s23] =	ssyncadd.s32 $0xFFFFFFB0  }
0xf1: {  	v3 =	vld [tilespmem:$0x1EC70]  }
0xf2: {  	v12 =	vld [tilespmem:$0x1EC80]  }
0xf3: {  	v13 =	vld [tilespmem:$0x1EC90]  }
0xf4: {  	v14 =	vld [tilespmem:$0x1ECA0]  }
0xf5: {  	v16 =	vld [tilespmem:$0x1ECB0]  }
0xf6: {  	v18 =	vld [tilespmem:$0x1EE00]  }
0xf7: {  	v20 =	vld [tilespmem:$0x1EE10]  }
0xf8: {  	v22 =	vld [tilespmem:$0x1EE20]  }
0xf9: {  	v24 =	vld [tilespmem:$0x1EE30]  }
0xfa: {  	v27 =	vld [tilespmem:$0x1EE40];
	_ =	sdelay $0x1  }
0xfb: {  	v3 =	vsub.s32 v3, v0  }
0xfc: {  	v4 =	vsub.s32 v12, v0;
	v5 =	vsub.s32 v13, v0;
	v6 =	vsub.s32 v14, v0  }
0xfd: {  	v8 =	vsub.s32 v16, v0;
	v9 =	vsub.s32 v18, v0;
	v26 =	vsub.s32 v20, v0  }
0xfe: {  	v31 =	vsub.s32 v22, v0;
	v33 =	vsub.s32 v24, v0;
	v35 =	vsub.s32 v27, v0  }
0xff: {  	v15 =	vand.u32 $0x1F, v3;
	vm8 =	vlt.u32 v3, $0x61A8;
	v17 =	vand.u32 $0x1F, v4  }
0x100: {  	vm9 =	vlt.u32 v4, $0x61A8;
	v19 =	vand.u32 $0x1F, v5;
	vm10 =	vlt.u32 v5, $0x61A8  }
0x101: {  	v21 =	vand.u32 $0x1F, v6;
	vm11 =	vlt.u32 v6, $0x61A8;
	v23 =	vand.u32 $0x1F, v8  }
0x102: {  	vm12 =	vlt.u32 v8, $0x61A8;
	v25 =	vand.u32 $0x1F, v9;
	v7 =	vadd.s32 v15, v1  }
0x103: {  	vm13 =	vlt.u32 v9, $0x61A8;
	v11 =	vadd.s32 v21, v1;
	v3 =	vsel vm8, v3, v7  }
0x104: {  	v29 =	vand.u32 $0x1F, v26;
	v7 =	vadd.s32 v17, v1;
	v6 =	vsel vm11, v6, v11;
	[tilespmem:$0x1EC70] =	vst v3  }
0x105: {  	vm14 =	vlt.u32 v26, $0x61A8;
	v4 =	vsel vm9, v4, v7;
	v7 =	vadd.s32 v19, v1;
	[tilespmem:$0x1ECA0] =	vst v6  }
0x106: {  	v32 =	vand.u32 $0x1F, v31;
	v28 =	vadd.s32 v25, v1;
	v5 =	vsel vm10, v5, v7;
	[tilespmem:$0x1EC80] =	vst v4  }
0x107: {  	vm15 =	vlt.u32 v31, $0x61A8;
	v7 =	vadd.s32 v23, v1;
	v4 =	vsel vm13, v9, v28;
	[tilespmem:$0x1EC90] =	vst v5  }
0x108: {  	v34 =	vand.u32 $0x1F, v33;
	v30 =	vadd.s32 v29, v1;
	v3 =	vsel vm12, v8, v7;
	[tilespmem:$0x1EE00] =	vst v4  }
0x109: {  	vm4 =	vlt.u32 v33, $0x61A8;
	v5 =	vsel vm14, v26, v30;
	[tilespmem:$0x1ECB0] =	vst v3;
	v3 =	vadd.s32 v32, v1  }
0x10a: {  	v36 =	vand.u32 $0x1F, v35;
	v4 =	vadd.s32 v34, v1;
	[tilespmem:$0x1EE10] =	vst v5;
	v3 =	vsel vm15, v31, v3  }
0x10b: {  	vm5 =	vlt.u32 v35, $0x61A8;
	v37 =	vadd.s32 v36, v1;
	[tilespmem:$0x1EE20] =	vst v3;
	v3 =	vsel vm4, v33, v4  }
0x10c: {  	[tilespmem:$0x1EE30] =	vst v3;
	v3 =	vsel vm5, v35, v37  }
0x10d: {  	[tilespmem:$0x1EE40] =	vst v3  }
0x10e: {  	[spmem:s1] =	stream.indirect.scatter.add.f32 [tilespmem:s6], [sflag:$0x9], $0x40, s8, s3, $0xb8;
	[tilespmem:$0x1FC20] =	vst v63  }
0x10f: {  	_ = 	snop  }
0x110: {  	[spmem:s1] =	stream.indirect.scatter.add.f32 [tilespmem:s6], [sflag:$0x9], $0x40, s4, s3, $0xb8;
	[tilespmem:$0x1FC20] =	vst v63  }
0x111: {  	_ =	swait.ge [sflag:s24], $0x1400  }
0x112: {  	[sflag:s24] =	ssyncset.done $0x0  }
0x113: {  	[sflag:s24] =	ssyncadd.s32 $0xFFFFEC00  }
0x114: {  	_ =	swait.ge [sflag:s24], $0x1400  }
0x115: {  	[sflag:s24] =	ssyncset.done $0x0  }
0x116: {  	s7 =	simm.s32 @!p1 $0x19B80;
	[sflag:s24] =	ssyncadd.s32 $0xFFFFEC00  }
0x117: {  	[tilespmem:s7], [sflag:$0x2] =	stream.strided.gather @!p1 [hbm4b:s22+s26], $0x1400, s30, s26, $0x38;
	[tilespmem:$0x1FC20] =	vst v63  }
0x118: {  	s7 =	sadd.s32 @!p1 $0x3C, s28;
	s26 =	simm.s32 @!p1 $0x1EBD0  }
0x119: {  	[tilespmem:s26], [sflag:$0x2] =	stream.linear.gather @!p1 [hbm4b:s7+s20], $0x50, $0x38;
	[tilespmem:$0x1FC20] =	vst v63  }
0x11a: {  	s7 =	sadd.s32 @!p1 $0x186DC, s28;
	s26 =	simm.s32 @!p1 $0x1ED60  }
0x11b: {  	[tilespmem:s26], [sflag:$0x2] =	stream.linear.gather @!p1 [hbm4b:s7+s20], $0x50, $0x38;
	[tilespmem:$0x1FC20] =	vst v63  }
0x11c: {  	_ =	swait.ge [sflag:s5], $0x1400  }
0x11d: {  	[sflag:s5] =	ssyncset.done $0x0  }
0x11e: {  	[sflag:s5] =	ssyncadd.s32 $0xFFFFEC00  }
0x11f: {  	_ =	swait.ge [sflag:s5], $0x50  }
0x120: {  	[sflag:s5] =	ssyncset.done $0x0  }
0x121: {  	[sflag:s5] =	ssyncadd.s32 $0xFFFFFFB0  }
0x122: {  	_ =	swait.ge [sflag:s5], $0x50  }
0x123: {  	[sflag:s5] =	ssyncset.done $0x0  }
0x124: {  	[sflag:s5] =	ssyncadd.s32 $0xFFFFFFB0  }
0x125: {  	v3 =	vld [tilespmem:$0x1ECC0]  }
0x126: {  	v38 =	vld [tilespmem:$0x1ECD0]  }
0x127: {  	v39 =	vld [tilespmem:$0x1ECE0]  }
0x128: {  	v40 =	vld [tilespmem:$0x1ECF0]  }
0x129: {  	v42 =	vld [tilespmem:$0x1ED00]  }
0x12a: {  	v44 =	vld [tilespmem:$0x1EE50]  }
0x12b: {  	v46 =	vld [tilespmem:$0x1EE60]  }
0x12c: {  	v48 =	vld [tilespmem:$0x1EE70]  }
0x12d: {  	v50 =	vld [tilespmem:$0x1EE80]  }
0x12e: {  	v53 =	vld [tilespmem:$0x1EE90];
	_ =	sdelay $0x1  }
0x12f: {  	v3 =	vsub.s32 v3, v0  }
0x130: {  	v4 =	vsub.s32 v38, v0;
	v5 =	vsub.s32 v39, v0;
	v6 =	vsub.s32 v40, v0  }
0x131: {  	v8 =	vsub.s32 v42, v0;
	v9 =	vsub.s32 v44, v0;
	v52 =	vsub.s32 v46, v0  }
0x132: {  	v57 =	vsub.s32 v48, v0;
	v59 =	vsub.s32 v50, v0;
	v61 =	vsub.s32 v53, v0  }
0x133: {  	v41 =	vand.u32 $0x1F, v3;
	vm6 =	vlt.u32 v3, $0x61A8;
	v43 =	vand.u32 $0x1F, v4  }
0x134: {  	vm7 =	vlt.u32 v4, $0x61A8;
	v45 =	vand.u32 $0x1F, v5;
	vm8 =	vlt.u32 v5, $0x61A8  }
0x135: {  	v47 =	vand.u32 $0x1F, v6;
	vm9 =	vlt.u32 v6, $0x61A8;
	v49 =	vand.u32 $0x1F, v8  }
0x136: {  	vm10 =	vlt.u32 v8, $0x61A8;
	v51 =	vand.u32 $0x1F, v9;
	v7 =	vadd.s32 v41, v1  }
0x137: {  	vm11 =	vlt.u32 v9, $0x61A8;
	v11 =	vadd.s32 v47, v1;
	v3 =	vsel vm6, v3, v7  }
0x138: {  	v55 =	vand.u32 $0x1F, v52;
	v7 =	vadd.s32 v43, v1;
	v6 =	vsel vm9, v6, v11;
	[tilespmem:$0x1ECC0] =	vst v3  }
0x139: {  	vm12 =	vlt.u32 v52, $0x61A8;
	v4 =	vsel vm7, v4, v7;
	v7 =	vadd.s32 v45, v1;
	[tilespmem:$0x1ECF0] =	vst v6  }
0x13a: {  	v58 =	vand.u32 $0x1F, v57;
	v54 =	vadd.s32 v51, v1;
	v5 =	vsel vm8, v5, v7;
	[tilespmem:$0x1ECD0] =	vst v4  }
0x13b: {  	vm13 =	vlt.u32 v57, $0x61A8;
	v7 =	vadd.s32 v49, v1;
	v4 =	vsel vm11, v9, v54;
	[tilespmem:$0x1ECE0] =	vst v5  }
0x13c: {  	v60 =	vand.u32 $0x1F, v59;
	v56 =	vadd.s32 v55, v1;
	v3 =	vsel vm10, v8, v7;
	[tilespmem:$0x1EE50] =	vst v4  }
0x13d: {  	vm14 =	vlt.u32 v59, $0x61A8;
	v5 =	vsel vm12, v52, v56;
	[tilespmem:$0x1ED00] =	vst v3;
	v3 =	vadd.s32 v58, v1  }
0x13e: {  	v62 =	vand.u32 $0x1F, v61;
	v4 =	vadd.s32 v60, v1;
	[tilespmem:$0x1EE60] =	vst v5;
	v3 =	vsel vm13, v57, v3  }
0x13f: {  	s21 =	sadd.s32 $0x32, s21;
	vm15 =	vlt.u32 v61, $0x61A8;
	v63 =	vadd.s32 v62, v1;
	[tilespmem:$0x1EE70] =	vst v3;
	v3 =	vsel vm14, v59, v4  }
0x140: {  	p1 =	sne.s32 s21, $0x186A;
	[tilespmem:$0x1EE80] =	vst v3;
	v3 =	vsel vm15, v61, v63  }
.Ltmp2:
0x141: {  	[tilespmem:$0x1EE90] =	vst v3;
	(pc) =	sbr.rel @p1 .LBB2_6-.Ltmp2, $4  }
0x142: {  	[spmem:s1] =	stream.indirect.scatter.add.f32 [tilespmem:s10], [sflag:$0xA], $0x40, s29, s3, $0xb8;
	[tilespmem:$0x1FC20] =	vst v63  }
0x143: {  	s31 =	simm.s32 $0x1ED10;
	s30 =	simm.s32 $0x1EB80;
	s22 =	sadd.s32 $0x1900, s22  }
0x144: {  	[spmem:s1] =	stream.indirect.scatter.add.f32 [tilespmem:s10], [sflag:$0xA], $0x40, s19, s3, $0xb8;
	[tilespmem:$0x1FC20] =	vst v63  }
0x145: {  	s28 =	simm.s32 $0x18780;
	s29 =	simm.s32 $0x40;
	s19 =	simm.s32 $0x80  }
0x146: {  	s4 =	simm.s32 $0x8  }
0x147: {  	_ =	swait.ge [sflag:s4], $0x1400  }
0x148: {  	[sflag:s4] =	ssyncset.done $0x0  }
0x149: {  	[sflag:s4] =	ssyncadd.s32 $0xFFFFEC00  }
0x14a: {  	_ =	swait.ge [sflag:s4], $0x1400  }
0x14b: {  	[sflag:s4] =	ssyncset.done $0x0  }
0x14c: {  	s20 =	simm.s32 $0x9;
	[sflag:s4] =	ssyncadd.s32 $0xFFFFEC00  }
0x14d: {  	_ =	swait.ge [sflag:s20], $0x1400  }
0x14e: {  	[sflag:s20] =	ssyncset.done $0x0  }
0x14f: {  	[sflag:s20] =	ssyncadd.s32 $0xFFFFEC00  }
0x150: {  	_ =	swait.ge [sflag:s20], $0x1400  }
0x151: {  	[sflag:s20] =	ssyncset.done $0x0  }
0x152: {  	s21 =	simm.s32 $0xA;
	[sflag:s20] =	ssyncadd.s32 $0xFFFFEC00  }
0x153: {  	_ =	swait.ge [sflag:s21], $0x1400  }
0x154: {  	[sflag:s21] =	ssyncset.done $0x0  }
0x155: {  	[sflag:s21] =	ssyncadd.s32 $0xFFFFEC00  }
0x156: {  	_ =	swait.ge [sflag:s21], $0x1400  }
0x157: {  	[sflag:s21] =	ssyncset.done $0x0  }
0x158: {  	[sflag:s21] =	ssyncadd.s32 $0xFFFFEC00  }
0x159: {  	s7 =	stileid.u32;
	[bflag:$0x0] =	sbarrier.arrive $0xFFFF  }
0x15a: {  	s7 =	sshll.u32 s7, $0x6;
	s20 =	rddreg [dreg:$0xa]  }
0x15b: {  	s7 =	sor.u32 $0x1C0B, s7;
	s21 =	rddreg [dreg:$0xe]  }
0x15c: {  	[hbm:s20], [sflag:s7] =	dma.local [spmem:s21], $0x30C0  }
0x15d: {  	_ =	swait.ge [sflag:s17], $0x30C0  }
0x15e: {  	[sflag:s17] =	ssyncset.done $0x0;
	s20 =	rddreg [dreg:$0xb]  }
0x15f: {  	s21 =	rddreg [dreg:$0xf];
	[sflag:s17] =	ssyncadd.s32 $0xFFFFCF40  }
0x160: {  	[hbm:s20], [sflag:s7] =	dma.local @!p0 [spmem:s21], $0x140  }
0x161: {  	s7 =	simm.s32 @!p0 $0xB  }
0x162: {  	_ =	swait.ge @!p0 [sflag:s7], $0x140  }
0x163: {  	s22 =	rddreg [dreg:$0x10]  }
0x164: {  	s26 =	rddreg [dreg:$0xc];
	s4 =	sadd.s32 $0x1, s22  }
0x165: {  	p1 =	sne.s32 s4, s26  }
.Ltmp3:
0x166: {  	_ = 	snop;
	(pc) =	sbr.rel @p1 .LBB2_1-.Ltmp3, $3  }
0x167: {  	_ =	sdelay $0x1  }
0x168: {  	s8 =	simm.s32 $0x19B80;
	[sflag:s7] =	ssyncset.done @!p0 $0x0  }
0x169: {  	[sflag:s7] =	ssyncadd.s32 @!p0 $0xFFFFFEC0;
	s22 =	simm.s32 $0x1EBD0;
	s26 =	simm.s32 $0x1ED60  }
0x16a: {  	_ =	sfence.sel $0x180000  }
0x16b: {  	[bflag:$0x0] =	sbarrier.arrive $0xFFFF  }
0x16c: {  	_ =	strace $0x90000047  }
0x16d: {  	[bflag:$0x2] =	sbarrier.arrive $0xFFFF  }
0x16e: {  	s0 =	rddreg [dreg:$0x3]  }
0x16f: {  	s0 =	sadd.s32 @!p0 $0x100000, s0  }
0x170: {  	[sflag:s0] =	ssyncadd.tile.s32 @!p0 $0x1;
	_ =	shalt  }
.Lfunc_end2:
_tile_overlayer_lowered:
.L_overlay_start_2:
0x171: {  	(tag) =	ssettag $0x2  }
0x172: {  	s0 =	rddreg [dreg:$0x0];
	s2 =	stileid.u32  }
0x173: {  	s1 =	rddreg [dreg:$0x1];
	p0 =	sne.s32 s2, $0x0  }
0x174: {  	s3 =	rddreg [dreg:$0x2];
	[bflag:$0x3] =	sbarrier.arrive $0xFFFF;
	s2 =	simm.s32 @!p0 $0x1C0B  }
0x175: {  	[timem:s3], [sflag:s2] =	dma.local @!p0 [hbm:s0], s1  }
0x176: {  	s0 =	simm.s32 @!p0 $0xB  }
0x177: {  	_ =	swait.ge @!p0 [sflag:s0], s1  }
0x178: {  	s1 =	ssub.s32 @!p0 $0x0, s1;
	[sflag:s0] =	ssyncset.done @!p0 $0x0  }
0x179: {  	[sflag:s0] =	ssyncadd.s32 @!p0 s1  }
0x17a: {  	[bflag:$0x3] =	sbarrier.arrive $0xFFFF  }
0x17b: {  	_ =	shalt  }

</sc_bundles>
